<compile_context>
chip_gen: v7x
topology: tpu7x:2x2x1
jax: 0.10.2.dev20260603
libtpu: 0.0.44.dev20260713+nightly
codegen_flags: <defaults>
</compile_context>

<pallas_src>
import functools

import jax
import jax.numpy as jnp
from jax import lax
from jax.experimental import pallas as pl
from jax.experimental.pallas import tpu as pltpu
from jax.experimental.pallas import tpu_sc as plsc

DIM = 1024
SEQ = 4096
LH, LDH, LW = 8, 64, 128
HH, HDH = 16, 64
NQ = 1024
NKV = 1024
N_ITERS = 50
EFF_K = 1152.0
BLK = 512
NBLK = SEQ // BLK
F32MIN = -jnp.finfo(jnp.float32).max
_PREC = lax.Precision.DEFAULT



def _route_body(s_ref, sel_ref):
    s = s_ref[...]
    logk = jnp.log(jnp.float32(EFF_K))
    max_s = jnp.max(s, axis=-1, keepdims=True)

    def it(_, ab):
        a, bb = ab
        sb = s + bb
        m = jnp.minimum(max_s, -a)
        lse = m + jnp.log(jnp.sum(jnp.exp(sb - m), axis=-1, keepdims=True))
        a = logk - lse
        bb = -jnp.maximum(s + a, 0.0)
        return (a, bb)

    a0 = jnp.zeros((4, 1), jnp.float32)
    a, bb = lax.fori_loop(0, N_ITERS, it, (a0, -s))
    score = jnp.exp(s + a + bb)
    sat = score >= 1.0
    iota = lax.broadcasted_iota(jnp.int32, (4, SEQ), 1)

    def bs(_, lohi):
        lo, hi = lohi
        mid = (lo + hi) // 2
        cnt = jnp.sum(jnp.where(sat & (iota < mid), 1, 0), axis=-1,
                      keepdims=True)
        take_hi = cnt < NQ
        return (jnp.where(take_hi, mid, lo), jnp.where(take_hi, hi, mid))

    lo0 = jnp.zeros((4, 1), jnp.int32)
    hi0 = jnp.full((4, 1), SEQ, jnp.int32)
    _, hi = lax.fori_loop(0, 12, bs, (lo0, hi0))
    sel = sat & (iota < hi)
    sel_ref[...] = sel.astype(jnp.float32)


def _route(s4):
    return pl.pallas_call(
        _route_body,
        grid=(1,),
        in_specs=[pl.BlockSpec((4, SEQ), lambda i: (0, 0))],
        out_specs=pl.BlockSpec((4, SEQ), lambda i: (0, 0)),
        out_shape=jax.ShapeDtypeStruct((4, SEQ), jnp.float32),
    )(s4)



def _compact_body(sel_ref, idx_ref):
    sel = sel_ref[0]
    c = sel
    for sh in (1, 2, 4, 8, 16, 32, 64, 128, 256, 512, 1024, 2048):
        c = c + jnp.pad(c, ((0, 0), (sh, 0)))[:, :SEQ]
    jota = lax.broadcasted_iota(jnp.int32, (NQ, 1), 0).astype(jnp.float32)
    ct = (c <= jota).astype(jnp.float32)
    idxf = jnp.sum(ct, axis=1, keepdims=True)
    off = (pl.program_id(0) % 2) * SEQ
    idx_ref[0] = (idxf.astype(jnp.int32) + off)


def _compact(sel4):
    return pl.pallas_call(
        _compact_body,
        grid=(4,),
        in_specs=[pl.BlockSpec((1, 1, SEQ), lambda r: (r, 0, 0))],
        out_specs=pl.BlockSpec((1, NQ, 1), lambda r: (r, 0, 0)),
        out_shape=jax.ShapeDtypeStruct((4, NQ, 1), jnp.int32),
    )(sel4)



def _bf(x):
    return x.astype(jnp.bfloat16)


def _dot_t(a, b):
    return lax.dot_general(_bf(a), _bf(b), (((1,), (1,)), ((), ())),
                           preferred_element_type=jnp.float32)


def _dot(a, b):
    return lax.dot_general(_bf(a), _bf(b), (((1,), (0,)), ((), ())),
                           preferred_element_type=jnp.float32)


def _qkv_body(x_ref, g_ref, b_ref, w_ref, rt_ref, o_ref, s_ref):
    x = x_ref[0]
    mu = jnp.mean(x, axis=-1, keepdims=True)
    var = jnp.mean((x - mu) ** 2, axis=-1, keepdims=True)
    xl = (x - mu) / jnp.sqrt(var + 1e-5) * g_ref[...] + b_ref[...]
    o_ref[0] = _bf(_dot_t(xl, w_ref[...]))
    s2 = lax.dot_general(rt_ref[...], x, (((1,), (1,)), ((), ())),
                         precision=_PREC)
    s_ref[...] = s2.reshape(2, 1, 1, BLK)


def _qkv(x, ln_g, ln_b, Wqkv, rt):
    b = x.shape[0]
    return pl.pallas_call(
        _qkv_body,
        grid=(b, NBLK),
        in_specs=[
            pl.BlockSpec((1, BLK, DIM), lambda i, j: (i, j, 0)),
            pl.BlockSpec((1, DIM), lambda i, j: (0, 0)),
            pl.BlockSpec((1, DIM), lambda i, j: (0, 0)),
            pl.BlockSpec((3 * LH * LDH, DIM), lambda i, j: (0, 0)),
            pl.BlockSpec((2, DIM), lambda i, j: (0, 0)),
        ],
        out_specs=[
            pl.BlockSpec((1, BLK, 3 * LH * LDH), lambda i, j: (i, j, 0)),
            pl.BlockSpec((2, 1, 1, BLK), lambda i, j: (0, i, 0, j)),
        ],
        out_shape=[
            jax.ShapeDtypeStruct((b, SEQ, 3 * LH * LDH), jnp.bfloat16),
            jax.ShapeDtypeStruct((2, b, 1, SEQ), jnp.float32),
        ],
    )(x, ln_g.reshape(1, DIM), ln_b.reshape(1, DIM), Wqkv, rt)



LBLK = 1024
NLBLK = SEQ // LBLK


def _local_body(c_ref, p_ref, n_ref, w_ref, o_ref):
    qkv_c = c_ref[0]
    kd = LH * LDH
    kc = jnp.concatenate([p_ref[0][LBLK - LW:, kd:2 * kd],
                          qkv_c[:, kd:2 * kd],
                          n_ref[0][:LW, kd:2 * kd]], axis=0)
    vc = jnp.concatenate([p_ref[0][LBLK - LW:, 2 * kd:],
                          qkv_c[:, 2 * kd:],
                          n_ref[0][:LW, 2 * kd:]], axis=0)
    scale = jnp.float32(LDH ** -0.5)
    q = _bf(qkv_c[:, :kd].astype(jnp.float32) * scale)
    i_blk = pl.program_id(1)
    outs = []
    for w in range(LBLK // LW):
        qw = q[w * LW:(w + 1) * LW]
        kw = kc[w * LW:w * LW + 3 * LW]
        vw = vc[w * LW:w * LW + 3 * LW]
        jpos = (i_blk * LBLK + (w - 1) * LW
                + lax.broadcasted_iota(jnp.int32, (1, 3 * LW), 1))
        maskj = (jpos < 0) | (jpos >= SEQ)
        heads = []
        for h in range(LH):
            cs = slice(h * LDH, (h + 1) * LDH)
            simh = _dot_t(qw[:, cs], kw[:, cs])
            simh = jnp.where(maskj, F32MIN, simh)
            p = jnp.exp(simh)
            den = jnp.sum(p, axis=-1, keepdims=True)
            heads.append(_dot(p, vw[:, cs]) / den)
        outs.append(jnp.concatenate(heads, axis=1))
    o = jnp.concatenate(outs, axis=0)
    o_ref[0] = _bf(_dot_t(o, w_ref[...]))


def _local(qkv, Wout_l):
    b = qkv.shape[0]
    kd3 = 3 * LH * LDH
    return pl.pallas_call(
        _local_body,
        grid=(b, NLBLK),
        in_specs=[
            pl.BlockSpec((1, LBLK, kd3), lambda i, j: (i, j, 0)),
            pl.BlockSpec((1, LBLK, kd3),
                         lambda i, j: (i, jnp.maximum(j - 1, 0), 0)),
            pl.BlockSpec((1, LBLK, kd3),
                         lambda i, j: (i, jnp.minimum(j + 1, NLBLK - 1), 0)),
            pl.BlockSpec((DIM, LH * LDH), lambda i, j: (0, 0)),
        ],
        out_specs=pl.BlockSpec((1, LBLK, DIM), lambda i, j: (i, j, 0)),
        out_shape=jax.ShapeDtypeStruct((b, SEQ, DIM), jnp.bfloat16),
    )(qkv, qkv, qkv, Wout_l)



def _rms(x, g):
    norm = jnp.maximum(jnp.sqrt(jnp.sum(x * x, axis=-1, keepdims=True)), 1e-12)
    return x / norm * (DIM ** 0.5) * g


def _kvproj_body(kv_ref, g_ref, w_ref, o_ref):
    ctx = _rms(kv_ref[0], g_ref[...])
    o_ref[0] = _bf(_dot_t(ctx, w_ref[...]))


def _kvproj(rtkv, rms_gamma, Wkv):
    b = rtkv.shape[0]
    return pl.pallas_call(
        _kvproj_body,
        grid=(b,),
        in_specs=[
            pl.BlockSpec((1, NKV, DIM), lambda i: (i, 0, 0)),
            pl.BlockSpec((1, DIM), lambda i: (0, 0)),
            pl.BlockSpec((2 * HH * HDH, DIM), lambda i: (0, 0)),
        ],
        out_specs=pl.BlockSpec((1, NKV, 2 * HH * HDH), lambda i: (i, 0, 0)),
        out_shape=jax.ShapeDtypeStruct((b, NKV, 2 * HH * HDH), jnp.bfloat16),
    )(rtkv, rms_gamma.reshape(1, DIM), Wkv)


def _qproj_body(q_ref, g_ref, w_ref, o_ref):
    xq = _rms(q_ref[0], g_ref[...])
    o_ref[0] = _bf(_dot_t(xq, w_ref[...]))


def _qproj(rtq, rms_gamma, Wq):
    b = rtq.shape[0]
    return pl.pallas_call(
        _qproj_body,
        grid=(b,),
        in_specs=[
            pl.BlockSpec((1, NQ, DIM), lambda i: (i, 0, 0)),
            pl.BlockSpec((1, DIM), lambda i: (0, 0)),
            pl.BlockSpec((HH * HDH, DIM), lambda i: (0, 0)),
        ],
        out_specs=pl.BlockSpec((1, NQ, HH * HDH), lambda i: (i, 0, 0)),
        out_shape=jax.ShapeDtypeStruct((b, NQ, HH * HDH), jnp.bfloat16),
    )(rtq, rms_gamma.reshape(1, DIM), Wq)


def _head_body(q_ref, kv_ref, nk_ref, nv_ref, w_ref, o_ref):
    scale = HDH ** -0.5
    outs = []
    for t in range(2):
        qh = q_ref[0][:, t * HDH:(t + 1) * HDH]
        kh = kv_ref[0][:, t * 2 * HDH:t * 2 * HDH + HDH]
        vh = kv_ref[0][:, t * 2 * HDH + HDH:(t + 1) * 2 * HDH]
        qf = qh.astype(jnp.float32)
        sim = _dot_t(_bf(qf * scale), kh)
        snull = jnp.sum(qf * nk_ref[0][t:t + 1], axis=-1,
                        keepdims=True) * scale
        p = jnp.exp(sim)
        pn = jnp.exp(snull)
        den = jnp.sum(p, axis=-1, keepdims=True) + pn
        outs.append((_dot(p, vh) + pn * nv_ref[0][t:t + 1]) / den)
    oh2 = jnp.concatenate(outs, axis=1)
    part = _dot_t(oh2, w_ref[...])
    h = pl.program_id(1)

    @pl.when(h == 0)
    def _():
        o_ref[0] = part

    @pl.when(h != 0)
    def _():
        o_ref[0] = o_ref[0] + part


def _heads(hq, hkv, null_kv, Wout_h):
    b = hq.shape[0]
    nk3 = null_kv[0].reshape(HH // 2, 2, HDH)
    nv3 = null_kv[1].reshape(HH // 2, 2, HDH)
    return pl.pallas_call(
        _head_body,
        grid=(b, HH // 2),
        in_specs=[
            pl.BlockSpec((1, NQ, 2 * HDH), lambda i, h: (i, 0, h)),
            pl.BlockSpec((1, NKV, 4 * HDH), lambda i, h: (i, 0, h)),
            pl.BlockSpec((1, 2, HDH), lambda i, h: (h, 0, 0)),
            pl.BlockSpec((1, 2, HDH), lambda i, h: (h, 0, 0)),
            pl.BlockSpec((DIM, 2 * HDH), lambda i, h: (0, h)),
        ],
        out_specs=pl.BlockSpec((1, NQ, DIM), lambda i, h: (i, 0, 0)),
        out_shape=jax.ShapeDtypeStruct((b, NQ, DIM), jnp.float32),
    )(hq, hkv, nk3, nv3, Wout_h)


def _hattn(rtq, hkv, rms_gamma, null_kv, Wq, Wout_h):
    hq = _qproj(rtq, rms_gamma, Wq)
    return _heads(hq, hkv, null_kv, Wout_h)



_SC_NW = 32
_GCH = 64


def _sc_gather(xf, idxf):
    nrows = idxf.shape[0]
    per_w = nrows // _SC_NW
    mesh = plsc.VectorSubcoreMesh(core_axis_name="c", subcore_axis_name="s")

    @functools.partial(
        pl.kernel, mesh=mesh,
        out_type=jax.ShapeDtypeStruct((nrows, DIM), jnp.float32),
        scratch_types=[
            pltpu.VMEM((_GCH,), jnp.int32),
            pltpu.VMEM((_GCH, DIM), jnp.float32),
            pltpu.SemaphoreType.DMA,
        ],
    )
    def k(x_hbm, idx_hbm, out_hbm, idx_v, rows_v, sem):
        wid = lax.axis_index("s") * 2 + lax.axis_index("c")
        base = wid * per_w
        for c in range(per_w // _GCH):
            off = base + c * _GCH
            pltpu.sync_copy(idx_hbm.at[pl.ds(off, _GCH)], idx_v)
            pltpu.async_copy(x_hbm.at[idx_v], rows_v, sem).wait()
            pltpu.sync_copy(rows_v, out_hbm.at[pl.ds(off, _GCH)])

    return k(xf, idxf)


def _sc_scatter(rows, idxf):
    nrows = rows.shape[0]
    per_w = nrows // _SC_NW
    mesh = plsc.VectorSubcoreMesh(core_axis_name="c", subcore_axis_name="s")

    @functools.partial(
        pl.kernel, mesh=mesh,
        out_type=jax.ShapeDtypeStruct((2 * SEQ, DIM), jnp.float32),
        scratch_types=[
            pltpu.VMEM((per_w,), jnp.int32),
            pltpu.VMEM((per_w, DIM), jnp.float32),
            pltpu.SemaphoreType.DMA,
        ],
    )
    def k(rows_hbm, idx_hbm, out_hbm, idx_v, rows_v, sem):
        wid = lax.axis_index("s") * 2 + lax.axis_index("c")
        base = wid * per_w
        pltpu.sync_copy(idx_hbm.at[pl.ds(base, per_w)], idx_v)
        pltpu.sync_copy(rows_hbm.at[pl.ds(base, per_w)], rows_v)
        pltpu.async_copy(rows_v, out_hbm.at[idx_v], sem).wait()

    return k(rows, idxf)



def _combine_body(l_ref, d_ref, s_ref, n_ref, o_ref):
    m = s_ref[0] > 0.0
    o_ref[0] = l_ref[0].astype(jnp.float32) + jnp.where(m, d_ref[0], n_ref[...])


def _combine(light, dense, selq, null_q):
    b = light.shape[0]
    return pl.pallas_call(
        _combine_body,
        grid=(b, NBLK),
        in_specs=[
            pl.BlockSpec((1, BLK, DIM), lambda i, j: (i, j, 0)),
            pl.BlockSpec((1, BLK, DIM), lambda i, j: (i, j, 0)),
            pl.BlockSpec((1, BLK, 1), lambda i, j: (i, j, 0)),
            pl.BlockSpec((1, DIM), lambda i, j: (0, 0)),
        ],
        out_specs=pl.BlockSpec((1, BLK, DIM), lambda i, j: (i, j, 0)),
        out_shape=jax.ShapeDtypeStruct((b, SEQ, DIM), jnp.float32),
    )(light, dense, selq, null_q.reshape(1, DIM))



def kernel(x, q_routing_token, kv_routing_token, ln_g, ln_b, Wqkv, Wout_l,
           null_q_token, rms_gamma, null_kv, Wq, Wkv, Wout_h):
    b = x.shape[0]
    rt = jnp.concatenate([q_routing_token, kv_routing_token], axis=0)
    qkv, s = _qkv(x, ln_g, ln_b, Wqkv, rt)

    s4 = s.reshape(2 * b, SEQ)
    sel = _route(s4)
    idx = _compact(sel.reshape(2 * b, 1, SEQ)).reshape(2 * b * NQ)

    light = _local(qkv, Wout_l)

    rows = _sc_gather(x.reshape(b * SEQ, DIM), idx)
    rtq = rows[:b * NQ].reshape(b, NQ, DIM)
    rtkv = rows[b * NQ:].reshape(b, NKV, DIM)

    hkv = _kvproj(rtkv, rms_gamma, Wkv)
    routed = _hattn(rtq, hkv, rms_gamma, null_kv, Wq, Wout_h)

    dense = _sc_scatter(routed.reshape(b * NQ, DIM), idx[:b * NQ])
    return _combine(light, dense.reshape(b, SEQ, DIM),
                    sel[:b].reshape(b, SEQ, 1), null_q_token)

# --- scband reference (transcript-rebuilt; emitter-appended) ---
"""Pipeline reference for scband-conditional-routed-attention-46574625358487 (READ-ONLY COPY).

The authoritative reference and input builder live on the scoring server;
editing this copy changes nothing except your own understanding.
"""

import jax, jax.numpy as jnp
import numpy as np

DIM = 1024; SEQ = 4096; BATCH = 2
LH, LDH, LW = 8, 64, 128
HH, HDH = 16, 64
NQ = 1024; NKV = 1024
N_ITERS = 50; EPS = 1.0; FETCH_K_RATIO = 9.0 / 8.0


def rms_norm(x, gamma):
    norm = jnp.maximum(jnp.linalg.norm(x, axis=-1, keepdims=True), 1e-12)
    return x / norm * (x.shape[-1] ** 0.5) * gamma


def layer_norm(x, g, b):
    mu = jnp.mean(x, axis=-1, keepdims=True)
    var = jnp.mean((x - mu) ** 2, axis=-1, keepdims=True)
    return (x - mu) / jnp.sqrt(var + 1e-5) * g + b


def look_around(x, backward, forward, pad_value):
    t = x.shape[1]
    pw = [(0, 0)] * x.ndim
    pw[1] = (backward, forward)
    p = jnp.pad(x, pw, constant_values=pad_value)
    return jnp.concatenate([p[:, i:i + t] for i in range(backward + forward + 1)], axis=2)


def local_attention(q, k, v, w):
    b, h, n, d = q.shape
    nw = n // w
    q2 = q.reshape(b * h, nw, w, d)
    k2 = k.reshape(b * h, nw, w, d)
    v2 = v.reshape(b * h, nw, w, d)
    seq = jnp.arange(n).reshape(1, nw, w)
    bq_k = look_around(seq, 1, 1, -1)
    bk = look_around(k2, 1, 1, 0.0)
    bv = look_around(v2, 1, 1, 0.0)
    sim = jnp.einsum('bwid,bwjd->bwij', q2, bk) * (d ** -0.5)
    pad_mask = (bq_k == -1)[:, :, None, :]
    sim = jnp.where(pad_mask, -jnp.finfo(sim.dtype).max, sim)
    attn = jax.nn.softmax(sim, axis=-1)
    out = jnp.einsum('bwij,bwjd->bwid', attn, bv)
    return out.reshape(b, h, n, d)


def coor_descent(s, n_iters, k, eps):
    logk = jnp.log(jnp.asarray(k, dtype=s.dtype))
    b = -s
    a = jnp.zeros_like(s[..., :1])
    for _ in range(n_iters):
        sb = (s + b) / eps
        a = eps * (logk - jax.nn.logsumexp(sb, axis=-1, keepdims=True))
        b = -jax.nn.relu(s + a)
    return jnp.exp((s + a + b) / eps)


def route(x, routing_token, num_tokens):
    s = jnp.einsum('bnd,rd->brn', x, routing_token)[:, 0]
    n = s.shape[-1]
    eff_k = min(num_tokens * FETCH_K_RATIO, float(n))
    scores = coor_descent(s, N_ITERS, eff_k, EPS)
    ss, si = jax.lax.top_k(scores, num_tokens)
    ss = ss + jax.lax.stop_gradient(1.0 - ss)
    return ss, si


def forward(x, q_routing_token, kv_routing_token, ln_g, ln_b, Wqkv, Wout_l, null_q_token, rms_gamma, null_kv, Wq, Wkv, Wout_h):
    b, n, d = x.shape
    # light local attention (LocalMHA, prenorm, non-causal, look_backward=look_forward=1)
    xl = layer_norm(x, ln_g, ln_b)
    qkv = xl @ Wqkv.T
    q, k, v = jnp.split(qkv, 3, axis=-1)
    q = q.reshape(b, n, LH, LDH).transpose(0, 2, 1, 3)
    k = k.reshape(b, n, LH, LDH).transpose(0, 2, 1, 3)
    v = v.reshape(b, n, LH, LDH).transpose(0, 2, 1, 3)
    lo = local_attention(q, k, v, LW)
    light_out = lo.transpose(0, 2, 1, 3).reshape(b, n, LH * LDH) @ Wout_l.T
    # coordinate-descent routing for heavy branch
    nsq, idx_q = route(x, q_routing_token, NQ)
    nskv, idx_kv = route(x, kv_routing_token, NKV)
    br = jnp.arange(b)[:, None]
    rtq = x[br, idx_q]
    rtkv = x[br, idx_kv]
    # heavy attention
    xq = rms_norm(rtq, rms_gamma)
    ctx = rms_norm(rtkv, rms_gamma)
    hq = (xq @ Wq.T).reshape(b, NQ, HH, HDH).transpose(0, 2, 1, 3)
    hkv = (ctx @ Wkv.T).reshape(b, NKV, HH, 2 * HDH)
    hk = hkv[..., :HDH].transpose(0, 2, 1, 3)
    hv = hkv[..., HDH:].transpose(0, 2, 1, 3)
    hv = hv * nskv[:, None, :, None]
    nk = jnp.broadcast_to(null_kv[0][None, :, None, :], (b, HH, 1, HDH))
    nv = jnp.broadcast_to(null_kv[1][None, :, None, :], (b, HH, 1, HDH))
    hk = jnp.concatenate([nk, hk], axis=2)
    hv = jnp.concatenate([nv, hv], axis=2)
    sim = jnp.einsum('bhid,bhjd->bhij', hq, hk) * (HDH ** -0.5)
    attn = jax.nn.softmax(sim, axis=-1)
    ho = jnp.einsum('bhij,bhjd->bhid', attn, hv)
    routed_out = ho.transpose(0, 2, 1, 3).reshape(b, NQ, HH * HDH) @ Wout_h.T
    routed_out = routed_out * nsq[..., None]
    out = jnp.broadcast_to(null_q_token[None, None, :], x.shape)
    out = out.at[br, idx_q].set(routed_out)
    return light_out + out


def setup_inputs(seed: int = 0):
    key = jax.random.key(seed)
    ks = jax.random.split(key, 12)
    inp = {}
    inp['x'] = jax.random.normal(ks[0], (BATCH, SEQ, DIM), dtype=jnp.float32)
    inp['q_routing_token'] = jax.random.normal(ks[1], (1, DIM), dtype=jnp.float32)
    inp['kv_routing_token'] = jax.random.normal(ks[2], (1, DIM), dtype=jnp.float32)
    inp['ln_g'] = jnp.ones((DIM,), dtype=jnp.float32)
    inp['ln_b'] = jnp.zeros((DIM,), dtype=jnp.float32)
    inp['Wqkv'] = jax.random.normal(ks[3], (3 * LH * LDH, DIM), dtype=jnp.float32) * 0.02
    inp['Wout_l'] = jax.random.normal(ks[4], (DIM, LH * LDH), dtype=jnp.float32) * 0.02
    inp['null_q_token'] = jax.random.normal(ks[5], (DIM,), dtype=jnp.float32)
    inp['rms_gamma'] = jnp.ones((DIM,), dtype=jnp.float32)
    inp['null_kv'] = jax.random.normal(ks[6], (2, HH, HDH), dtype=jnp.float32)
    inp['Wq'] = jax.random.normal(ks[7], (HH * HDH, DIM), dtype=jnp.float32) * 0.02
    inp['Wkv'] = jax.random.normal(ks[8], (2 * HH * HDH, DIM), dtype=jnp.float32) * 0.02
    inp['Wout_h'] = jax.random.normal(ks[9], (DIM, HH * HDH), dtype=jnp.float32) * 0.02
    return inp


def reference(x, q_routing_token, kv_routing_token, ln_g, ln_b, Wqkv, Wout_l, null_q_token, rms_gamma, null_kv, Wq, Wkv, Wout_h):
    return forward(x, q_routing_token, kv_routing_token, ln_g, ln_b, Wqkv, Wout_l, null_q_token, rms_gamma, null_kv, Wq, Wkv, Wout_h)

if __name__ == "__main__":
    import jax
    _d = setup_inputs()
    print(jax.jit(kernel)(*tuple(_d.values())))

</pallas_src>

<mosaic_0001>
#map = affine_map<(d0, d1) -> (0, 0)>
#map1 = affine_map<(d0, d1) -> (0)>
module attributes {stable_mosaic.version = 14 : i64} {
  func.func @k(%arg0: i32, %arg1: i32, %arg2: memref<2048x1024xf32, #tpu.memory_space<hbm>>, %arg3: memref<2048xi32, #tpu.memory_space<hbm>>, %arg4: memref<8192x1024xf32, #tpu.memory_space<hbm>>, %arg5: memref<64xi32, #tpu.memory_space<vmem>>, %arg6: memref<64x1024xf32, #tpu.memory_space<vmem>>, %arg7: memref<!tpu.dma_semaphore, #tpu.memory_space<semaphore_mem>>) attributes {dimension_semantics = [#tpu.dimension_semantics<core_parallel>, #tpu.dimension_semantics<subcore_parallel>], iteration_bounds = array<i64: 2, 16>, scalar_prefetch = 0 : i64, scratch_operands = 3 : i64, tpu.core_type = #tpu.core_type<sc_vector_subcore>, window_params = [{transform_indices = #map}, {transform_indices = #map1}, {transform_indices = #map}]} {
    %mul3A = arith.constant 2 : i32
    %mul3A_0 = arith.muli %arg1, %mul3A : i32
    %add3A = arith.addi %mul3A_0, %arg0 : i32
    %mul3A_1 = arith.constant 64 : i32
    %mul3A_2 = arith.muli %add3A, %mul3A_1 : i32
    "tpu.region"() ({
      %run_scoped3A = tpu.sem_alloc : memref<!tpu.dma_semaphore, #tpu.memory_space<semaphore_mem>>
      %dma_start3A_7 = tpu.memref_slice %arg3[%mul3A_2] : memref<2048xi32, #tpu.memory_space<hbm>> -> memref<64xi32, #tpu.memory_space<hbm>>
      %dma_start3A_8 = tpu.memref_slice %arg3[%mul3A_2] : memref<2048xi32, #tpu.memory_space<hbm>> -> memref<64xi32, #tpu.memory_space<hbm>>
      tpu.enqueue_dma source(%dma_start3A_8 : memref<64xi32, #tpu.memory_space<hbm>>) target(%arg5 : memref<64xi32, #tpu.memory_space<vmem>>) target_semaphore(%run_scoped3A : memref<!tpu.dma_semaphore, #tpu.memory_space<semaphore_mem>>)
      %dma_wait3A_9 = tpu.memref_slice %arg3[%mul3A_2] : memref<2048xi32, #tpu.memory_space<hbm>> -> memref<64xi32, #tpu.memory_space<hbm>>
      %dma_wait3A_10 = tpu.memref_slice %arg3[%mul3A_2] : memref<2048xi32, #tpu.memory_space<hbm>> -> memref<64xi32, #tpu.memory_space<hbm>>
      tpu.wait_dma2 semaphore(%run_scoped3A : memref<!tpu.dma_semaphore, #tpu.memory_space<semaphore_mem>>) src(%dma_wait3A_10 : memref<64xi32, #tpu.memory_space<hbm>>) dst(%arg5 : memref<64xi32, #tpu.memory_space<vmem>>)
      tpu.yield
    }) : () -> ()
    "tpu.region"() ({
      %run_scoped3A = tpu.sem_alloc : memref<!tpu.dma_semaphore, #tpu.memory_space<semaphore_mem>>
      %dma_start3A_7 = arith.constant 0 : i32
      %dma_start3A_8 = tpu.memref_slice %arg2[%mul3A_2, %dma_start3A_7] : memref<2048x1024xf32, #tpu.memory_space<hbm>> -> memref<64x1024xf32, #tpu.memory_space<hbm>>
      %dma_start3A_9 = arith.constant 0 : i32
      %dma_start3A_10 = tpu.memref_slice %arg2[%mul3A_2, %dma_start3A_9] : memref<2048x1024xf32, #tpu.memory_space<hbm>> -> memref<64x1024xf32, #tpu.memory_space<hbm>>
      tpu.enqueue_dma source(%dma_start3A_10 : memref<64x1024xf32, #tpu.memory_space<hbm>>) target(%arg6 : memref<64x1024xf32, #tpu.memory_space<vmem>>) target_semaphore(%run_scoped3A : memref<!tpu.dma_semaphore, #tpu.memory_space<semaphore_mem>>)
      %dma_wait3A_11 = arith.constant 0 : i32
      %dma_wait3A_12 = tpu.memref_slice %arg2[%mul3A_2, %dma_wait3A_11] : memref<2048x1024xf32, #tpu.memory_space<hbm>> -> memref<64x1024xf32, #tpu.memory_space<hbm>>
      %dma_wait3A_13 = arith.constant 0 : i32
      %dma_wait3A_14 = tpu.memref_slice %arg2[%mul3A_2, %dma_wait3A_13] : memref<2048x1024xf32, #tpu.memory_space<hbm>> -> memref<64x1024xf32, #tpu.memory_space<hbm>>
      tpu.wait_dma2 semaphore(%run_scoped3A : memref<!tpu.dma_semaphore, #tpu.memory_space<semaphore_mem>>) src(%dma_wait3A_14 : memref<64x1024xf32, #tpu.memory_space<hbm>>) dst(%arg6 : memref<64x1024xf32, #tpu.memory_space<vmem>>)
      tpu.yield
    }) : () -> ()
    %dma_start3A = arith.constant 0 : i32
    %dma_start3A_3 = arith.constant 0 : i32
    %dma_start3A_4 = tpu.memref_slice %arg4[%dma_start3A, %dma_start3A_3] : memref<8192x1024xf32, #tpu.memory_space<hbm>> -> memref<8192x1024xf32, #tpu.memory_space<hbm>>
    tpu.enqueue_indirect_dma source(%arg6 : memref<64x1024xf32, #tpu.memory_space<vmem>>) target(%dma_start3A_4 : memref<8192x1024xf32, #tpu.memory_space<hbm>>) offsets(%arg5 : memref<64xi32, #tpu.memory_space<vmem>>) semaphore(%arg7 : memref<!tpu.dma_semaphore, #tpu.memory_space<semaphore_mem>>)
    %dma_wait3A = arith.constant 0 : i32
    %dma_wait3A_5 = arith.constant 0 : i32
    %dma_wait3A_6 = tpu.memref_slice %arg4[%dma_wait3A, %dma_wait3A_5] : memref<8192x1024xf32, #tpu.memory_space<hbm>> -> memref<8192x1024xf32, #tpu.memory_space<hbm>>
    tpu.wait_indirect_dma semaphore(%arg7 : memref<!tpu.dma_semaphore, #tpu.memory_space<semaphore_mem>>) src(%arg6 : memref<64x1024xf32, #tpu.memory_space<vmem>>) dst(%dma_wait3A_6 : memref<8192x1024xf32, #tpu.memory_space<hbm>>)
    return
  }
}

#map = affine_map<(d0, d1) -> (0, 0)>
#map1 = affine_map<(d0, d1) -> (0)>
module attributes {stable_mosaic.version = 14 : i64} {
  func.func @k(%arg0: i32, %arg1: i32, %arg2: memref<8192x1024xf32, #tpu.memory_space<hbm>>, %arg3: memref<4096xi32, #tpu.memory_space<hbm>>, %arg4: memref<4096x1024xf32, #tpu.memory_space<hbm>>, %arg5: memref<64xi32, #tpu.memory_space<vmem>>, %arg6: memref<64x1024xf32, #tpu.memory_space<vmem>>, %arg7: memref<!tpu.dma_semaphore, #tpu.memory_space<semaphore_mem>>) attributes {dimension_semantics = [#tpu.dimension_semantics<core_parallel>, #tpu.dimension_semantics<subcore_parallel>], iteration_bounds = array<i64: 2, 16>, scalar_prefetch = 0 : i64, scratch_operands = 3 : i64, tpu.core_type = #tpu.core_type<sc_vector_subcore>, window_params = [{transform_indices = #map}, {transform_indices = #map1}, {transform_indices = #map}]} {
    %mul3A = arith.constant 2 : i32
    %mul3A_0 = arith.muli %arg1, %mul3A : i32
    %add3A = arith.addi %mul3A_0, %arg0 : i32
    %mul3A_1 = arith.constant 128 : i32
    %mul3A_2 = arith.muli %add3A, %mul3A_1 : i32
    %add3A_3 = arith.constant 0 : i32
    %add3A_4 = arith.addi %mul3A_2, %add3A_3 : i32
    "tpu.region"() ({
      %run_scoped3A = tpu.sem_alloc : memref<!tpu.dma_semaphore, #tpu.memory_space<semaphore_mem>>
      %dma_start3A_17 = tpu.memref_slice %arg3[%add3A_4] : memref<4096xi32, #tpu.memory_space<hbm>> -> memref<64xi32, #tpu.memory_space<hbm>>
      %dma_start3A_18 = tpu.memref_slice %arg3[%add3A_4] : memref<4096xi32, #tpu.memory_space<hbm>> -> memref<64xi32, #tpu.memory_space<hbm>>
      tpu.enqueue_dma source(%dma_start3A_18 : memref<64xi32, #tpu.memory_space<hbm>>) target(%arg5 : memref<64xi32, #tpu.memory_space<vmem>>) target_semaphore(%run_scoped3A : memref<!tpu.dma_semaphore, #tpu.memory_space<semaphore_mem>>)
      %dma_wait3A_19 = tpu.memref_slice %arg3[%add3A_4] : memref<4096xi32, #tpu.memory_space<hbm>> -> memref<64xi32, #tpu.memory_space<hbm>>
      %dma_wait3A_20 = tpu.memref_slice %arg3[%add3A_4] : memref<4096xi32, #tpu.memory_space<hbm>> -> memref<64xi32, #tpu.memory_space<hbm>>
      tpu.wait_dma2 semaphore(%run_scoped3A : memref<!tpu.dma_semaphore, #tpu.memory_space<semaphore_mem>>) src(%dma_wait3A_20 : memref<64xi32, #tpu.memory_space<hbm>>) dst(%arg5 : memref<64xi32, #tpu.memory_space<vmem>>)
      tpu.yield
    }) : () -> ()
    %dma_start3A = arith.constant 0 : i32
    %dma_start3A_5 = arith.constant 0 : i32
    %dma_start3A_6 = tpu.memref_slice %arg2[%dma_start3A, %dma_start3A_5] : memref<8192x1024xf32, #tpu.memory_space<hbm>> -> memref<8192x1024xf32, #tpu.memory_space<hbm>>
    tpu.enqueue_indirect_dma source(%dma_start3A_6 : memref<8192x1024xf32, #tpu.memory_space<hbm>>) target(%arg6 : memref<64x1024xf32, #tpu.memory_space<vmem>>) offsets(%arg5 : memref<64xi32, #tpu.memory_space<vmem>>) semaphore(%arg7 : memref<!tpu.dma_semaphore, #tpu.memory_space<semaphore_mem>>)
    %dma_wait3A = arith.constant 0 : i32
    %dma_wait3A_7 = arith.constant 0 : i32
    %dma_wait3A_8 = tpu.memref_slice %arg2[%dma_wait3A, %dma_wait3A_7] : memref<8192x1024xf32, #tpu.memory_space<hbm>> -> memref<8192x1024xf32, #tpu.memory_space<hbm>>
    tpu.wait_indirect_dma semaphore(%arg7 : memref<!tpu.dma_semaphore, #tpu.memory_space<semaphore_mem>>) src(%dma_wait3A_8 : memref<8192x1024xf32, #tpu.memory_space<hbm>>) dst(%arg6 : memref<64x1024xf32, #tpu.memory_space<vmem>>)
    "tpu.region"() ({
      %run_scoped3A = tpu.sem_alloc : memref<!tpu.dma_semaphore, #tpu.memory_space<semaphore_mem>>
      %dma_start3A_17 = arith.constant 0 : i32
      %dma_start3A_18 = tpu.memref_slice %arg4[%add3A_4, %dma_start3A_17] : memref<4096x1024xf32, #tpu.memory_space<hbm>> -> memref<64x1024xf32, #tpu.memory_space<hbm>>
      %dma_start3A_19 = arith.constant 0 : i32
      %dma_start3A_20 = tpu.memref_slice %arg4[%add3A_4, %dma_start3A_19] : memref<4096x1024xf32, #tpu.memory_space<hbm>> -> memref<64x1024xf32, #tpu.memory_space<hbm>>
      tpu.enqueue_dma source(%arg6 : memref<64x1024xf32, #tpu.memory_space<vmem>>) target(%dma_start3A_20 : memref<64x1024xf32, #tpu.memory_space<hbm>>) target_semaphore(%run_scoped3A : memref<!tpu.dma_semaphore, #tpu.memory_space<semaphore_mem>>)
      %dma_wait3A_21 = arith.constant 0 : i32
      %dma_wait3A_22 = tpu.memref_slice %arg4[%add3A_4, %dma_wait3A_21] : memref<4096x1024xf32, #tpu.memory_space<hbm>> -> memref<64x1024xf32, #tpu.memory_space<hbm>>
      %dma_wait3A_23 = arith.constant 0 : i32
      %dma_wait3A_24 = tpu.memref_slice %arg4[%add3A_4, %dma_wait3A_23] : memref<4096x1024xf32, #tpu.memory_space<hbm>> -> memref<64x1024xf32, #tpu.memory_space<hbm>>
      tpu.wait_dma2 semaphore(%run_scoped3A : memref<!tpu.dma_semaphore, #tpu.memory_space<semaphore_mem>>) src(%arg6 : memref<64x1024xf32, #tpu.memory_space<vmem>>) dst(%dma_wait3A_24 : memref<64x1024xf32, #tpu.memory_space<hbm>>)
      tpu.yield
    }) : () -> ()
    %add3A_9 = arith.constant 64 : i32
    %add3A_10 = arith.addi %mul3A_2, %add3A_9 : i32
    "tpu.region"() ({
      %run_scoped3A = tpu.sem_alloc : memref<!tpu.dma_semaphore, #tpu.memory_space<semaphore_mem>>
      %dma_start3A_17 = tpu.memref_slice %arg3[%add3A_10] : memref<4096xi32, #tpu.memory_space<hbm>> -> memref<64xi32, #tpu.memory_space<hbm>>
      %dma_start3A_18 = tpu.memref_slice %arg3[%add3A_10] : memref<4096xi32, #tpu.memory_space<hbm>> -> memref<64xi32, #tpu.memory_space<hbm>>
      tpu.enqueue_dma source(%dma_start3A_18 : memref<64xi32, #tpu.memory_space<hbm>>) target(%arg5 : memref<64xi32, #tpu.memory_space<vmem>>) target_semaphore(%run_scoped3A : memref<!tpu.dma_semaphore, #tpu.memory_space<semaphore_mem>>)
      %dma_wait3A_19 = tpu.memref_slice %arg3[%add3A_10] : memref<4096xi32, #tpu.memory_space<hbm>> -> memref<64xi32, #tpu.memory_space<hbm>>
      %dma_wait3A_20 = tpu.memref_slice %arg3[%add3A_10] : memref<4096xi32, #tpu.memory_space<hbm>> -> memref<64xi32, #tpu.memory_space<hbm>>
      tpu.wait_dma2 semaphore(%run_scoped3A : memref<!tpu.dma_semaphore, #tpu.memory_space<semaphore_mem>>) src(%dma_wait3A_20 : memref<64xi32, #tpu.memory_space<hbm>>) dst(%arg5 : memref<64xi32, #tpu.memory_space<vmem>>)
      tpu.yield
    }) : () -> ()
    %dma_start3A_11 = arith.constant 0 : i32
    %dma_start3A_12 = arith.constant 0 : i32
    %dma_start3A_13 = tpu.memref_slice %arg2[%dma_start3A_11, %dma_start3A_12] : memref<8192x1024xf32, #tpu.memory_space<hbm>> -> memref<8192x1024xf32, #tpu.memory_space<hbm>>
    tpu.enqueue_indirect_dma source(%dma_start3A_13 : memref<8192x1024xf32, #tpu.memory_space<hbm>>) target(%arg6 : memref<64x1024xf32, #tpu.memory_space<vmem>>) offsets(%arg5 : memref<64xi32, #tpu.memory_space<vmem>>) semaphore(%arg7 : memref<!tpu.dma_semaphore, #tpu.memory_space<semaphore_mem>>)
    %dma_wait3A_14 = arith.constant 0 : i32
    %dma_wait3A_15 = arith.constant 0 : i32
    %dma_wait3A_16 = tpu.memref_slice %arg2[%dma_wait3A_14, %dma_wait3A_15] : memref<8192x1024xf32, #tpu.memory_space<hbm>> -> memref<8192x1024xf32, #tpu.memory_space<hbm>>
    tpu.wait_indirect_dma semaphore(%arg7 : memref<!tpu.dma_semaphore, #tpu.memory_space<semaphore_mem>>) src(%dma_wait3A_16 : memref<8192x1024xf32, #tpu.memory_space<hbm>>) dst(%arg6 : memref<64x1024xf32, #tpu.memory_space<vmem>>)
    "tpu.region"() ({
      %run_scoped3A = tpu.sem_alloc : memref<!tpu.dma_semaphore, #tpu.memory_space<semaphore_mem>>
      %dma_start3A_17 = arith.constant 0 : i32
      %dma_start3A_18 = tpu.memref_slice %arg4[%add3A_10, %dma_start3A_17] : memref<4096x1024xf32, #tpu.memory_space<hbm>> -> memref<64x1024xf32, #tpu.memory_space<hbm>>
      %dma_start3A_19 = arith.constant 0 : i32
      %dma_start3A_20 = tpu.memref_slice %arg4[%add3A_10, %dma_start3A_19] : memref<4096x1024xf32, #tpu.memory_space<hbm>> -> memref<64x1024xf32, #tpu.memory_space<hbm>>
      tpu.enqueue_dma source(%arg6 : memref<64x1024xf32, #tpu.memory_space<vmem>>) target(%dma_start3A_20 : memref<64x1024xf32, #tpu.memory_space<hbm>>) target_semaphore(%run_scoped3A : memref<!tpu.dma_semaphore, #tpu.memory_space<semaphore_mem>>)
      %dma_wait3A_21 = arith.constant 0 : i32
      %dma_wait3A_22 = tpu.memref_slice %arg4[%add3A_10, %dma_wait3A_21] : memref<4096x1024xf32, #tpu.memory_space<hbm>> -> memref<64x1024xf32, #tpu.memory_space<hbm>>
      %dma_wait3A_23 = arith.constant 0 : i32
      %dma_wait3A_24 = tpu.memref_slice %arg4[%add3A_10, %dma_wait3A_23] : memref<4096x1024xf32, #tpu.memory_space<hbm>> -> memref<64x1024xf32, #tpu.memory_space<hbm>>
      tpu.wait_dma2 semaphore(%run_scoped3A : memref<!tpu.dma_semaphore, #tpu.memory_space<semaphore_mem>>) src(%arg6 : memref<64x1024xf32, #tpu.memory_space<vmem>>) dst(%dma_wait3A_24 : memref<64x1024xf32, #tpu.memory_space<hbm>>)
      tpu.yield
    }) : () -> ()
    return
  }
}

module attributes {stable_mosaic.version = 14 : i64} {
  func.func @_qkv_body(%arg0: i32, %arg1: i32, %arg2: memref<1x512x1024xf32, #tpu.memory_space<vmem>>, %arg3: memref<1x1024xf32, #tpu.memory_space<vmem>>, %arg4: memref<1x1024xf32, #tpu.memory_space<vmem>>, %arg5: memref<1536x1024xf32, #tpu.memory_space<vmem>>, %arg6: memref<2x1024xf32, #tpu.memory_space<vmem>>, %arg7: memref<1x512x1536xbf16, #tpu.memory_space<vmem>>, %arg8: memref<2x1x1x512xf32, #tpu.memory_space<vmem>>) attributes {dimension_semantics = [#tpu.dimension_semantics<arbitrary>, #tpu.dimension_semantics<arbitrary>], iteration_bounds = array<i64: 2, 8>, scalar_prefetch = 0 : i64, scratch_operands = 0 : i64, tpu.core_type = #tpu.core_type<tc>, window_params = [{transform_indices = @transform_0, window_bounds = array<i64: 1, 512, 1024>}, {pipeline_mode = #tpu.pipeline_mode<synchronous>, transform_indices = @transform_1, window_bounds = array<i64: 1, 1024>}, {pipeline_mode = #tpu.pipeline_mode<synchronous>, transform_indices = @transform_2, window_bounds = array<i64: 1, 1024>}, {pipeline_mode = #tpu.pipeline_mode<synchronous>, transform_indices = @transform_3, window_bounds = array<i64: 1536, 1024>}, {pipeline_mode = #tpu.pipeline_mode<synchronous>, transform_indices = @transform_4, window_bounds = array<i64: 2, 1024>}, {transform_indices = @transform_5, window_bounds = array<i64: 1, 512, 1536>}, {transform_indices = @transform_6, window_bounds = array<i64: 2, 1, 1, 512>}]} {
    %get3A = arith.constant 0 : index
    %get3A_0 = arith.constant 0 : index
    %get3A_1 = arith.constant 0 : index
    %get3A_2 = vector.load %arg2[%get3A, %get3A_0, %get3A_1] : memref<1x512x1024xf32, #tpu.memory_space<vmem>>, vector<1x512x1024xf32>
    %get3A_3 = vector.shape_cast %get3A_2 : vector<1x512x1024xf32> to vector<512x1024xf32>
    %reduce_sum3A = arith.constant dense<0.000000e+00> : vector<512xf32>
    %reduce_sum3A_4 = vector.multi_reduction <add>, %get3A_3, %reduce_sum3A [1] : vector<512x1024xf32> to vector<512xf32>
    %broadcast_in_dim3A = vector.shape_cast %reduce_sum3A_4 : vector<512xf32> to vector<512x1xf32>
    %div3A = arith.constant 1.024000e+03 : f32
    %div3A_5 = vector.broadcast %div3A : f32 to vector<512x1xf32>
    %div3A_6 = arith.divf %broadcast_in_dim3A, %div3A_5 : vector<512x1xf32>
    %sub3A = vector.broadcast %div3A_6 : vector<512x1xf32> to vector<512x1024xf32>
    %sub3A_7 = arith.subf %get3A_3, %sub3A : vector<512x1024xf32>
    %integer_pow3A = arith.mulf %sub3A_7, %sub3A_7 : vector<512x1024xf32>
    %reduce_sum3A_8 = arith.constant dense<0.000000e+00> : vector<512xf32>
    %reduce_sum3A_9 = vector.multi_reduction <add>, %integer_pow3A, %reduce_sum3A_8 [1] : vector<512x1024xf32> to vector<512xf32>
    %broadcast_in_dim3A_10 = vector.shape_cast %reduce_sum3A_9 : vector<512xf32> to vector<512x1xf32>
    %div3A_11 = arith.constant 1.024000e+03 : f32
    %div3A_12 = vector.broadcast %div3A_11 : f32 to vector<512x1xf32>
    %div3A_13 = arith.divf %broadcast_in_dim3A_10, %div3A_12 : vector<512x1xf32>
    %sub3A_14 = vector.broadcast %div3A_6 : vector<512x1xf32> to vector<512x1024xf32>
    %sub3A_15 = arith.subf %get3A_3, %sub3A_14 : vector<512x1024xf32>
    %add3A = arith.constant 9.99999974E-6 : f32
    %add3A_16 = vector.broadcast %add3A : f32 to vector<512x1xf32>
    %add3A_17 = arith.addf %div3A_13, %add3A_16 : vector<512x1xf32>
    %sqrt3A = math.sqrt %add3A_17 : vector<512x1xf32>
    %div3A_18 = vector.broadcast %sqrt3A : vector<512x1xf32> to vector<512x1024xf32>
    %div3A_19 = arith.divf %sub3A_15, %div3A_18 : vector<512x1024xf32>
    %get3A_20 = arith.constant 0 : index
    %get3A_21 = arith.constant 0 : index
    %get3A_22 = vector.load %arg3[%get3A_20, %get3A_21] : memref<1x1024xf32, #tpu.memory_space<vmem>>, vector<1x1024xf32>
    %mul3A = vector.broadcast %get3A_22 : vector<1x1024xf32> to vector<512x1024xf32>
    %mul3A_23 = arith.mulf %div3A_19, %mul3A : vector<512x1024xf32>
    %get3A_24 = arith.constant 0 : index
    %get3A_25 = arith.constant 0 : index
    %get3A_26 = vector.load %arg4[%get3A_24, %get3A_25] : memref<1x1024xf32, #tpu.memory_space<vmem>>, vector<1x1024xf32>
    %add3A_27 = vector.broadcast %get3A_26 : vector<1x1024xf32> to vector<512x1024xf32>
    %add3A_28 = arith.addf %mul3A_23, %add3A_27 : vector<512x1024xf32>
    %get3A_29 = arith.constant 0 : index
    %get3A_30 = arith.constant 0 : index
    %get3A_31 = vector.load %arg5[%get3A_29, %get3A_30] : memref<1536x1024xf32, #tpu.memory_space<vmem>>, vector<1536x1024xf32>
    %convert_element_type3A = arith.truncf %add3A_28 : vector<512x1024xf32> to vector<512x1024xbf16>
    %convert_element_type3A_32 = arith.truncf %get3A_31 : vector<1536x1024xf32> to vector<1536x1024xbf16>
    %dot_general3A = arith.constant dense<0.000000e+00> : vector<512x1536xf32>
    %dot_general3A_33 = tpu.matmul %convert_element_type3A, %convert_element_type3A_32, %dot_general3A {dimension_numbers = #tpu.dot_dimension_numbers<[1], [1], [0], [0], [0, 0, 1, 0], [], []>, transpose_lhs_hint = false} : vector<512x1024xbf16>, vector<1536x1024xbf16>, vector<512x1536xf32> -> vector<512x1536xf32>
    %convert_element_type3A_34 = arith.truncf %dot_general3A_33 : vector<512x1536xf32> to vector<512x1536xbf16>
    %swap3A = arith.constant 0 : index
    %swap3A_35 = arith.constant 0 : index
    %swap3A_36 = arith.constant 0 : index
    %swap3A_37 = vector.load %arg7[%swap3A, %swap3A_35, %swap3A_36] : memref<1x512x1536xbf16, #tpu.memory_space<vmem>>, vector<1x512x1536xbf16>
    %swap3A_38 = vector.shape_cast %swap3A_37 : vector<1x512x1536xbf16> to vector<512x1536xbf16>
    %swap3A_39 = vector.shape_cast %convert_element_type3A_34 : vector<512x1536xbf16> to vector<1x512x1536xbf16>
    tpu.vector_store %arg7[%swap3A, %swap3A_35, %swap3A_36], %swap3A_39 {strides = array<i32>} : memref<1x512x1536xbf16, #tpu.memory_space<vmem>>, vector<1x512x1536xbf16>,
    %get3A_40 = arith.constant 0 : index
    %get3A_41 = arith.constant 0 : index
    %get3A_42 = vector.load %arg6[%get3A_40, %get3A_41] : memref<2x1024xf32, #tpu.memory_space<vmem>>, vector<2x1024xf32>
    %dot_general3A_43 = arith.constant dense<0.000000e+00> : vector<2x512xf32>
    %dot_general3A_44 = tpu.matmul %get3A_42, %get3A_3, %dot_general3A_43 {dimension_numbers = #tpu.dot_dimension_numbers<[1], [1], [0], [0], [0, 0, 1, 0], [], []>, transpose_lhs_hint = false} : vector<2x1024xf32>, vector<512x1024xf32>, vector<2x512xf32> -> vector<2x512xf32>
    %reshape3A = vector.shape_cast %dot_general3A_44 : vector<2x512xf32> to vector<2x1x1x512xf32>
    %swap3A_45 = arith.constant 0 : index
    %swap3A_46 = arith.constant 0 : index
    %swap3A_47 = arith.constant 0 : index
    %swap3A_48 = arith.constant 0 : index
    %swap3A_49 = vector.load %arg8[%swap3A_45, %swap3A_46, %swap3A_47, %swap3A_48] : memref<2x1x1x512xf32, #tpu.memory_space<vmem>>, vector<2x1x1x512xf32>
    tpu.vector_store %arg8[%swap3A_45, %swap3A_46, %swap3A_47, %swap3A_48], %reshape3A {strides = array<i32>} : memref<2x1x1x512xf32, #tpu.memory_space<vmem>>, vector<2x1x1x512xf32>,
    return
  }
  func.func @transform_0(%arg0: i32, %arg1: i32) -> (i32, i32, i32) {
    %c0_i32 = arith.constant 0 : i32
    %c0_i32_0 = arith.constant 0 : i32
    return %arg0, %arg1, %c0_i32 : i32, i32, i32
  }
  func.func @transform_1(%arg0: i32, %arg1: i32) -> (i32, i32) {
    %c0_i32 = arith.constant 0 : i32
    %c0_i32_0 = arith.constant 0 : i32
    %c0_i32_1 = arith.constant 0 : i32
    return %c0_i32, %c0_i32_0 : i32, i32
  }
  func.func @transform_2(%arg0: i32, %arg1: i32) -> (i32, i32) {
    %c0_i32 = arith.constant 0 : i32
    %c0_i32_0 = arith.constant 0 : i32
    %c0_i32_1 = arith.constant 0 : i32
    return %c0_i32, %c0_i32_0 : i32, i32
  }
  func.func @transform_3(%arg0: i32, %arg1: i32) -> (i32, i32) {
    %c0_i32 = arith.constant 0 : i32
    %c0_i32_0 = arith.constant 0 : i32
    %c0_i32_1 = arith.constant 0 : i32
    return %c0_i32, %c0_i32_0 : i32, i32
  }
  func.func @transform_4(%arg0: i32, %arg1: i32) -> (i32, i32) {
    %c0_i32 = arith.constant 0 : i32
    %c0_i32_0 = arith.constant 0 : i32
    %c0_i32_1 = arith.constant 0 : i32
    return %c0_i32, %c0_i32_0 : i32, i32
  }
  func.func @transform_5(%arg0: i32, %arg1: i32) -> (i32, i32, i32) {
    %c0_i32 = arith.constant 0 : i32
    %c0_i32_0 = arith.constant 0 : i32
    return %arg0, %arg1, %c0_i32 : i32, i32, i32
  }
  func.func @transform_6(%arg0: i32, %arg1: i32) -> (i32, i32, i32, i32) {
    %c0_i32 = arith.constant 0 : i32
    %c0_i32_0 = arith.constant 0 : i32
    %c0_i32_1 = arith.constant 0 : i32
    return %c0_i32, %arg0, %c0_i32_0, %arg1 : i32, i32, i32, i32
  }
}

module attributes {stable_mosaic.version = 14 : i64} {
  func.func @_route_body(%arg0: i32, %arg1: memref<4x4096xf32, #tpu.memory_space<vmem>>, %arg2: memref<4x4096xf32, #tpu.memory_space<vmem>>) attributes {dimension_semantics = [#tpu.dimension_semantics<arbitrary>], iteration_bounds = array<i64: 1>, scalar_prefetch = 0 : i64, scratch_operands = 0 : i64, tpu.core_type = #tpu.core_type<tc>, window_params = [{pipeline_mode = #tpu.pipeline_mode<synchronous>, transform_indices = @transform_0, window_bounds = array<i64: 4, 4096>}, {pipeline_mode = #tpu.pipeline_mode<synchronous>, transform_indices = @transform_1, window_bounds = array<i64: 4, 4096>}]} {
    %get3A = arith.constant 0 : index
    %get3A_0 = arith.constant 0 : index
    %get3A_1 = vector.load %arg1[%get3A, %get3A_0] : memref<4x4096xf32, #tpu.memory_space<vmem>>, vector<4x4096xf32>
    %log3A = arith.constant 1.152000e+03 : f32
    %log3A_2 = math.log %log3A : f32
    %reduce_max3A = arith.constant dense<0xFF800000> : vector<4xf32>
    %reduce_max3A_3 = vector.multi_reduction <maximumf>, %get3A_1, %reduce_max3A [1] : vector<4x4096xf32> to vector<4xf32>
    %broadcast_in_dim3A = vector.shape_cast %reduce_max3A_3 : vector<4xf32> to vector<4x1xf32>
    %broadcast_in_dim3A_4 = arith.constant 0.000000e+00 : f32
    %broadcast_in_dim3A_5 = vector.broadcast %broadcast_in_dim3A_4 : f32 to vector<4x1xf32>
    %neg3A = arith.constant 0.000000e+00 : f32
    %neg3A_6 = vector.broadcast %neg3A : f32 to vector<4x4096xf32>
    %neg3A_7 = arith.subf %neg3A_6, %get3A_1 : vector<4x4096xf32>
    %scan3A = arith.constant 0 : i32
    %scan3A_8 = arith.constant 50 : i32
    %scan3A_9 = arith.addi %scan3A, %scan3A_8 : i32
    %scan3A_10 = arith.constant 1 : i32
    %scan3A_11:2 = scf.for %scan3A_29 = %scan3A to %scan3A_9 step %scan3A_10 iter_args(%scan3A_30 = %broadcast_in_dim3A_5, %scan3A_31 = %neg3A_7) -> (vector<4x1xf32>, vector<4x4096xf32>)  : i32 {
      %add3A_32 = arith.addf %get3A_1, %scan3A_31 : vector<4x4096xf32>
      %neg3A_33 = arith.constant 0.000000e+00 : f32
      %neg3A_34 = vector.broadcast %neg3A_33 : f32 to vector<4x1xf32>
      %neg3A_35 = arith.subf %neg3A_34, %scan3A_30 : vector<4x1xf32>
      %min3A = arith.minimumf %broadcast_in_dim3A, %neg3A_35 : vector<4x1xf32>
      %sub3A = vector.broadcast %min3A : vector<4x1xf32> to vector<4x4096xf32>
      %sub3A_36 = arith.subf %add3A_32, %sub3A : vector<4x4096xf32>
      %exp3A_37 = math.exp %sub3A_36 : vector<4x4096xf32>
      %reduce_sum3A = arith.constant dense<0.000000e+00> : vector<4xf32>
      %reduce_sum3A_38 = vector.multi_reduction <add>, %exp3A_37, %reduce_sum3A [1] : vector<4x4096xf32> to vector<4xf32>
      %broadcast_in_dim3A_39 = vector.shape_cast %reduce_sum3A_38 : vector<4xf32> to vector<4x1xf32>
      %log3A_40 = math.log %broadcast_in_dim3A_39 : vector<4x1xf32>
      %add3A_41 = arith.addf %min3A, %log3A_40 : vector<4x1xf32>
      %sub3A_42 = vector.broadcast %log3A_2 : f32 to vector<4x1xf32>
      %sub3A_43 = arith.subf %sub3A_42, %add3A_41 : vector<4x1xf32>
      %add3A_44 = vector.broadcast %sub3A_43 : vector<4x1xf32> to vector<4x4096xf32>
      %add3A_45 = arith.addf %get3A_1, %add3A_44 : vector<4x4096xf32>
      %max3A = arith.constant 0.000000e+00 : f32
      %max3A_46 = vector.broadcast %max3A : f32 to vector<4x4096xf32>
      %max3A_47 = arith.maximumf %add3A_45, %max3A_46 : vector<4x4096xf32>
      %neg3A_48 = arith.constant 0.000000e+00 : f32
      %neg3A_49 = vector.broadcast %neg3A_48 : f32 to vector<4x4096xf32>
      %neg3A_50 = arith.subf %neg3A_49, %max3A_47 : vector<4x4096xf32>
      scf.yield %sub3A_43, %neg3A_50 : vector<4x1xf32>, vector<4x4096xf32>
    }
    %add3A = vector.broadcast %scan3A_11#0 : vector<4x1xf32> to vector<4x4096xf32>
    %add3A_12 = arith.addf %get3A_1, %add3A : vector<4x4096xf32>
    %add3A_13 = arith.addf %add3A_12, %scan3A_11#1 : vector<4x4096xf32>
    %exp3A = math.exp %add3A_13 : vector<4x4096xf32>
    %ge3A = arith.constant 1.000000e+00 : f32
    %ge3A_14 = vector.broadcast %ge3A : f32 to vector<4x4096xf32>
    %ge3A_15 = arith.cmpf oge, %exp3A, %ge3A_14 : vector<4x4096xf32>
    %iota3A = tpu.iota {dimensions = array<i32: 1>} : vector<4x4096xi32>
    %broadcast_in_dim3A_16 = arith.constant 0 : i32
    %broadcast_in_dim3A_17 = vector.broadcast %broadcast_in_dim3A_16 : i32 to vector<4x1xi32>
    %broadcast_in_dim3A_18 = arith.constant 4096 : i32
    %broadcast_in_dim3A_19 = vector.broadcast %broadcast_in_dim3A_18 : i32 to vector<4x1xi32>
    %scan3A_20 = arith.constant 0 : i32
    %scan3A_21 = arith.constant 12 : i32
    %scan3A_22 = arith.addi %scan3A_20, %scan3A_21 : i32
    %scan3A_23 = arith.constant 1 : i32
    %scan3A_24:2 = scf.for %scan3A_29 = %scan3A_20 to %scan3A_22 step %scan3A_23 iter_args(%scan3A_30 = %broadcast_in_dim3A_17, %scan3A_31 = %broadcast_in_dim3A_19) -> (vector<4x1xi32>, vector<4x1xi32>)  : i32 {
      %add3A_32 = arith.addi %scan3A_30, %scan3A_31 : vector<4x1xi32>
      %jit3A = arith.constant 2 : i32
      %div3A = vector.broadcast %jit3A : i32 to vector<4x1xi32>
      %div3A_33 = arith.divsi %add3A_32, %div3A : vector<4x1xi32>
      %sign3A = arith.constant 0 : i32
      %sign3A_34 = vector.broadcast %sign3A : i32 to vector<4x1xi32>
      %sign3A_35 = arith.cmpi sgt, %add3A_32, %sign3A_34 : vector<4x1xi32>
      %sign3A_36 = arith.extui %sign3A_35 : vector<4x1xi1> to vector<4x1xi32>
      %sign3A_37 = arith.constant 0 : i32
      %sign3A_38 = vector.broadcast %sign3A_37 : i32 to vector<4x1xi32>
      %sign3A_39 = arith.cmpi slt, %add3A_32, %sign3A_38 : vector<4x1xi32>
      %sign3A_40 = arith.extui %sign3A_39 : vector<4x1xi1> to vector<4x1xi32>
      %sign3A_41 = arith.subi %sign3A_36, %sign3A_40 : vector<4x1xi32>
      %sign3A_42 = arith.constant 0 : i32
      %sign3A_43 = arith.cmpi sgt, %jit3A, %sign3A_42 : i32
      %sign3A_44 = arith.extui %sign3A_43 : i1 to i32
      %sign3A_45 = arith.constant 0 : i32
      %sign3A_46 = arith.cmpi slt, %jit3A, %sign3A_45 : i32
      %sign3A_47 = arith.extui %sign3A_46 : i1 to i32
      %sign3A_48 = arith.subi %sign3A_44, %sign3A_47 : i32
      %ne3A = vector.broadcast %sign3A_48 : i32 to vector<4x1xi32>
      %ne3A_49 = arith.cmpi ne, %sign3A_41, %ne3A : vector<4x1xi32>
      %rem3A = vector.broadcast %jit3A : i32 to vector<4x1xi32>
      %rem3A_50 = arith.remsi %add3A_32, %rem3A : vector<4x1xi32>
      %ne3A_51 = arith.constant 0 : i32
      %ne3A_52 = vector.broadcast %ne3A_51 : i32 to vector<4x1xi32>
      %ne3A_53 = arith.cmpi ne, %rem3A_50, %ne3A_52 : vector<4x1xi32>
      %and3A_54 = arith.andi %ne3A_49, %ne3A_53 : vector<4x1xi1>
      %sub3A = arith.constant 1 : i32
      %sub3A_55 = vector.broadcast %sub3A : i32 to vector<4x1xi32>
      %sub3A_56 = arith.subi %div3A_33, %sub3A_55 : vector<4x1xi32>
      %select_n3A = arith.select %and3A_54, %sub3A_56, %div3A_33 : vector<4x1xi1>, vector<4x1xi32>
      %lt3A_57 = vector.broadcast %select_n3A : vector<4x1xi32> to vector<4x4096xi32>
      %lt3A_58 = arith.cmpi slt, %iota3A, %lt3A_57 : vector<4x4096xi32>
      %and3A_59 = arith.andi %ge3A_15, %lt3A_58 : vector<4x4096xi1>
      %jit3A_60 = arith.constant 1 : i32
      %jit3A_61 = arith.constant 0 : i32
      %broadcast_in_dim3A_62 = vector.broadcast %jit3A_60 : i32 to vector<4x4096xi32>
      %broadcast_in_dim3A_63 = vector.broadcast %jit3A_61 : i32 to vector<4x4096xi32>
      %select_n3A_64 = arith.select %and3A_59, %broadcast_in_dim3A_62, %broadcast_in_dim3A_63 : vector<4x4096xi1>, vector<4x4096xi32>
      %reduce_sum3A = arith.constant dense<0> : vector<4xi32>
      %reduce_sum3A_65 = vector.multi_reduction <add>, %select_n3A_64, %reduce_sum3A [1] : vector<4x4096xi32> to vector<4xi32>
      %broadcast_in_dim3A_66 = vector.shape_cast %reduce_sum3A_65 : vector<4xi32> to vector<4x1xi32>
      %lt3A_67 = arith.constant 1024 : i32
      %lt3A_68 = vector.broadcast %lt3A_67 : i32 to vector<4x1xi32>
      %lt3A_69 = arith.cmpi slt, %broadcast_in_dim3A_66, %lt3A_68 : vector<4x1xi32>
      %select_n3A_70 = arith.select %lt3A_69, %select_n3A, %scan3A_30 : vector<4x1xi1>, vector<4x1xi32>
      %select_n3A_71 = arith.select %lt3A_69, %scan3A_31, %select_n3A : vector<4x1xi1>, vector<4x1xi32>
      scf.yield %select_n3A_70, %select_n3A_71 : vector<4x1xi32>, vector<4x1xi32>
    }
    %lt3A = vector.broadcast %scan3A_24#1 : vector<4x1xi32> to vector<4x4096xi32>
    %lt3A_25 = arith.cmpi slt, %iota3A, %lt3A : vector<4x4096xi32>
    %and3A = arith.andi %ge3A_15, %lt3A_25 : vector<4x4096xi1>
    %convert_element_type3A = arith.extui %and3A : vector<4x4096xi1> to vector<4x4096xi32>
    %convert_element_type3A_26 = arith.sitofp %convert_element_type3A : vector<4x4096xi32> to vector<4x4096xf32>
    %swap3A = arith.constant 0 : index
    %swap3A_27 = arith.constant 0 : index
    %swap3A_28 = vector.load %arg2[%swap3A, %swap3A_27] : memref<4x4096xf32, #tpu.memory_space<vmem>>, vector<4x4096xf32>
    tpu.vector_store %arg2[%swap3A, %swap3A_27], %convert_element_type3A_26 {strides = array<i32>} : memref<4x4096xf32, #tpu.memory_space<vmem>>, vector<4x4096xf32>,
    return
  }
  func.func @transform_0(%arg0: i32) -> (i32, i32) {
    %c0_i32 = arith.constant 0 : i32
    %c0_i32_0 = arith.constant 0 : i32
    %c0_i32_1 = arith.constant 0 : i32
    return %c0_i32, %c0_i32_0 : i32, i32
  }
  func.func @transform_1(%arg0: i32) -> (i32, i32) {
    %c0_i32 = arith.constant 0 : i32
    %c0_i32_0 = arith.constant 0 : i32
    %c0_i32_1 = arith.constant 0 : i32
    return %c0_i32, %c0_i32_0 : i32, i32
  }
}

module attributes {stable_mosaic.version = 14 : i64} {
  func.func @_compact_body(%arg0: i32, %arg1: memref<1x1x4096xf32, #tpu.memory_space<vmem>>, %arg2: memref<1x1024x1xi32, #tpu.memory_space<vmem>>) attributes {dimension_semantics = [#tpu.dimension_semantics<arbitrary>], iteration_bounds = array<i64: 4>, scalar_prefetch = 0 : i64, scratch_operands = 0 : i64, tpu.core_type = #tpu.core_type<tc>, window_params = [{transform_indices = @transform_0, window_bounds = array<i64: 1, 1, 4096>}, {transform_indices = @transform_1, window_bounds = array<i64: 1, 1024, 1>}]} {
    %get3A = arith.constant 0 : index
    %get3A_0 = arith.constant 0 : index
    %get3A_1 = arith.constant 0 : index
    %get3A_2 = vector.load %arg1[%get3A, %get3A_0, %get3A_1] : memref<1x1x4096xf32, #tpu.memory_space<vmem>>, vector<1x1x4096xf32>
    %get3A_3 = vector.shape_cast %get3A_2 : vector<1x1x4096xf32> to vector<1x4096xf32>
    %jit3A = arith.constant 0 : i32
    %convert_element_type3A = arith.sitofp %jit3A : i32 to f32
    %pad3A = vector.broadcast %convert_element_type3A : f32 to vector<1x1xf32>
    %pad3A_4 = tpu.concatenate %pad3A, %get3A_3 in 1 : vector<1x1xf32>, vector<1x4096xf32> -> vector<1x4097xf32>
    %slice3A = vector.extract_strided_slice %pad3A_4 {offsets = [0, 0], sizes = [1, 4096], strides = [1, 1]} : vector<1x4097xf32> to vector<1x4096xf32>
    %add3A = arith.addf %get3A_3, %slice3A : vector<1x4096xf32>
    %jit3A_5 = arith.constant 0 : i32
    %convert_element_type3A_6 = arith.sitofp %jit3A_5 : i32 to f32
    %pad3A_7 = vector.broadcast %convert_element_type3A_6 : f32 to vector<1x2xf32>
    %pad3A_8 = tpu.concatenate %pad3A_7, %add3A in 1 : vector<1x2xf32>, vector<1x4096xf32> -> vector<1x4098xf32>
    %slice3A_9 = vector.extract_strided_slice %pad3A_8 {offsets = [0, 0], sizes = [1, 4096], strides = [1, 1]} : vector<1x4098xf32> to vector<1x4096xf32>
    %add3A_10 = arith.addf %add3A, %slice3A_9 : vector<1x4096xf32>
    %jit3A_11 = arith.constant 0 : i32
    %convert_element_type3A_12 = arith.sitofp %jit3A_11 : i32 to f32
    %pad3A_13 = vector.broadcast %convert_element_type3A_12 : f32 to vector<1x4xf32>
    %pad3A_14 = tpu.concatenate %pad3A_13, %add3A_10 in 1 : vector<1x4xf32>, vector<1x4096xf32> -> vector<1x4100xf32>
    %slice3A_15 = vector.extract_strided_slice %pad3A_14 {offsets = [0, 0], sizes = [1, 4096], strides = [1, 1]} : vector<1x4100xf32> to vector<1x4096xf32>
    %add3A_16 = arith.addf %add3A_10, %slice3A_15 : vector<1x4096xf32>
    %jit3A_17 = arith.constant 0 : i32
    %convert_element_type3A_18 = arith.sitofp %jit3A_17 : i32 to f32
    %pad3A_19 = vector.broadcast %convert_element_type3A_18 : f32 to vector<1x8xf32>
    %pad3A_20 = tpu.concatenate %pad3A_19, %add3A_16 in 1 : vector<1x8xf32>, vector<1x4096xf32> -> vector<1x4104xf32>
    %slice3A_21 = vector.extract_strided_slice %pad3A_20 {offsets = [0, 0], sizes = [1, 4096], strides = [1, 1]} : vector<1x4104xf32> to vector<1x4096xf32>
    %add3A_22 = arith.addf %add3A_16, %slice3A_21 : vector<1x4096xf32>
    %jit3A_23 = arith.constant 0 : i32
    %convert_element_type3A_24 = arith.sitofp %jit3A_23 : i32 to f32
    %pad3A_25 = vector.broadcast %convert_element_type3A_24 : f32 to vector<1x16xf32>
    %pad3A_26 = tpu.concatenate %pad3A_25, %add3A_22 in 1 : vector<1x16xf32>, vector<1x4096xf32> -> vector<1x4112xf32>
    %slice3A_27 = vector.extract_strided_slice %pad3A_26 {offsets = [0, 0], sizes = [1, 4096], strides = [1, 1]} : vector<1x4112xf32> to vector<1x4096xf32>
    %add3A_28 = arith.addf %add3A_22, %slice3A_27 : vector<1x4096xf32>
    %jit3A_29 = arith.constant 0 : i32
    %convert_element_type3A_30 = arith.sitofp %jit3A_29 : i32 to f32
    %pad3A_31 = vector.broadcast %convert_element_type3A_30 : f32 to vector<1x32xf32>
    %pad3A_32 = tpu.concatenate %pad3A_31, %add3A_28 in 1 : vector<1x32xf32>, vector<1x4096xf32> -> vector<1x4128xf32>
    %slice3A_33 = vector.extract_strided_slice %pad3A_32 {offsets = [0, 0], sizes = [1, 4096], strides = [1, 1]} : vector<1x4128xf32> to vector<1x4096xf32>
    %add3A_34 = arith.addf %add3A_28, %slice3A_33 : vector<1x4096xf32>
    %jit3A_35 = arith.constant 0 : i32
    %convert_element_type3A_36 = arith.sitofp %jit3A_35 : i32 to f32
    %pad3A_37 = vector.broadcast %convert_element_type3A_36 : f32 to vector<1x64xf32>
    %pad3A_38 = tpu.concatenate %pad3A_37, %add3A_34 in 1 : vector<1x64xf32>, vector<1x4096xf32> -> vector<1x4160xf32>
    %slice3A_39 = vector.extract_strided_slice %pad3A_38 {offsets = [0, 0], sizes = [1, 4096], strides = [1, 1]} : vector<1x4160xf32> to vector<1x4096xf32>
    %add3A_40 = arith.addf %add3A_34, %slice3A_39 : vector<1x4096xf32>
    %jit3A_41 = arith.constant 0 : i32
    %convert_element_type3A_42 = arith.sitofp %jit3A_41 : i32 to f32
    %pad3A_43 = vector.broadcast %convert_element_type3A_42 : f32 to vector<1x128xf32>
    %pad3A_44 = tpu.concatenate %pad3A_43, %add3A_40 in 1 : vector<1x128xf32>, vector<1x4096xf32> -> vector<1x4224xf32>
    %slice3A_45 = vector.extract_strided_slice %pad3A_44 {offsets = [0, 0], sizes = [1, 4096], strides = [1, 1]} : vector<1x4224xf32> to vector<1x4096xf32>
    %add3A_46 = arith.addf %add3A_40, %slice3A_45 : vector<1x4096xf32>
    %jit3A_47 = arith.constant 0 : i32
    %convert_element_type3A_48 = arith.sitofp %jit3A_47 : i32 to f32
    %pad3A_49 = vector.broadcast %convert_element_type3A_48 : f32 to vector<1x256xf32>
    %pad3A_50 = tpu.concatenate %pad3A_49, %add3A_46 in 1 : vector<1x256xf32>, vector<1x4096xf32> -> vector<1x4352xf32>
    %slice3A_51 = vector.extract_strided_slice %pad3A_50 {offsets = [0, 0], sizes = [1, 4096], strides = [1, 1]} : vector<1x4352xf32> to vector<1x4096xf32>
    %add3A_52 = arith.addf %add3A_46, %slice3A_51 : vector<1x4096xf32>
    %jit3A_53 = arith.constant 0 : i32
    %convert_element_type3A_54 = arith.sitofp %jit3A_53 : i32 to f32
    %pad3A_55 = vector.broadcast %convert_element_type3A_54 : f32 to vector<1x512xf32>
    %pad3A_56 = tpu.concatenate %pad3A_55, %add3A_52 in 1 : vector<1x512xf32>, vector<1x4096xf32> -> vector<1x4608xf32>
    %slice3A_57 = vector.extract_strided_slice %pad3A_56 {offsets = [0, 0], sizes = [1, 4096], strides = [1, 1]} : vector<1x4608xf32> to vector<1x4096xf32>
    %add3A_58 = arith.addf %add3A_52, %slice3A_57 : vector<1x4096xf32>
    %jit3A_59 = arith.constant 0 : i32
    %convert_element_type3A_60 = arith.sitofp %jit3A_59 : i32 to f32
    %pad3A_61 = vector.broadcast %convert_element_type3A_60 : f32 to vector<1x1024xf32>
    %pad3A_62 = tpu.concatenate %pad3A_61, %add3A_58 in 1 : vector<1x1024xf32>, vector<1x4096xf32> -> vector<1x5120xf32>
    %slice3A_63 = vector.extract_strided_slice %pad3A_62 {offsets = [0, 0], sizes = [1, 4096], strides = [1, 1]} : vector<1x5120xf32> to vector<1x4096xf32>
    %add3A_64 = arith.addf %add3A_58, %slice3A_63 : vector<1x4096xf32>
    %jit3A_65 = arith.constant 0 : i32
    %convert_element_type3A_66 = arith.sitofp %jit3A_65 : i32 to f32
    %pad3A_67 = vector.broadcast %convert_element_type3A_66 : f32 to vector<1x2048xf32>
    %pad3A_68 = tpu.concatenate %pad3A_67, %add3A_64 in 1 : vector<1x2048xf32>, vector<1x4096xf32> -> vector<1x6144xf32>
    %slice3A_69 = vector.extract_strided_slice %pad3A_68 {offsets = [0, 0], sizes = [1, 4096], strides = [1, 1]} : vector<1x6144xf32> to vector<1x4096xf32>
    %add3A_70 = arith.addf %add3A_64, %slice3A_69 : vector<1x4096xf32>
    %iota3A = tpu.iota {dimensions = array<i32: 0>} : vector<1024x1xi32>
    %convert_element_type3A_71 = arith.sitofp %iota3A : vector<1024x1xi32> to vector<1024x1xf32>
    %le3A = vector.broadcast %add3A_70 : vector<1x4096xf32> to vector<1024x4096xf32>
    %le3A_72 = vector.broadcast %convert_element_type3A_71 : vector<1024x1xf32> to vector<1024x4096xf32>
    %le3A_73 = arith.cmpf ole, %le3A, %le3A_72 : vector<1024x4096xf32>
    %convert_element_type3A_74 = arith.extui %le3A_73 : vector<1024x4096xi1> to vector<1024x4096xi32>
    %convert_element_type3A_75 = arith.sitofp %convert_element_type3A_74 : vector<1024x4096xi32> to vector<1024x4096xf32>
    %reduce_sum3A = arith.constant dense<0.000000e+00> : vector<1024xf32>
    %reduce_sum3A_76 = vector.multi_reduction <add>, %convert_element_type3A_75, %reduce_sum3A [1] : vector<1024x4096xf32> to vector<1024xf32>
    %broadcast_in_dim3A = vector.shape_cast %reduce_sum3A_76 : vector<1024xf32> to vector<1024x1xf32>
    %jit3A_77 = arith.constant 2 : i32
    %eq3A = arith.constant 0 : i32
    %eq3A_78 = arith.cmpi eq, %jit3A_77, %eq3A : i32
    %jit3A_79 = arith.constant 1 : i32
    %select_n3A = arith.select %eq3A_78, %jit3A_79, %jit3A_77 : i32
    %rem3A = arith.remsi %arg0, %select_n3A : i32
    %ne3A = arith.constant 0 : i32
    %ne3A_80 = arith.cmpi ne, %rem3A, %ne3A : i32
    %lt3A = arith.constant 0 : i32
    %lt3A_81 = arith.cmpi slt, %rem3A, %lt3A : i32
    %lt3A_82 = arith.constant 0 : i32
    %lt3A_83 = arith.cmpi slt, %select_n3A, %lt3A_82 : i32
    %ne3A_84 = arith.xori %lt3A_81, %lt3A_83 : i1
    %and3A = arith.andi %ne3A_84, %ne3A_80 : i1
    %add3A_85 = arith.addi %rem3A, %select_n3A : i32
    %select_n3A_86 = arith.select %and3A, %add3A_85, %rem3A : i32
    %mul3A = arith.constant 4096 : i32
    %mul3A_87 = arith.muli %select_n3A_86, %mul3A : i32
    %convert_element_type3A_88 = arith.fptosi %broadcast_in_dim3A : vector<1024x1xf32> to vector<1024x1xi32>
    %add3A_89 = vector.broadcast %mul3A_87 : i32 to vector<1024x1xi32>
    %add3A_90 = arith.addi %convert_element_type3A_88, %add3A_89 : vector<1024x1xi32>
    %swap3A = arith.constant 0 : index
    %swap3A_91 = arith.constant 0 : index
    %swap3A_92 = arith.constant 0 : index
    %swap3A_93 = vector.load %arg2[%swap3A, %swap3A_91, %swap3A_92] : memref<1x1024x1xi32, #tpu.memory_space<vmem>>, vector<1x1024x1xi32>
    %swap3A_94 = vector.shape_cast %swap3A_93 : vector<1x1024x1xi32> to vector<1024x1xi32>
    %swap3A_95 = vector.shape_cast %add3A_90 : vector<1024x1xi32> to vector<1x1024x1xi32>
    tpu.vector_store %arg2[%swap3A, %swap3A_91, %swap3A_92], %swap3A_95 {strides = array<i32>} : memref<1x1024x1xi32, #tpu.memory_space<vmem>>, vector<1x1024x1xi32>,
    return
  }
  func.func @transform_0(%arg0: i32) -> (i32, i32, i32) {
    %c0_i32 = arith.constant 0 : i32
    %c0_i32_0 = arith.constant 0 : i32
    %c0_i32_1 = arith.constant 0 : i32
    return %arg0, %c0_i32, %c0_i32_0 : i32, i32, i32
  }
  func.func @transform_1(%arg0: i32) -> (i32, i32, i32) {
    %c0_i32 = arith.constant 0 : i32
    %c0_i32_0 = arith.constant 0 : i32
    %c0_i32_1 = arith.constant 0 : i32
    return %arg0, %c0_i32, %c0_i32_0 : i32, i32, i32
  }
}

module attributes {stable_mosaic.version = 14 : i64} {
  func.func @_kvproj_body(%arg0: i32, %arg1: memref<1x1024x1024xf32, #tpu.memory_space<vmem>>, %arg2: memref<1x1024xf32, #tpu.memory_space<vmem>>, %arg3: memref<2048x1024xf32, #tpu.memory_space<vmem>>, %arg4: memref<1x1024x2048xbf16, #tpu.memory_space<vmem>>) attributes {dimension_semantics = [#tpu.dimension_semantics<arbitrary>], iteration_bounds = array<i64: 2>, scalar_prefetch = 0 : i64, scratch_operands = 0 : i64, tpu.core_type = #tpu.core_type<tc>, window_params = [{transform_indices = @transform_0, window_bounds = array<i64: 1, 1024, 1024>}, {pipeline_mode = #tpu.pipeline_mode<synchronous>, transform_indices = @transform_1, window_bounds = array<i64: 1, 1024>}, {pipeline_mode = #tpu.pipeline_mode<synchronous>, transform_indices = @transform_2, window_bounds = array<i64: 2048, 1024>}, {transform_indices = @transform_3, window_bounds = array<i64: 1, 1024, 2048>}]} {
    %get3A = arith.constant 0 : index
    %get3A_0 = arith.constant 0 : index
    %get3A_1 = arith.constant 0 : index
    %get3A_2 = vector.load %arg1[%get3A, %get3A_0, %get3A_1] : memref<1x1024x1024xf32, #tpu.memory_space<vmem>>, vector<1x1024x1024xf32>
    %get3A_3 = vector.shape_cast %get3A_2 : vector<1x1024x1024xf32> to vector<1024x1024xf32>
    %get3A_4 = arith.constant 0 : index
    %get3A_5 = arith.constant 0 : index
    %get3A_6 = vector.load %arg2[%get3A_4, %get3A_5] : memref<1x1024xf32, #tpu.memory_space<vmem>>, vector<1x1024xf32>
    %mul3A = arith.mulf %get3A_3, %get3A_3 : vector<1024x1024xf32>
    %reduce_sum3A = arith.constant dense<0.000000e+00> : vector<1024xf32>
    %reduce_sum3A_7 = vector.multi_reduction <add>, %mul3A, %reduce_sum3A [1] : vector<1024x1024xf32> to vector<1024xf32>
    %broadcast_in_dim3A = vector.shape_cast %reduce_sum3A_7 : vector<1024xf32> to vector<1024x1xf32>
    %sqrt3A = math.sqrt %broadcast_in_dim3A : vector<1024x1xf32>
    %max3A = arith.constant 9.99999996E-13 : f32
    %max3A_8 = vector.broadcast %max3A : f32 to vector<1024x1xf32>
    %max3A_9 = arith.maximumf %sqrt3A, %max3A_8 : vector<1024x1xf32>
    %div3A = vector.broadcast %max3A_9 : vector<1024x1xf32> to vector<1024x1024xf32>
    %div3A_10 = arith.divf %get3A_3, %div3A : vector<1024x1024xf32>
    %mul3A_11 = arith.constant 3.200000e+01 : f32
    %mul3A_12 = vector.broadcast %mul3A_11 : f32 to vector<1024x1024xf32>
    %mul3A_13 = arith.mulf %div3A_10, %mul3A_12 : vector<1024x1024xf32>
    %mul3A_14 = vector.broadcast %get3A_6 : vector<1x1024xf32> to vector<1024x1024xf32>
    %mul3A_15 = arith.mulf %mul3A_13, %mul3A_14 : vector<1024x1024xf32>
    %get3A_16 = arith.constant 0 : index
    %get3A_17 = arith.constant 0 : index
    %get3A_18 = vector.load %arg3[%get3A_16, %get3A_17] : memref<2048x1024xf32, #tpu.memory_space<vmem>>, vector<2048x1024xf32>
    %convert_element_type3A = arith.truncf %mul3A_15 : vector<1024x1024xf32> to vector<1024x1024xbf16>
    %convert_element_type3A_19 = arith.truncf %get3A_18 : vector<2048x1024xf32> to vector<2048x1024xbf16>
    %dot_general3A = arith.constant dense<0.000000e+00> : vector<1024x2048xf32>
    %dot_general3A_20 = tpu.matmul %convert_element_type3A, %convert_element_type3A_19, %dot_general3A {dimension_numbers = #tpu.dot_dimension_numbers<[1], [1], [0], [0], [0, 0, 1, 0], [], []>, transpose_lhs_hint = false} : vector<1024x1024xbf16>, vector<2048x1024xbf16>, vector<1024x2048xf32> -> vector<1024x2048xf32>
    %convert_element_type3A_21 = arith.truncf %dot_general3A_20 : vector<1024x2048xf32> to vector<1024x2048xbf16>
    %swap3A = arith.constant 0 : index
    %swap3A_22 = arith.constant 0 : index
    %swap3A_23 = arith.constant 0 : index
    %swap3A_24 = vector.load %arg4[%swap3A, %swap3A_22, %swap3A_23] : memref<1x1024x2048xbf16, #tpu.memory_space<vmem>>, vector<1x1024x2048xbf16>
    %swap3A_25 = vector.shape_cast %swap3A_24 : vector<1x1024x2048xbf16> to vector<1024x2048xbf16>
    %swap3A_26 = vector.shape_cast %convert_element_type3A_21 : vector<1024x2048xbf16> to vector<1x1024x2048xbf16>
    tpu.vector_store %arg4[%swap3A, %swap3A_22, %swap3A_23], %swap3A_26 {strides = array<i32>} : memref<1x1024x2048xbf16, #tpu.memory_space<vmem>>, vector<1x1024x2048xbf16>,
    return
  }
  func.func @transform_0(%arg0: i32) -> (i32, i32, i32) {
    %c0_i32 = arith.constant 0 : i32
    %c0_i32_0 = arith.constant 0 : i32
    %c0_i32_1 = arith.constant 0 : i32
    return %arg0, %c0_i32, %c0_i32_0 : i32, i32, i32
  }
  func.func @transform_1(%arg0: i32) -> (i32, i32) {
    %c0_i32 = arith.constant 0 : i32
    %c0_i32_0 = arith.constant 0 : i32
    %c0_i32_1 = arith.constant 0 : i32
    return %c0_i32, %c0_i32_0 : i32, i32
  }
  func.func @transform_2(%arg0: i32) -> (i32, i32) {
    %c0_i32 = arith.constant 0 : i32
    %c0_i32_0 = arith.constant 0 : i32
    %c0_i32_1 = arith.constant 0 : i32
    return %c0_i32, %c0_i32_0 : i32, i32
  }
  func.func @transform_3(%arg0: i32) -> (i32, i32, i32) {
    %c0_i32 = arith.constant 0 : i32
    %c0_i32_0 = arith.constant 0 : i32
    %c0_i32_1 = arith.constant 0 : i32
    return %arg0, %c0_i32, %c0_i32_0 : i32, i32, i32
  }
}

module attributes {stable_mosaic.version = 14 : i64} {
  func.func @_qproj_body(%arg0: i32, %arg1: memref<1x1024x1024xf32, #tpu.memory_space<vmem>>, %arg2: memref<1x1024xf32, #tpu.memory_space<vmem>>, %arg3: memref<1024x1024xf32, #tpu.memory_space<vmem>>, %arg4: memref<1x1024x1024xbf16, #tpu.memory_space<vmem>>) attributes {dimension_semantics = [#tpu.dimension_semantics<arbitrary>], iteration_bounds = array<i64: 2>, scalar_prefetch = 0 : i64, scratch_operands = 0 : i64, tpu.core_type = #tpu.core_type<tc>, window_params = [{transform_indices = @transform_0, window_bounds = array<i64: 1, 1024, 1024>}, {pipeline_mode = #tpu.pipeline_mode<synchronous>, transform_indices = @transform_1, window_bounds = array<i64: 1, 1024>}, {pipeline_mode = #tpu.pipeline_mode<synchronous>, transform_indices = @transform_2, window_bounds = array<i64: 1024, 1024>}, {transform_indices = @transform_3, window_bounds = array<i64: 1, 1024, 1024>}]} {
    %get3A = arith.constant 0 : index
    %get3A_0 = arith.constant 0 : index
    %get3A_1 = arith.constant 0 : index
    %get3A_2 = vector.load %arg1[%get3A, %get3A_0, %get3A_1] : memref<1x1024x1024xf32, #tpu.memory_space<vmem>>, vector<1x1024x1024xf32>
    %get3A_3 = vector.shape_cast %get3A_2 : vector<1x1024x1024xf32> to vector<1024x1024xf32>
    %get3A_4 = arith.constant 0 : index
    %get3A_5 = arith.constant 0 : index
    %get3A_6 = vector.load %arg2[%get3A_4, %get3A_5] : memref<1x1024xf32, #tpu.memory_space<vmem>>, vector<1x1024xf32>
    %mul3A = arith.mulf %get3A_3, %get3A_3 : vector<1024x1024xf32>
    %reduce_sum3A = arith.constant dense<0.000000e+00> : vector<1024xf32>
    %reduce_sum3A_7 = vector.multi_reduction <add>, %mul3A, %reduce_sum3A [1] : vector<1024x1024xf32> to vector<1024xf32>
    %broadcast_in_dim3A = vector.shape_cast %reduce_sum3A_7 : vector<1024xf32> to vector<1024x1xf32>
    %sqrt3A = math.sqrt %broadcast_in_dim3A : vector<1024x1xf32>
    %max3A = arith.constant 9.99999996E-13 : f32
    %max3A_8 = vector.broadcast %max3A : f32 to vector<1024x1xf32>
    %max3A_9 = arith.maximumf %sqrt3A, %max3A_8 : vector<1024x1xf32>
    %div3A = vector.broadcast %max3A_9 : vector<1024x1xf32> to vector<1024x1024xf32>
    %div3A_10 = arith.divf %get3A_3, %div3A : vector<1024x1024xf32>
    %mul3A_11 = arith.constant 3.200000e+01 : f32
    %mul3A_12 = vector.broadcast %mul3A_11 : f32 to vector<1024x1024xf32>
    %mul3A_13 = arith.mulf %div3A_10, %mul3A_12 : vector<1024x1024xf32>
    %mul3A_14 = vector.broadcast %get3A_6 : vector<1x1024xf32> to vector<1024x1024xf32>
    %mul3A_15 = arith.mulf %mul3A_13, %mul3A_14 : vector<1024x1024xf32>
    %get3A_16 = arith.constant 0 : index
    %get3A_17 = arith.constant 0 : index
    %get3A_18 = vector.load %arg3[%get3A_16, %get3A_17] : memref<1024x1024xf32, #tpu.memory_space<vmem>>, vector<1024x1024xf32>
    %convert_element_type3A = arith.truncf %mul3A_15 : vector<1024x1024xf32> to vector<1024x1024xbf16>
    %convert_element_type3A_19 = arith.truncf %get3A_18 : vector<1024x1024xf32> to vector<1024x1024xbf16>
    %dot_general3A = arith.constant dense<0.000000e+00> : vector<1024x1024xf32>
    %dot_general3A_20 = tpu.matmul %convert_element_type3A, %convert_element_type3A_19, %dot_general3A {dimension_numbers = #tpu.dot_dimension_numbers<[1], [1], [0], [0], [0, 0, 1, 0], [], []>, transpose_lhs_hint = false} : vector<1024x1024xbf16>, vector<1024x1024xbf16>, vector<1024x1024xf32> -> vector<1024x1024xf32>
    %convert_element_type3A_21 = arith.truncf %dot_general3A_20 : vector<1024x1024xf32> to vector<1024x1024xbf16>
    %swap3A = arith.constant 0 : index
    %swap3A_22 = arith.constant 0 : index
    %swap3A_23 = arith.constant 0 : index
    %swap3A_24 = vector.load %arg4[%swap3A, %swap3A_22, %swap3A_23] : memref<1x1024x1024xbf16, #tpu.memory_space<vmem>>, vector<1x1024x1024xbf16>
    %swap3A_25 = vector.shape_cast %swap3A_24 : vector<1x1024x1024xbf16> to vector<1024x1024xbf16>
    %swap3A_26 = vector.shape_cast %convert_element_type3A_21 : vector<1024x1024xbf16> to vector<1x1024x1024xbf16>
    tpu.vector_store %arg4[%swap3A, %swap3A_22, %swap3A_23], %swap3A_26 {strides = array<i32>} : memref<1x1024x1024xbf16, #tpu.memory_space<vmem>>, vector<1x1024x1024xbf16>,
    return
  }
  func.func @transform_0(%arg0: i32) -> (i32, i32, i32) {
    %c0_i32 = arith.constant 0 : i32
    %c0_i32_0 = arith.constant 0 : i32
    %c0_i32_1 = arith.constant 0 : i32
    return %arg0, %c0_i32, %c0_i32_0 : i32, i32, i32
  }
  func.func @transform_1(%arg0: i32) -> (i32, i32) {
    %c0_i32 = arith.constant 0 : i32
    %c0_i32_0 = arith.constant 0 : i32
    %c0_i32_1 = arith.constant 0 : i32
    return %c0_i32, %c0_i32_0 : i32, i32
  }
  func.func @transform_2(%arg0: i32) -> (i32, i32) {
    %c0_i32 = arith.constant 0 : i32
    %c0_i32_0 = arith.constant 0 : i32
    %c0_i32_1 = arith.constant 0 : i32
    return %c0_i32, %c0_i32_0 : i32, i32
  }
  func.func @transform_3(%arg0: i32) -> (i32, i32, i32) {
    %c0_i32 = arith.constant 0 : i32
    %c0_i32_0 = arith.constant 0 : i32
    %c0_i32_1 = arith.constant 0 : i32
    return %arg0, %c0_i32, %c0_i32_0 : i32, i32, i32
  }
}

module attributes {stable_mosaic.version = 14 : i64} {
  func.func @_head_body(%arg0: i32, %arg1: i32, %arg2: memref<1x1024x128xbf16, #tpu.memory_space<vmem>>, %arg3: memref<1x1024x256xbf16, #tpu.memory_space<vmem>>, %arg4: memref<1x2x64xf32, #tpu.memory_space<vmem>>, %arg5: memref<1x2x64xf32, #tpu.memory_space<vmem>>, %arg6: memref<1024x128xf32, #tpu.memory_space<vmem>>, %arg7: memref<1x1024x1024xf32, #tpu.memory_space<vmem>>) attributes {dimension_semantics = [#tpu.dimension_semantics<arbitrary>, #tpu.dimension_semantics<arbitrary>], iteration_bounds = array<i64: 2, 8>, scalar_prefetch = 0 : i64, scratch_operands = 0 : i64, tpu.core_type = #tpu.core_type<tc>, window_params = [{transform_indices = @transform_0, window_bounds = array<i64: 1, 1024, 128>}, {transform_indices = @transform_1, window_bounds = array<i64: 1, 1024, 256>}, {transform_indices = @transform_2, window_bounds = array<i64: 1, 2, 64>}, {transform_indices = @transform_3, window_bounds = array<i64: 1, 2, 64>}, {transform_indices = @transform_4, window_bounds = array<i64: 1024, 128>}, {transform_indices = @transform_5, window_bounds = array<i64: 1, 1024, 1024>}]} {
    %get3A = arith.constant 0 : index
    %get3A_0 = arith.constant 0 : index
    %get3A_1 = arith.constant 0 : index
    %get3A_2 = vector.load %arg2[%get3A, %get3A_0, %get3A_1] : memref<1x1024x128xbf16, #tpu.memory_space<vmem>>, vector<1x1024x128xbf16>
    %get3A_3 = vector.shape_cast %get3A_2 : vector<1x1024x128xbf16> to vector<1024x128xbf16>
    %slice3A = vector.extract_strided_slice %get3A_3 {offsets = [0, 0], sizes = [1024, 64], strides = [1, 1]} : vector<1024x128xbf16> to vector<1024x64xbf16>
    %get3A_4 = arith.constant 0 : index
    %get3A_5 = arith.constant 0 : index
    %get3A_6 = arith.constant 0 : index
    %get3A_7 = vector.load %arg3[%get3A_4, %get3A_5, %get3A_6] : memref<1x1024x256xbf16, #tpu.memory_space<vmem>>, vector<1x1024x256xbf16>
    %get3A_8 = vector.shape_cast %get3A_7 : vector<1x1024x256xbf16> to vector<1024x256xbf16>
    %slice3A_9 = vector.extract_strided_slice %get3A_8 {offsets = [0, 0], sizes = [1024, 64], strides = [1, 1]} : vector<1024x256xbf16> to vector<1024x64xbf16>
    %get3A_10 = arith.constant 0 : index
    %get3A_11 = arith.constant 0 : index
    %get3A_12 = arith.constant 0 : index
    %get3A_13 = vector.load %arg3[%get3A_10, %get3A_11, %get3A_12] : memref<1x1024x256xbf16, #tpu.memory_space<vmem>>, vector<1x1024x256xbf16>
    %get3A_14 = vector.shape_cast %get3A_13 : vector<1x1024x256xbf16> to vector<1024x256xbf16>
    %slice3A_15 = vector.extract_strided_slice %get3A_14 {offsets = [0, 64], sizes = [1024, 64], strides = [1, 1]} : vector<1024x256xbf16> to vector<1024x64xbf16>
    %convert_element_type3A = arith.extf %slice3A : vector<1024x64xbf16> to vector<1024x64xf32>
    %mul3A = arith.constant 1.250000e-01 : f32
    %mul3A_16 = vector.broadcast %mul3A : f32 to vector<1024x64xf32>
    %mul3A_17 = arith.mulf %convert_element_type3A, %mul3A_16 : vector<1024x64xf32>
    %convert_element_type3A_18 = arith.truncf %mul3A_17 : vector<1024x64xf32> to vector<1024x64xbf16>
    %dot_general3A = arith.constant dense<0.000000e+00> : vector<1024x1024xf32>
    %dot_general3A_19 = tpu.matmul %convert_element_type3A_18, %slice3A_9, %dot_general3A {dimension_numbers = #tpu.dot_dimension_numbers<[1], [1], [0], [0], [0, 0, 1, 0], [], []>, transpose_lhs_hint = false} : vector<1024x64xbf16>, vector<1024x64xbf16>, vector<1024x1024xf32> -> vector<1024x1024xf32>
    %get3A_20 = arith.constant 0 : index
    %get3A_21 = arith.constant 0 : index
    %get3A_22 = arith.constant 0 : index
    %get3A_23 = vector.load %arg4[%get3A_20, %get3A_21, %get3A_22] : memref<1x2x64xf32, #tpu.memory_space<vmem>>, vector<1x2x64xf32>
    %get3A_24 = vector.shape_cast %get3A_23 : vector<1x2x64xf32> to vector<2x64xf32>
    %slice3A_25 = vector.extract_strided_slice %get3A_24 {offsets = [0, 0], sizes = [1, 64], strides = [1, 1]} : vector<2x64xf32> to vector<1x64xf32>
    %mul3A_26 = vector.broadcast %slice3A_25 : vector<1x64xf32> to vector<1024x64xf32>
    %mul3A_27 = arith.mulf %convert_element_type3A, %mul3A_26 : vector<1024x64xf32>
    %reduce_sum3A = arith.constant dense<0.000000e+00> : vector<1024xf32>
    %reduce_sum3A_28 = vector.multi_reduction <add>, %mul3A_27, %reduce_sum3A [1] : vector<1024x64xf32> to vector<1024xf32>
    %broadcast_in_dim3A = vector.shape_cast %reduce_sum3A_28 : vector<1024xf32> to vector<1024x1xf32>
    %mul3A_29 = arith.constant 1.250000e-01 : f32
    %mul3A_30 = vector.broadcast %mul3A_29 : f32 to vector<1024x1xf32>
    %mul3A_31 = arith.mulf %broadcast_in_dim3A, %mul3A_30 : vector<1024x1xf32>
    %exp3A = math.exp %dot_general3A_19 : vector<1024x1024xf32>
    %exp3A_32 = math.exp %mul3A_31 : vector<1024x1xf32>
    %reduce_sum3A_33 = arith.constant dense<0.000000e+00> : vector<1024xf32>
    %reduce_sum3A_34 = vector.multi_reduction <add>, %exp3A, %reduce_sum3A_33 [1] : vector<1024x1024xf32> to vector<1024xf32>
    %broadcast_in_dim3A_35 = vector.shape_cast %reduce_sum3A_34 : vector<1024xf32> to vector<1024x1xf32>
    %add3A = arith.addf %broadcast_in_dim3A_35, %exp3A_32 : vector<1024x1xf32>
    %convert_element_type3A_36 = arith.truncf %exp3A : vector<1024x1024xf32> to vector<1024x1024xbf16>
    %dot_general3A_37 = arith.constant dense<0.000000e+00> : vector<1024x64xf32>
    %dot_general3A_38 = tpu.matmul %convert_element_type3A_36, %slice3A_15, %dot_general3A_37 {dimension_numbers = #tpu.dot_dimension_numbers<[1], [0], [0], [1], [0, 0, 1, 1], [], []>, transpose_lhs_hint = false} : vector<1024x1024xbf16>, vector<1024x64xbf16>, vector<1024x64xf32> -> vector<1024x64xf32>
    %get3A_39 = arith.constant 0 : index
    %get3A_40 = arith.constant 0 : index
    %get3A_41 = arith.constant 0 : index
    %get3A_42 = vector.load %arg5[%get3A_39, %get3A_40, %get3A_41] : memref<1x2x64xf32, #tpu.memory_space<vmem>>, vector<1x2x64xf32>
    %get3A_43 = vector.shape_cast %get3A_42 : vector<1x2x64xf32> to vector<2x64xf32>
    %slice3A_44 = vector.extract_strided_slice %get3A_43 {offsets = [0, 0], sizes = [1, 64], strides = [1, 1]} : vector<2x64xf32> to vector<1x64xf32>
    %mul3A_45 = vector.broadcast %exp3A_32 : vector<1024x1xf32> to vector<1024x64xf32>
    %mul3A_46 = vector.broadcast %slice3A_44 : vector<1x64xf32> to vector<1024x64xf32>
    %mul3A_47 = arith.mulf %mul3A_45, %mul3A_46 : vector<1024x64xf32>
    %add3A_48 = arith.addf %dot_general3A_38, %mul3A_47 : vector<1024x64xf32>
    %div3A = vector.broadcast %add3A : vector<1024x1xf32> to vector<1024x64xf32>
    %div3A_49 = arith.divf %add3A_48, %div3A : vector<1024x64xf32>
    %get3A_50 = arith.constant 0 : index
    %get3A_51 = arith.constant 0 : index
    %get3A_52 = arith.constant 0 : index
    %get3A_53 = vector.load %arg2[%get3A_50, %get3A_51, %get3A_52] : memref<1x1024x128xbf16, #tpu.memory_space<vmem>>, vector<1x1024x128xbf16>
    %get3A_54 = vector.shape_cast %get3A_53 : vector<1x1024x128xbf16> to vector<1024x128xbf16>
    %slice3A_55 = vector.extract_strided_slice %get3A_54 {offsets = [0, 64], sizes = [1024, 64], strides = [1, 1]} : vector<1024x128xbf16> to vector<1024x64xbf16>
    %get3A_56 = arith.constant 0 : index
    %get3A_57 = arith.constant 0 : index
    %get3A_58 = arith.constant 0 : index
    %get3A_59 = vector.load %arg3[%get3A_56, %get3A_57, %get3A_58] : memref<1x1024x256xbf16, #tpu.memory_space<vmem>>, vector<1x1024x256xbf16>
    %get3A_60 = vector.shape_cast %get3A_59 : vector<1x1024x256xbf16> to vector<1024x256xbf16>
    %slice3A_61 = vector.extract_strided_slice %get3A_60 {offsets = [0, 128], sizes = [1024, 64], strides = [1, 1]} : vector<1024x256xbf16> to vector<1024x64xbf16>
    %get3A_62 = arith.constant 0 : index
    %get3A_63 = arith.constant 0 : index
    %get3A_64 = arith.constant 0 : index
    %get3A_65 = vector.load %arg3[%get3A_62, %get3A_63, %get3A_64] : memref<1x1024x256xbf16, #tpu.memory_space<vmem>>, vector<1x1024x256xbf16>
    %get3A_66 = vector.shape_cast %get3A_65 : vector<1x1024x256xbf16> to vector<1024x256xbf16>
    %slice3A_67 = vector.extract_strided_slice %get3A_66 {offsets = [0, 192], sizes = [1024, 64], strides = [1, 1]} : vector<1024x256xbf16> to vector<1024x64xbf16>
    %convert_element_type3A_68 = arith.extf %slice3A_55 : vector<1024x64xbf16> to vector<1024x64xf32>
    %mul3A_69 = arith.constant 1.250000e-01 : f32
    %mul3A_70 = vector.broadcast %mul3A_69 : f32 to vector<1024x64xf32>
    %mul3A_71 = arith.mulf %convert_element_type3A_68, %mul3A_70 : vector<1024x64xf32>
    %convert_element_type3A_72 = arith.truncf %mul3A_71 : vector<1024x64xf32> to vector<1024x64xbf16>
    %dot_general3A_73 = arith.constant dense<0.000000e+00> : vector<1024x1024xf32>
    %dot_general3A_74 = tpu.matmul %convert_element_type3A_72, %slice3A_61, %dot_general3A_73 {dimension_numbers = #tpu.dot_dimension_numbers<[1], [1], [0], [0], [0, 0, 1, 0], [], []>, transpose_lhs_hint = false} : vector<1024x64xbf16>, vector<1024x64xbf16>, vector<1024x1024xf32> -> vector<1024x1024xf32>
    %get3A_75 = arith.constant 0 : index
    %get3A_76 = arith.constant 0 : index
    %get3A_77 = arith.constant 0 : index
    %get3A_78 = vector.load %arg4[%get3A_75, %get3A_76, %get3A_77] : memref<1x2x64xf32, #tpu.memory_space<vmem>>, vector<1x2x64xf32>
    %get3A_79 = vector.shape_cast %get3A_78 : vector<1x2x64xf32> to vector<2x64xf32>
    %slice3A_80 = vector.extract_strided_slice %get3A_79 {offsets = [1, 0], sizes = [1, 64], strides = [1, 1]} : vector<2x64xf32> to vector<1x64xf32>
    %mul3A_81 = vector.broadcast %slice3A_80 : vector<1x64xf32> to vector<1024x64xf32>
    %mul3A_82 = arith.mulf %convert_element_type3A_68, %mul3A_81 : vector<1024x64xf32>
    %reduce_sum3A_83 = arith.constant dense<0.000000e+00> : vector<1024xf32>
    %reduce_sum3A_84 = vector.multi_reduction <add>, %mul3A_82, %reduce_sum3A_83 [1] : vector<1024x64xf32> to vector<1024xf32>
    %broadcast_in_dim3A_85 = vector.shape_cast %reduce_sum3A_84 : vector<1024xf32> to vector<1024x1xf32>
    %mul3A_86 = arith.constant 1.250000e-01 : f32
    %mul3A_87 = vector.broadcast %mul3A_86 : f32 to vector<1024x1xf32>
    %mul3A_88 = arith.mulf %broadcast_in_dim3A_85, %mul3A_87 : vector<1024x1xf32>
    %exp3A_89 = math.exp %dot_general3A_74 : vector<1024x1024xf32>
    %exp3A_90 = math.exp %mul3A_88 : vector<1024x1xf32>
    %reduce_sum3A_91 = arith.constant dense<0.000000e+00> : vector<1024xf32>
    %reduce_sum3A_92 = vector.multi_reduction <add>, %exp3A_89, %reduce_sum3A_91 [1] : vector<1024x1024xf32> to vector<1024xf32>
    %broadcast_in_dim3A_93 = vector.shape_cast %reduce_sum3A_92 : vector<1024xf32> to vector<1024x1xf32>
    %add3A_94 = arith.addf %broadcast_in_dim3A_93, %exp3A_90 : vector<1024x1xf32>
    %convert_element_type3A_95 = arith.truncf %exp3A_89 : vector<1024x1024xf32> to vector<1024x1024xbf16>
    %dot_general3A_96 = arith.constant dense<0.000000e+00> : vector<1024x64xf32>
    %dot_general3A_97 = tpu.matmul %convert_element_type3A_95, %slice3A_67, %dot_general3A_96 {dimension_numbers = #tpu.dot_dimension_numbers<[1], [0], [0], [1], [0, 0, 1, 1], [], []>, transpose_lhs_hint = false} : vector<1024x1024xbf16>, vector<1024x64xbf16>, vector<1024x64xf32> -> vector<1024x64xf32>
    %get3A_98 = arith.constant 0 : index
    %get3A_99 = arith.constant 0 : index
    %get3A_100 = arith.constant 0 : index
    %get3A_101 = vector.load %arg5[%get3A_98, %get3A_99, %get3A_100] : memref<1x2x64xf32, #tpu.memory_space<vmem>>, vector<1x2x64xf32>
    %get3A_102 = vector.shape_cast %get3A_101 : vector<1x2x64xf32> to vector<2x64xf32>
    %slice3A_103 = vector.extract_strided_slice %get3A_102 {offsets = [1, 0], sizes = [1, 64], strides = [1, 1]} : vector<2x64xf32> to vector<1x64xf32>
    %mul3A_104 = vector.broadcast %exp3A_90 : vector<1024x1xf32> to vector<1024x64xf32>
    %mul3A_105 = vector.broadcast %slice3A_103 : vector<1x64xf32> to vector<1024x64xf32>
    %mul3A_106 = arith.mulf %mul3A_104, %mul3A_105 : vector<1024x64xf32>
    %add3A_107 = arith.addf %dot_general3A_97, %mul3A_106 : vector<1024x64xf32>
    %div3A_108 = vector.broadcast %add3A_94 : vector<1024x1xf32> to vector<1024x64xf32>
    %div3A_109 = arith.divf %add3A_107, %div3A_108 : vector<1024x64xf32>
    %concatenate3A = tpu.concatenate %div3A_49, %div3A_109 in 1 : vector<1024x64xf32>, vector<1024x64xf32> -> vector<1024x128xf32>
    %get3A_110 = arith.constant 0 : index
    %get3A_111 = arith.constant 0 : index
    %get3A_112 = vector.load %arg6[%get3A_110, %get3A_111] : memref<1024x128xf32, #tpu.memory_space<vmem>>, vector<1024x128xf32>
    %convert_element_type3A_113 = arith.truncf %concatenate3A : vector<1024x128xf32> to vector<1024x128xbf16>
    %convert_element_type3A_114 = arith.truncf %get3A_112 : vector<1024x128xf32> to vector<1024x128xbf16>
    %dot_general3A_115 = arith.constant dense<0.000000e+00> : vector<1024x1024xf32>
    %dot_general3A_116 = tpu.matmul %convert_element_type3A_113, %convert_element_type3A_114, %dot_general3A_115 {dimension_numbers = #tpu.dot_dimension_numbers<[1], [1], [0], [0], [0, 0, 1, 0], [], []>, transpose_lhs_hint = false} : vector<1024x128xbf16>, vector<1024x128xbf16>, vector<1024x1024xf32> -> vector<1024x1024xf32>
    %eq3A = arith.constant 0 : i32
    %eq3A_117 = arith.cmpi eq, %arg1, %eq3A : i32
    %convert_element_type3A_118 = arith.extui %eq3A_117 : i1 to i32
    %cond3A = arith.constant 0 : i32
    %cond3A_119 = arith.cmpi ne, %convert_element_type3A_118, %cond3A : i32
    scf.if %cond3A_119 {
      %swap3A = arith.constant 0 : index
      %swap3A_124 = arith.constant 0 : index
      %swap3A_125 = arith.constant 0 : index
      %swap3A_126 = vector.load %arg7[%swap3A, %swap3A_124, %swap3A_125] : memref<1x1024x1024xf32, #tpu.memory_space<vmem>>, vector<1x1024x1024xf32>
      %swap3A_127 = vector.shape_cast %swap3A_126 : vector<1x1024x1024xf32> to vector<1024x1024xf32>
      %swap3A_128 = vector.shape_cast %dot_general3A_116 : vector<1024x1024xf32> to vector<1x1024x1024xf32>
      tpu.vector_store %arg7[%swap3A, %swap3A_124, %swap3A_125], %swap3A_128 {strides = array<i32>} : memref<1x1024x1024xf32, #tpu.memory_space<vmem>>, vector<1x1024x1024xf32>,
    } else {
    }
    %ne3A = arith.constant 0 : i32
    %ne3A_120 = arith.cmpi ne, %arg1, %ne3A : i32
    %convert_element_type3A_121 = arith.extui %ne3A_120 : i1 to i32
    %cond3A_122 = arith.constant 0 : i32
    %cond3A_123 = arith.cmpi ne, %convert_element_type3A_121, %cond3A_122 : i32
    scf.if %cond3A_123 {
      %get3A_124 = arith.constant 0 : index
      %get3A_125 = arith.constant 0 : index
      %get3A_126 = arith.constant 0 : index
      %get3A_127 = vector.load %arg7[%get3A_124, %get3A_125, %get3A_126] : memref<1x1024x1024xf32, #tpu.memory_space<vmem>>, vector<1x1024x1024xf32>
      %get3A_128 = vector.shape_cast %get3A_127 : vector<1x1024x1024xf32> to vector<1024x1024xf32>
      %add3A_129 = arith.addf %get3A_128, %dot_general3A_116 : vector<1024x1024xf32>
      %swap3A = arith.constant 0 : index
      %swap3A_130 = arith.constant 0 : index
      %swap3A_131 = arith.constant 0 : index
      %swap3A_132 = vector.load %arg7[%swap3A, %swap3A_130, %swap3A_131] : memref<1x1024x1024xf32, #tpu.memory_space<vmem>>, vector<1x1024x1024xf32>
      %swap3A_133 = vector.shape_cast %swap3A_132 : vector<1x1024x1024xf32> to vector<1024x1024xf32>
      %swap3A_134 = vector.shape_cast %add3A_129 : vector<1024x1024xf32> to vector<1x1024x1024xf32>
      tpu.vector_store %arg7[%swap3A, %swap3A_130, %swap3A_131], %swap3A_134 {strides = array<i32>} : memref<1x1024x1024xf32, #tpu.memory_space<vmem>>, vector<1x1024x1024xf32>,
    } else {
    }
    return
  }
  func.func @transform_0(%arg0: i32, %arg1: i32) -> (i32, i32, i32) {
    %c0_i32 = arith.constant 0 : i32
    %c0_i32_0 = arith.constant 0 : i32
    return %arg0, %c0_i32, %arg1 : i32, i32, i32
  }
  func.func @transform_1(%arg0: i32, %arg1: i32) -> (i32, i32, i32) {
    %c0_i32 = arith.constant 0 : i32
    %c0_i32_0 = arith.constant 0 : i32
    return %arg0, %c0_i32, %arg1 : i32, i32, i32
  }
  func.func @transform_2(%arg0: i32, %arg1: i32) -> (i32, i32, i32) {
    %c0_i32 = arith.constant 0 : i32
    %c0_i32_0 = arith.constant 0 : i32
    %c0_i32_1 = arith.constant 0 : i32
    return %arg1, %c0_i32, %c0_i32_0 : i32, i32, i32
  }
  func.func @transform_3(%arg0: i32, %arg1: i32) -> (i32, i32, i32) {
    %c0_i32 = arith.constant 0 : i32
    %c0_i32_0 = arith.constant 0 : i32
    %c0_i32_1 = arith.constant 0 : i32
    return %arg1, %c0_i32, %c0_i32_0 : i32, i32, i32
  }
  func.func @transform_4(%arg0: i32, %arg1: i32) -> (i32, i32) {
    %c0_i32 = arith.constant 0 : i32
    %c0_i32_0 = arith.constant 0 : i32
    return %c0_i32, %arg1 : i32, i32
  }
  func.func @transform_5(%arg0: i32, %arg1: i32) -> (i32, i32, i32) {
    %c0_i32 = arith.constant 0 : i32
    %c0_i32_0 = arith.constant 0 : i32
    %c0_i32_1 = arith.constant 0 : i32
    return %arg0, %c0_i32, %c0_i32_0 : i32, i32, i32
  }
}

module attributes {stable_mosaic.version = 14 : i64} {
  func.func @_local_body(%arg0: i32, %arg1: i32, %arg2: memref<1x1024x1536xbf16, #tpu.memory_space<vmem>>, %arg3: memref<1x1024x1536xbf16, #tpu.memory_space<vmem>>, %arg4: memref<1x1024x1536xbf16, #tpu.memory_space<vmem>>, %arg5: memref<1024x512xf32, #tpu.memory_space<vmem>>, %arg6: memref<1x1024x1024xbf16, #tpu.memory_space<vmem>>) attributes {dimension_semantics = [#tpu.dimension_semantics<arbitrary>, #tpu.dimension_semantics<arbitrary>], iteration_bounds = array<i64: 2, 4>, scalar_prefetch = 0 : i64, scratch_operands = 0 : i64, tpu.core_type = #tpu.core_type<tc>, window_params = [{transform_indices = @transform_0, window_bounds = array<i64: 1, 1024, 1536>}, {transform_indices = @transform_1, window_bounds = array<i64: 1, 1024, 1536>}, {transform_indices = @transform_2, window_bounds = array<i64: 1, 1024, 1536>}, {pipeline_mode = #tpu.pipeline_mode<synchronous>, transform_indices = @transform_3, window_bounds = array<i64: 1024, 512>}, {transform_indices = @transform_4, window_bounds = array<i64: 1, 1024, 1024>}]} {
    %get3A = arith.constant 0 : index
    %get3A_0 = arith.constant 0 : index
    %get3A_1 = arith.constant 0 : index
    %get3A_2 = vector.load %arg2[%get3A, %get3A_0, %get3A_1] : memref<1x1024x1536xbf16, #tpu.memory_space<vmem>>, vector<1x1024x1536xbf16>
    %get3A_3 = vector.shape_cast %get3A_2 : vector<1x1024x1536xbf16> to vector<1024x1536xbf16>
    %get3A_4 = arith.constant 0 : index
    %get3A_5 = arith.constant 0 : index
    %get3A_6 = arith.constant 0 : index
    %get3A_7 = vector.load %arg3[%get3A_4, %get3A_5, %get3A_6] : memref<1x1024x1536xbf16, #tpu.memory_space<vmem>>, vector<1x1024x1536xbf16>
    %get3A_8 = vector.shape_cast %get3A_7 : vector<1x1024x1536xbf16> to vector<1024x1536xbf16>
    %slice3A = vector.extract_strided_slice %get3A_8 {offsets = [896, 512], sizes = [128, 512], strides = [1, 1]} : vector<1024x1536xbf16> to vector<128x512xbf16>
    %slice3A_9 = vector.extract_strided_slice %get3A_3 {offsets = [0, 512], sizes = [1024, 512], strides = [1, 1]} : vector<1024x1536xbf16> to vector<1024x512xbf16>
    %get3A_10 = arith.constant 0 : index
    %get3A_11 = arith.constant 0 : index
    %get3A_12 = arith.constant 0 : index
    %get3A_13 = vector.load %arg4[%get3A_10, %get3A_11, %get3A_12] : memref<1x1024x1536xbf16, #tpu.memory_space<vmem>>, vector<1x1024x1536xbf16>
    %get3A_14 = vector.shape_cast %get3A_13 : vector<1x1024x1536xbf16> to vector<1024x1536xbf16>
    %slice3A_15 = vector.extract_strided_slice %get3A_14 {offsets = [0, 512], sizes = [128, 512], strides = [1, 1]} : vector<1024x1536xbf16> to vector<128x512xbf16>
    %concatenate3A = tpu.concatenate %slice3A, %slice3A_9, %slice3A_15 in 0 : vector<128x512xbf16>, vector<1024x512xbf16>, vector<128x512xbf16> -> vector<1280x512xbf16>
    %get3A_16 = arith.constant 0 : index
    %get3A_17 = arith.constant 0 : index
    %get3A_18 = arith.constant 0 : index
    %get3A_19 = vector.load %arg3[%get3A_16, %get3A_17, %get3A_18] : memref<1x1024x1536xbf16, #tpu.memory_space<vmem>>, vector<1x1024x1536xbf16>
    %get3A_20 = vector.shape_cast %get3A_19 : vector<1x1024x1536xbf16> to vector<1024x1536xbf16>
    %slice3A_21 = vector.extract_strided_slice %get3A_20 {offsets = [896, 1024], sizes = [128, 512], strides = [1, 1]} : vector<1024x1536xbf16> to vector<128x512xbf16>
    %slice3A_22 = vector.extract_strided_slice %get3A_3 {offsets = [0, 1024], sizes = [1024, 512], strides = [1, 1]} : vector<1024x1536xbf16> to vector<1024x512xbf16>
    %get3A_23 = arith.constant 0 : index
    %get3A_24 = arith.constant 0 : index
    %get3A_25 = arith.constant 0 : index
    %get3A_26 = vector.load %arg4[%get3A_23, %get3A_24, %get3A_25] : memref<1x1024x1536xbf16, #tpu.memory_space<vmem>>, vector<1x1024x1536xbf16>
    %get3A_27 = vector.shape_cast %get3A_26 : vector<1x1024x1536xbf16> to vector<1024x1536xbf16>
    %slice3A_28 = vector.extract_strided_slice %get3A_27 {offsets = [0, 1024], sizes = [128, 512], strides = [1, 1]} : vector<1024x1536xbf16> to vector<128x512xbf16>
    %concatenate3A_29 = tpu.concatenate %slice3A_21, %slice3A_22, %slice3A_28 in 0 : vector<128x512xbf16>, vector<1024x512xbf16>, vector<128x512xbf16> -> vector<1280x512xbf16>
    %slice3A_30 = vector.extract_strided_slice %get3A_3 {offsets = [0, 0], sizes = [1024, 512], strides = [1, 1]} : vector<1024x1536xbf16> to vector<1024x512xbf16>
    %convert_element_type3A = arith.extf %slice3A_30 : vector<1024x512xbf16> to vector<1024x512xf32>
    %mul3A = arith.constant 1.250000e-01 : f32
    %mul3A_31 = vector.broadcast %mul3A : f32 to vector<1024x512xf32>
    %mul3A_32 = arith.mulf %convert_element_type3A, %mul3A_31 : vector<1024x512xf32>
    %convert_element_type3A_33 = arith.truncf %mul3A_32 : vector<1024x512xf32> to vector<1024x512xbf16>
    %slice3A_34 = vector.extract_strided_slice %convert_element_type3A_33 {offsets = [0, 0], sizes = [128, 512], strides = [1, 1]} : vector<1024x512xbf16> to vector<128x512xbf16>
    %slice3A_35 = vector.extract_strided_slice %concatenate3A {offsets = [0, 0], sizes = [384, 512], strides = [1, 1]} : vector<1280x512xbf16> to vector<384x512xbf16>
    %slice3A_36 = vector.extract_strided_slice %concatenate3A_29 {offsets = [0, 0], sizes = [384, 512], strides = [1, 1]} : vector<1280x512xbf16> to vector<384x512xbf16>
    %mul3A_37 = arith.constant 1024 : i32
    %mul3A_38 = arith.muli %arg1, %mul3A_37 : i32
    %add3A = arith.constant -128 : i32
    %add3A_39 = arith.addi %mul3A_38, %add3A : i32
    %iota3A = tpu.iota {dimensions = array<i32: 1>} : vector<1x384xi32>
    %add3A_40 = vector.broadcast %add3A_39 : i32 to vector<1x384xi32>
    %add3A_41 = arith.addi %add3A_40, %iota3A : vector<1x384xi32>
    %lt3A = arith.constant 0 : i32
    %lt3A_42 = vector.broadcast %lt3A : i32 to vector<1x384xi32>
    %lt3A_43 = arith.cmpi slt, %add3A_41, %lt3A_42 : vector<1x384xi32>
    %ge3A = arith.constant 4096 : i32
    %ge3A_44 = vector.broadcast %ge3A : i32 to vector<1x384xi32>
    %ge3A_45 = arith.cmpi sge, %add3A_41, %ge3A_44 : vector<1x384xi32>
    %or3A = arith.ori %lt3A_43, %ge3A_45 : vector<1x384xi1>
    %slice3A_46 = vector.extract_strided_slice %slice3A_34 {offsets = [0, 0], sizes = [128, 64], strides = [1, 1]} : vector<128x512xbf16> to vector<128x64xbf16>
    %slice3A_47 = vector.extract_strided_slice %slice3A_35 {offsets = [0, 0], sizes = [384, 64], strides = [1, 1]} : vector<384x512xbf16> to vector<384x64xbf16>
    %dot_general3A = arith.constant dense<0.000000e+00> : vector<128x384xf32>
    %dot_general3A_48 = tpu.matmul %slice3A_46, %slice3A_47, %dot_general3A {dimension_numbers = #tpu.dot_dimension_numbers<[1], [1], [0], [0], [0, 0, 1, 0], [], []>, transpose_lhs_hint = false} : vector<128x64xbf16>, vector<384x64xbf16>, vector<128x384xf32> -> vector<128x384xf32>
    %jit3A = arith.constant -3.40282347E+38 : f32
    %broadcast_in_dim3A = vector.shape_cast %or3A : vector<1x384xi1> to vector<1x384xi1>
    %broadcast_in_dim3A_49 = vector.broadcast %broadcast_in_dim3A : vector<1x384xi1> to vector<128x384xi1>
    %broadcast_in_dim3A_50 = vector.broadcast %jit3A : f32 to vector<128x384xf32>
    %select_n3A = arith.select %broadcast_in_dim3A_49, %broadcast_in_dim3A_50, %dot_general3A_48 : vector<128x384xi1>, vector<128x384xf32>
    %exp3A = math.exp %select_n3A : vector<128x384xf32>
    %reduce_sum3A = arith.constant dense<0.000000e+00> : vector<128xf32>
    %reduce_sum3A_51 = vector.multi_reduction <add>, %exp3A, %reduce_sum3A [1] : vector<128x384xf32> to vector<128xf32>
    %broadcast_in_dim3A_52 = vector.shape_cast %reduce_sum3A_51 : vector<128xf32> to vector<128x1xf32>
    %slice3A_53 = vector.extract_strided_slice %slice3A_36 {offsets = [0, 0], sizes = [384, 64], strides = [1, 1]} : vector<384x512xbf16> to vector<384x64xbf16>
    %convert_element_type3A_54 = arith.truncf %exp3A : vector<128x384xf32> to vector<128x384xbf16>
    %dot_general3A_55 = arith.constant dense<0.000000e+00> : vector<128x64xf32>
    %dot_general3A_56 = tpu.matmul %convert_element_type3A_54, %slice3A_53, %dot_general3A_55 {dimension_numbers = #tpu.dot_dimension_numbers<[1], [0], [0], [1], [0, 0, 1, 1], [], []>, transpose_lhs_hint = false} : vector<128x384xbf16>, vector<384x64xbf16>, vector<128x64xf32> -> vector<128x64xf32>
    %div3A = vector.broadcast %broadcast_in_dim3A_52 : vector<128x1xf32> to vector<128x64xf32>
    %div3A_57 = arith.divf %dot_general3A_56, %div3A : vector<128x64xf32>
    %slice3A_58 = vector.extract_strided_slice %slice3A_34 {offsets = [0, 64], sizes = [128, 64], strides = [1, 1]} : vector<128x512xbf16> to vector<128x64xbf16>
    %slice3A_59 = vector.extract_strided_slice %slice3A_35 {offsets = [0, 64], sizes = [384, 64], strides = [1, 1]} : vector<384x512xbf16> to vector<384x64xbf16>
    %dot_general3A_60 = arith.constant dense<0.000000e+00> : vector<128x384xf32>
    %dot_general3A_61 = tpu.matmul %slice3A_58, %slice3A_59, %dot_general3A_60 {dimension_numbers = #tpu.dot_dimension_numbers<[1], [1], [0], [0], [0, 0, 1, 0], [], []>, transpose_lhs_hint = false} : vector<128x64xbf16>, vector<384x64xbf16>, vector<128x384xf32> -> vector<128x384xf32>
    %jit3A_62 = arith.constant -3.40282347E+38 : f32
    %broadcast_in_dim3A_63 = vector.shape_cast %or3A : vector<1x384xi1> to vector<1x384xi1>
    %broadcast_in_dim3A_64 = vector.broadcast %broadcast_in_dim3A_63 : vector<1x384xi1> to vector<128x384xi1>
    %broadcast_in_dim3A_65 = vector.broadcast %jit3A_62 : f32 to vector<128x384xf32>
    %select_n3A_66 = arith.select %broadcast_in_dim3A_64, %broadcast_in_dim3A_65, %dot_general3A_61 : vector<128x384xi1>, vector<128x384xf32>
    %exp3A_67 = math.exp %select_n3A_66 : vector<128x384xf32>
    %reduce_sum3A_68 = arith.constant dense<0.000000e+00> : vector<128xf32>
    %reduce_sum3A_69 = vector.multi_reduction <add>, %exp3A_67, %reduce_sum3A_68 [1] : vector<128x384xf32> to vector<128xf32>
    %broadcast_in_dim3A_70 = vector.shape_cast %reduce_sum3A_69 : vector<128xf32> to vector<128x1xf32>
    %slice3A_71 = vector.extract_strided_slice %slice3A_36 {offsets = [0, 64], sizes = [384, 64], strides = [1, 1]} : vector<384x512xbf16> to vector<384x64xbf16>
    %convert_element_type3A_72 = arith.truncf %exp3A_67 : vector<128x384xf32> to vector<128x384xbf16>
    %dot_general3A_73 = arith.constant dense<0.000000e+00> : vector<128x64xf32>
    %dot_general3A_74 = tpu.matmul %convert_element_type3A_72, %slice3A_71, %dot_general3A_73 {dimension_numbers = #tpu.dot_dimension_numbers<[1], [0], [0], [1], [0, 0, 1, 1], [], []>, transpose_lhs_hint = false} : vector<128x384xbf16>, vector<384x64xbf16>, vector<128x64xf32> -> vector<128x64xf32>
    %div3A_75 = vector.broadcast %broadcast_in_dim3A_70 : vector<128x1xf32> to vector<128x64xf32>
    %div3A_76 = arith.divf %dot_general3A_74, %div3A_75 : vector<128x64xf32>
    %slice3A_77 = vector.extract_strided_slice %slice3A_34 {offsets = [0, 128], sizes = [128, 64], strides = [1, 1]} : vector<128x512xbf16> to vector<128x64xbf16>
    %slice3A_78 = vector.extract_strided_slice %slice3A_35 {offsets = [0, 128], sizes = [384, 64], strides = [1, 1]} : vector<384x512xbf16> to vector<384x64xbf16>
    %dot_general3A_79 = arith.constant dense<0.000000e+00> : vector<128x384xf32>
    %dot_general3A_80 = tpu.matmul %slice3A_77, %slice3A_78, %dot_general3A_79 {dimension_numbers = #tpu.dot_dimension_numbers<[1], [1], [0], [0], [0, 0, 1, 0], [], []>, transpose_lhs_hint = false} : vector<128x64xbf16>, vector<384x64xbf16>, vector<128x384xf32> -> vector<128x384xf32>
    %jit3A_81 = arith.constant -3.40282347E+38 : f32
    %broadcast_in_dim3A_82 = vector.shape_cast %or3A : vector<1x384xi1> to vector<1x384xi1>
    %broadcast_in_dim3A_83 = vector.broadcast %broadcast_in_dim3A_82 : vector<1x384xi1> to vector<128x384xi1>
    %broadcast_in_dim3A_84 = vector.broadcast %jit3A_81 : f32 to vector<128x384xf32>
    %select_n3A_85 = arith.select %broadcast_in_dim3A_83, %broadcast_in_dim3A_84, %dot_general3A_80 : vector<128x384xi1>, vector<128x384xf32>
    %exp3A_86 = math.exp %select_n3A_85 : vector<128x384xf32>
    %reduce_sum3A_87 = arith.constant dense<0.000000e+00> : vector<128xf32>
    %reduce_sum3A_88 = vector.multi_reduction <add>, %exp3A_86, %reduce_sum3A_87 [1] : vector<128x384xf32> to vector<128xf32>
    %broadcast_in_dim3A_89 = vector.shape_cast %reduce_sum3A_88 : vector<128xf32> to vector<128x1xf32>
    %slice3A_90 = vector.extract_strided_slice %slice3A_36 {offsets = [0, 128], sizes = [384, 64], strides = [1, 1]} : vector<384x512xbf16> to vector<384x64xbf16>
    %convert_element_type3A_91 = arith.truncf %exp3A_86 : vector<128x384xf32> to vector<128x384xbf16>
    %dot_general3A_92 = arith.constant dense<0.000000e+00> : vector<128x64xf32>
    %dot_general3A_93 = tpu.matmul %convert_element_type3A_91, %slice3A_90, %dot_general3A_92 {dimension_numbers = #tpu.dot_dimension_numbers<[1], [0], [0], [1], [0, 0, 1, 1], [], []>, transpose_lhs_hint = false} : vector<128x384xbf16>, vector<384x64xbf16>, vector<128x64xf32> -> vector<128x64xf32>
    %div3A_94 = vector.broadcast %broadcast_in_dim3A_89 : vector<128x1xf32> to vector<128x64xf32>
    %div3A_95 = arith.divf %dot_general3A_93, %div3A_94 : vector<128x64xf32>
    %slice3A_96 = vector.extract_strided_slice %slice3A_34 {offsets = [0, 192], sizes = [128, 64], strides = [1, 1]} : vector<128x512xbf16> to vector<128x64xbf16>
    %slice3A_97 = vector.extract_strided_slice %slice3A_35 {offsets = [0, 192], sizes = [384, 64], strides = [1, 1]} : vector<384x512xbf16> to vector<384x64xbf16>
    %dot_general3A_98 = arith.constant dense<0.000000e+00> : vector<128x384xf32>
    %dot_general3A_99 = tpu.matmul %slice3A_96, %slice3A_97, %dot_general3A_98 {dimension_numbers = #tpu.dot_dimension_numbers<[1], [1], [0], [0], [0, 0, 1, 0], [], []>, transpose_lhs_hint = false} : vector<128x64xbf16>, vector<384x64xbf16>, vector<128x384xf32> -> vector<128x384xf32>
    %jit3A_100 = arith.constant -3.40282347E+38 : f32
    %broadcast_in_dim3A_101 = vector.shape_cast %or3A : vector<1x384xi1> to vector<1x384xi1>
    %broadcast_in_dim3A_102 = vector.broadcast %broadcast_in_dim3A_101 : vector<1x384xi1> to vector<128x384xi1>
    %broadcast_in_dim3A_103 = vector.broadcast %jit3A_100 : f32 to vector<128x384xf32>
    %select_n3A_104 = arith.select %broadcast_in_dim3A_102, %broadcast_in_dim3A_103, %dot_general3A_99 : vector<128x384xi1>, vector<128x384xf32>
    %exp3A_105 = math.exp %select_n3A_104 : vector<128x384xf32>
    %reduce_sum3A_106 = arith.constant dense<0.000000e+00> : vector<128xf32>
    %reduce_sum3A_107 = vector.multi_reduction <add>, %exp3A_105, %reduce_sum3A_106 [1] : vector<128x384xf32> to vector<128xf32>
    %broadcast_in_dim3A_108 = vector.shape_cast %reduce_sum3A_107 : vector<128xf32> to vector<128x1xf32>
    %slice3A_109 = vector.extract_strided_slice %slice3A_36 {offsets = [0, 192], sizes = [384, 64], strides = [1, 1]} : vector<384x512xbf16> to vector<384x64xbf16>
    %convert_element_type3A_110 = arith.truncf %exp3A_105 : vector<128x384xf32> to vector<128x384xbf16>
    %dot_general3A_111 = arith.constant dense<0.000000e+00> : vector<128x64xf32>
    %dot_general3A_112 = tpu.matmul %convert_element_type3A_110, %slice3A_109, %dot_general3A_111 {dimension_numbers = #tpu.dot_dimension_numbers<[1], [0], [0], [1], [0, 0, 1, 1], [], []>, transpose_lhs_hint = false} : vector<128x384xbf16>, vector<384x64xbf16>, vector<128x64xf32> -> vector<128x64xf32>
    %div3A_113 = vector.broadcast %broadcast_in_dim3A_108 : vector<128x1xf32> to vector<128x64xf32>
    %div3A_114 = arith.divf %dot_general3A_112, %div3A_113 : vector<128x64xf32>
    %slice3A_115 = vector.extract_strided_slice %slice3A_34 {offsets = [0, 256], sizes = [128, 64], strides = [1, 1]} : vector<128x512xbf16> to vector<128x64xbf16>
    %slice3A_116 = vector.extract_strided_slice %slice3A_35 {offsets = [0, 256], sizes = [384, 64], strides = [1, 1]} : vector<384x512xbf16> to vector<384x64xbf16>
    %dot_general3A_117 = arith.constant dense<0.000000e+00> : vector<128x384xf32>
    %dot_general3A_118 = tpu.matmul %slice3A_115, %slice3A_116, %dot_general3A_117 {dimension_numbers = #tpu.dot_dimension_numbers<[1], [1], [0], [0], [0, 0, 1, 0], [], []>, transpose_lhs_hint = false} : vector<128x64xbf16>, vector<384x64xbf16>, vector<128x384xf32> -> vector<128x384xf32>
    %jit3A_119 = arith.constant -3.40282347E+38 : f32
    %broadcast_in_dim3A_120 = vector.shape_cast %or3A : vector<1x384xi1> to vector<1x384xi1>
    %broadcast_in_dim3A_121 = vector.broadcast %broadcast_in_dim3A_120 : vector<1x384xi1> to vector<128x384xi1>
    %broadcast_in_dim3A_122 = vector.broadcast %jit3A_119 : f32 to vector<128x384xf32>
    %select_n3A_123 = arith.select %broadcast_in_dim3A_121, %broadcast_in_dim3A_122, %dot_general3A_118 : vector<128x384xi1>, vector<128x384xf32>
    %exp3A_124 = math.exp %select_n3A_123 : vector<128x384xf32>
    %reduce_sum3A_125 = arith.constant dense<0.000000e+00> : vector<128xf32>
    %reduce_sum3A_126 = vector.multi_reduction <add>, %exp3A_124, %reduce_sum3A_125 [1] : vector<128x384xf32> to vector<128xf32>
    %broadcast_in_dim3A_127 = vector.shape_cast %reduce_sum3A_126 : vector<128xf32> to vector<128x1xf32>
    %slice3A_128 = vector.extract_strided_slice %slice3A_36 {offsets = [0, 256], sizes = [384, 64], strides = [1, 1]} : vector<384x512xbf16> to vector<384x64xbf16>
    %convert_element_type3A_129 = arith.truncf %exp3A_124 : vector<128x384xf32> to vector<128x384xbf16>
    %dot_general3A_130 = arith.constant dense<0.000000e+00> : vector<128x64xf32>
    %dot_general3A_131 = tpu.matmul %convert_element_type3A_129, %slice3A_128, %dot_general3A_130 {dimension_numbers = #tpu.dot_dimension_numbers<[1], [0], [0], [1], [0, 0, 1, 1], [], []>, transpose_lhs_hint = false} : vector<128x384xbf16>, vector<384x64xbf16>, vector<128x64xf32> -> vector<128x64xf32>
    %div3A_132 = vector.broadcast %broadcast_in_dim3A_127 : vector<128x1xf32> to vector<128x64xf32>
    %div3A_133 = arith.divf %dot_general3A_131, %div3A_132 : vector<128x64xf32>
    %slice3A_134 = vector.extract_strided_slice %slice3A_34 {offsets = [0, 320], sizes = [128, 64], strides = [1, 1]} : vector<128x512xbf16> to vector<128x64xbf16>
    %slice3A_135 = vector.extract_strided_slice %slice3A_35 {offsets = [0, 320], sizes = [384, 64], strides = [1, 1]} : vector<384x512xbf16> to vector<384x64xbf16>
    %dot_general3A_136 = arith.constant dense<0.000000e+00> : vector<128x384xf32>
    %dot_general3A_137 = tpu.matmul %slice3A_134, %slice3A_135, %dot_general3A_136 {dimension_numbers = #tpu.dot_dimension_numbers<[1], [1], [0], [0], [0, 0, 1, 0], [], []>, transpose_lhs_hint = false} : vector<128x64xbf16>, vector<384x64xbf16>, vector<128x384xf32> -> vector<128x384xf32>
    %jit3A_138 = arith.constant -3.40282347E+38 : f32
    %broadcast_in_dim3A_139 = vector.shape_cast %or3A : vector<1x384xi1> to vector<1x384xi1>
    %broadcast_in_dim3A_140 = vector.broadcast %broadcast_in_dim3A_139 : vector<1x384xi1> to vector<128x384xi1>
    %broadcast_in_dim3A_141 = vector.broadcast %jit3A_138 : f32 to vector<128x384xf32>
    %select_n3A_142 = arith.select %broadcast_in_dim3A_140, %broadcast_in_dim3A_141, %dot_general3A_137 : vector<128x384xi1>, vector<128x384xf32>
    %exp3A_143 = math.exp %select_n3A_142 : vector<128x384xf32>
    %reduce_sum3A_144 = arith.constant dense<0.000000e+00> : vector<128xf32>
    %reduce_sum3A_145 = vector.multi_reduction <add>, %exp3A_143, %reduce_sum3A_144 [1] : vector<128x384xf32> to vector<128xf32>
    %broadcast_in_dim3A_146 = vector.shape_cast %reduce_sum3A_145 : vector<128xf32> to vector<128x1xf32>
    %slice3A_147 = vector.extract_strided_slice %slice3A_36 {offsets = [0, 320], sizes = [384, 64], strides = [1, 1]} : vector<384x512xbf16> to vector<384x64xbf16>
    %convert_element_type3A_148 = arith.truncf %exp3A_143 : vector<128x384xf32> to vector<128x384xbf16>
    %dot_general3A_149 = arith.constant dense<0.000000e+00> : vector<128x64xf32>
    %dot_general3A_150 = tpu.matmul %convert_element_type3A_148, %slice3A_147, %dot_general3A_149 {dimension_numbers = #tpu.dot_dimension_numbers<[1], [0], [0], [1], [0, 0, 1, 1], [], []>, transpose_lhs_hint = false} : vector<128x384xbf16>, vector<384x64xbf16>, vector<128x64xf32> -> vector<128x64xf32>
    %div3A_151 = vector.broadcast %broadcast_in_dim3A_146 : vector<128x1xf32> to vector<128x64xf32>
    %div3A_152 = arith.divf %dot_general3A_150, %div3A_151 : vector<128x64xf32>
    %slice3A_153 = vector.extract_strided_slice %slice3A_34 {offsets = [0, 384], sizes = [128, 64], strides = [1, 1]} : vector<128x512xbf16> to vector<128x64xbf16>
    %slice3A_154 = vector.extract_strided_slice %slice3A_35 {offsets = [0, 384], sizes = [384, 64], strides = [1, 1]} : vector<384x512xbf16> to vector<384x64xbf16>
    %dot_general3A_155 = arith.constant dense<0.000000e+00> : vector<128x384xf32>
    %dot_general3A_156 = tpu.matmul %slice3A_153, %slice3A_154, %dot_general3A_155 {dimension_numbers = #tpu.dot_dimension_numbers<[1], [1], [0], [0], [0, 0, 1, 0], [], []>, transpose_lhs_hint = false} : vector<128x64xbf16>, vector<384x64xbf16>, vector<128x384xf32> -> vector<128x384xf32>
    %jit3A_157 = arith.constant -3.40282347E+38 : f32
    %broadcast_in_dim3A_158 = vector.shape_cast %or3A : vector<1x384xi1> to vector<1x384xi1>
    %broadcast_in_dim3A_159 = vector.broadcast %broadcast_in_dim3A_158 : vector<1x384xi1> to vector<128x384xi1>
    %broadcast_in_dim3A_160 = vector.broadcast %jit3A_157 : f32 to vector<128x384xf32>
    %select_n3A_161 = arith.select %broadcast_in_dim3A_159, %broadcast_in_dim3A_160, %dot_general3A_156 : vector<128x384xi1>, vector<128x384xf32>
    %exp3A_162 = math.exp %select_n3A_161 : vector<128x384xf32>
    %reduce_sum3A_163 = arith.constant dense<0.000000e+00> : vector<128xf32>
    %reduce_sum3A_164 = vector.multi_reduction <add>, %exp3A_162, %reduce_sum3A_163 [1] : vector<128x384xf32> to vector<128xf32>
    %broadcast_in_dim3A_165 = vector.shape_cast %reduce_sum3A_164 : vector<128xf32> to vector<128x1xf32>
    %slice3A_166 = vector.extract_strided_slice %slice3A_36 {offsets = [0, 384], sizes = [384, 64], strides = [1, 1]} : vector<384x512xbf16> to vector<384x64xbf16>
    %convert_element_type3A_167 = arith.truncf %exp3A_162 : vector<128x384xf32> to vector<128x384xbf16>
    %dot_general3A_168 = arith.constant dense<0.000000e+00> : vector<128x64xf32>
    %dot_general3A_169 = tpu.matmul %convert_element_type3A_167, %slice3A_166, %dot_general3A_168 {dimension_numbers = #tpu.dot_dimension_numbers<[1], [0], [0], [1], [0, 0, 1, 1], [], []>, transpose_lhs_hint = false} : vector<128x384xbf16>, vector<384x64xbf16>, vector<128x64xf32> -> vector<128x64xf32>
    %div3A_170 = vector.broadcast %broadcast_in_dim3A_165 : vector<128x1xf32> to vector<128x64xf32>
    %div3A_171 = arith.divf %dot_general3A_169, %div3A_170 : vector<128x64xf32>
    %slice3A_172 = vector.extract_strided_slice %slice3A_34 {offsets = [0, 448], sizes = [128, 64], strides = [1, 1]} : vector<128x512xbf16> to vector<128x64xbf16>
    %slice3A_173 = vector.extract_strided_slice %slice3A_35 {offsets = [0, 448], sizes = [384, 64], strides = [1, 1]} : vector<384x512xbf16> to vector<384x64xbf16>
    %dot_general3A_174 = arith.constant dense<0.000000e+00> : vector<128x384xf32>
    %dot_general3A_175 = tpu.matmul %slice3A_172, %slice3A_173, %dot_general3A_174 {dimension_numbers = #tpu.dot_dimension_numbers<[1], [1], [0], [0], [0, 0, 1, 0], [], []>, transpose_lhs_hint = false} : vector<128x64xbf16>, vector<384x64xbf16>, vector<128x384xf32> -> vector<128x384xf32>
    %jit3A_176 = arith.constant -3.40282347E+38 : f32
    %broadcast_in_dim3A_177 = vector.shape_cast %or3A : vector<1x384xi1> to vector<1x384xi1>
    %broadcast_in_dim3A_178 = vector.broadcast %broadcast_in_dim3A_177 : vector<1x384xi1> to vector<128x384xi1>
    %broadcast_in_dim3A_179 = vector.broadcast %jit3A_176 : f32 to vector<128x384xf32>
    %select_n3A_180 = arith.select %broadcast_in_dim3A_178, %broadcast_in_dim3A_179, %dot_general3A_175 : vector<128x384xi1>, vector<128x384xf32>
    %exp3A_181 = math.exp %select_n3A_180 : vector<128x384xf32>
    %reduce_sum3A_182 = arith.constant dense<0.000000e+00> : vector<128xf32>
    %reduce_sum3A_183 = vector.multi_reduction <add>, %exp3A_181, %reduce_sum3A_182 [1] : vector<128x384xf32> to vector<128xf32>
    %broadcast_in_dim3A_184 = vector.shape_cast %reduce_sum3A_183 : vector<128xf32> to vector<128x1xf32>
    %slice3A_185 = vector.extract_strided_slice %slice3A_36 {offsets = [0, 448], sizes = [384, 64], strides = [1, 1]} : vector<384x512xbf16> to vector<384x64xbf16>
    %convert_element_type3A_186 = arith.truncf %exp3A_181 : vector<128x384xf32> to vector<128x384xbf16>
    %dot_general3A_187 = arith.constant dense<0.000000e+00> : vector<128x64xf32>
    %dot_general3A_188 = tpu.matmul %convert_element_type3A_186, %slice3A_185, %dot_general3A_187 {dimension_numbers = #tpu.dot_dimension_numbers<[1], [0], [0], [1], [0, 0, 1, 1], [], []>, transpose_lhs_hint = false} : vector<128x384xbf16>, vector<384x64xbf16>, vector<128x64xf32> -> vector<128x64xf32>
    %div3A_189 = vector.broadcast %broadcast_in_dim3A_184 : vector<128x1xf32> to vector<128x64xf32>
    %div3A_190 = arith.divf %dot_general3A_188, %div3A_189 : vector<128x64xf32>
    %concatenate3A_191 = tpu.concatenate %div3A_57, %div3A_76, %div3A_95, %div3A_114, %div3A_133, %div3A_152, %div3A_171, %div3A_190 in 1 : vector<128x64xf32>, vector<128x64xf32>, vector<128x64xf32>, vector<128x64xf32>, vector<128x64xf32>, vector<128x64xf32>, vector<128x64xf32>, vector<128x64xf32> -> vector<128x512xf32>
    %slice3A_192 = vector.extract_strided_slice %convert_element_type3A_33 {offsets = [128, 0], sizes = [128, 512], strides = [1, 1]} : vector<1024x512xbf16> to vector<128x512xbf16>
    %slice3A_193 = vector.extract_strided_slice %concatenate3A {offsets = [128, 0], sizes = [384, 512], strides = [1, 1]} : vector<1280x512xbf16> to vector<384x512xbf16>
    %slice3A_194 = vector.extract_strided_slice %concatenate3A_29 {offsets = [128, 0], sizes = [384, 512], strides = [1, 1]} : vector<1280x512xbf16> to vector<384x512xbf16>
    %mul3A_195 = arith.constant 1024 : i32
    %mul3A_196 = arith.muli %arg1, %mul3A_195 : i32
    %add3A_197 = arith.constant 0 : i32
    %add3A_198 = arith.addi %mul3A_196, %add3A_197 : i32
    %iota3A_199 = tpu.iota {dimensions = array<i32: 1>} : vector<1x384xi32>
    %add3A_200 = vector.broadcast %add3A_198 : i32 to vector<1x384xi32>
    %add3A_201 = arith.addi %add3A_200, %iota3A_199 : vector<1x384xi32>
    %lt3A_202 = arith.constant 0 : i32
    %lt3A_203 = vector.broadcast %lt3A_202 : i32 to vector<1x384xi32>
    %lt3A_204 = arith.cmpi slt, %add3A_201, %lt3A_203 : vector<1x384xi32>
    %ge3A_205 = arith.constant 4096 : i32
    %ge3A_206 = vector.broadcast %ge3A_205 : i32 to vector<1x384xi32>
    %ge3A_207 = arith.cmpi sge, %add3A_201, %ge3A_206 : vector<1x384xi32>
    %or3A_208 = arith.ori %lt3A_204, %ge3A_207 : vector<1x384xi1>
    %slice3A_209 = vector.extract_strided_slice %slice3A_192 {offsets = [0, 0], sizes = [128, 64], strides = [1, 1]} : vector<128x512xbf16> to vector<128x64xbf16>
    %slice3A_210 = vector.extract_strided_slice %slice3A_193 {offsets = [0, 0], sizes = [384, 64], strides = [1, 1]} : vector<384x512xbf16> to vector<384x64xbf16>
    %dot_general3A_211 = arith.constant dense<0.000000e+00> : vector<128x384xf32>
    %dot_general3A_212 = tpu.matmul %slice3A_209, %slice3A_210, %dot_general3A_211 {dimension_numbers = #tpu.dot_dimension_numbers<[1], [1], [0], [0], [0, 0, 1, 0], [], []>, transpose_lhs_hint = false} : vector<128x64xbf16>, vector<384x64xbf16>, vector<128x384xf32> -> vector<128x384xf32>
    %jit3A_213 = arith.constant -3.40282347E+38 : f32
    %broadcast_in_dim3A_214 = vector.shape_cast %or3A_208 : vector<1x384xi1> to vector<1x384xi1>
    %broadcast_in_dim3A_215 = vector.broadcast %broadcast_in_dim3A_214 : vector<1x384xi1> to vector<128x384xi1>
    %broadcast_in_dim3A_216 = vector.broadcast %jit3A_213 : f32 to vector<128x384xf32>
    %select_n3A_217 = arith.select %broadcast_in_dim3A_215, %broadcast_in_dim3A_216, %dot_general3A_212 : vector<128x384xi1>, vector<128x384xf32>
    %exp3A_218 = math.exp %select_n3A_217 : vector<128x384xf32>
    %reduce_sum3A_219 = arith.constant dense<0.000000e+00> : vector<128xf32>
    %reduce_sum3A_220 = vector.multi_reduction <add>, %exp3A_218, %reduce_sum3A_219 [1] : vector<128x384xf32> to vector<128xf32>
    %broadcast_in_dim3A_221 = vector.shape_cast %reduce_sum3A_220 : vector<128xf32> to vector<128x1xf32>
    %slice3A_222 = vector.extract_strided_slice %slice3A_194 {offsets = [0, 0], sizes = [384, 64], strides = [1, 1]} : vector<384x512xbf16> to vector<384x64xbf16>
    %convert_element_type3A_223 = arith.truncf %exp3A_218 : vector<128x384xf32> to vector<128x384xbf16>
    %dot_general3A_224 = arith.constant dense<0.000000e+00> : vector<128x64xf32>
    %dot_general3A_225 = tpu.matmul %convert_element_type3A_223, %slice3A_222, %dot_general3A_224 {dimension_numbers = #tpu.dot_dimension_numbers<[1], [0], [0], [1], [0, 0, 1, 1], [], []>, transpose_lhs_hint = false} : vector<128x384xbf16>, vector<384x64xbf16>, vector<128x64xf32> -> vector<128x64xf32>
    %div3A_226 = vector.broadcast %broadcast_in_dim3A_221 : vector<128x1xf32> to vector<128x64xf32>
    %div3A_227 = arith.divf %dot_general3A_225, %div3A_226 : vector<128x64xf32>
    %slice3A_228 = vector.extract_strided_slice %slice3A_192 {offsets = [0, 64], sizes = [128, 64], strides = [1, 1]} : vector<128x512xbf16> to vector<128x64xbf16>
    %slice3A_229 = vector.extract_strided_slice %slice3A_193 {offsets = [0, 64], sizes = [384, 64], strides = [1, 1]} : vector<384x512xbf16> to vector<384x64xbf16>
    %dot_general3A_230 = arith.constant dense<0.000000e+00> : vector<128x384xf32>
    %dot_general3A_231 = tpu.matmul %slice3A_228, %slice3A_229, %dot_general3A_230 {dimension_numbers = #tpu.dot_dimension_numbers<[1], [1], [0], [0], [0, 0, 1, 0], [], []>, transpose_lhs_hint = false} : vector<128x64xbf16>, vector<384x64xbf16>, vector<128x384xf32> -> vector<128x384xf32>
    %jit3A_232 = arith.constant -3.40282347E+38 : f32
    %broadcast_in_dim3A_233 = vector.shape_cast %or3A_208 : vector<1x384xi1> to vector<1x384xi1>
    %broadcast_in_dim3A_234 = vector.broadcast %broadcast_in_dim3A_233 : vector<1x384xi1> to vector<128x384xi1>
    %broadcast_in_dim3A_235 = vector.broadcast %jit3A_232 : f32 to vector<128x384xf32>
    %select_n3A_236 = arith.select %broadcast_in_dim3A_234, %broadcast_in_dim3A_235, %dot_general3A_231 : vector<128x384xi1>, vector<128x384xf32>
    %exp3A_237 = math.exp %select_n3A_236 : vector<128x384xf32>
    %reduce_sum3A_238 = arith.constant dense<0.000000e+00> : vector<128xf32>
    %reduce_sum3A_239 = vector.multi_reduction <add>, %exp3A_237, %reduce_sum3A_238 [1] : vector<128x384xf32> to vector<128xf32>
    %broadcast_in_dim3A_240 = vector.shape_cast %reduce_sum3A_239 : vector<128xf32> to vector<128x1xf32>
    %slice3A_241 = vector.extract_strided_slice %slice3A_194 {offsets = [0, 64], sizes = [384, 64], strides = [1, 1]} : vector<384x512xbf16> to vector<384x64xbf16>
    %convert_element_type3A_242 = arith.truncf %exp3A_237 : vector<128x384xf32> to vector<128x384xbf16>
    %dot_general3A_243 = arith.constant dense<0.000000e+00> : vector<128x64xf32>
    %dot_general3A_244 = tpu.matmul %convert_element_type3A_242, %slice3A_241, %dot_general3A_243 {dimension_numbers = #tpu.dot_dimension_numbers<[1], [0], [0], [1], [0, 0, 1, 1], [], []>, transpose_lhs_hint = false} : vector<128x384xbf16>, vector<384x64xbf16>, vector<128x64xf32> -> vector<128x64xf32>
    %div3A_245 = vector.broadcast %broadcast_in_dim3A_240 : vector<128x1xf32> to vector<128x64xf32>
    %div3A_246 = arith.divf %dot_general3A_244, %div3A_245 : vector<128x64xf32>
    %slice3A_247 = vector.extract_strided_slice %slice3A_192 {offsets = [0, 128], sizes = [128, 64], strides = [1, 1]} : vector<128x512xbf16> to vector<128x64xbf16>
    %slice3A_248 = vector.extract_strided_slice %slice3A_193 {offsets = [0, 128], sizes = [384, 64], strides = [1, 1]} : vector<384x512xbf16> to vector<384x64xbf16>
    %dot_general3A_249 = arith.constant dense<0.000000e+00> : vector<128x384xf32>
    %dot_general3A_250 = tpu.matmul %slice3A_247, %slice3A_248, %dot_general3A_249 {dimension_numbers = #tpu.dot_dimension_numbers<[1], [1], [0], [0], [0, 0, 1, 0], [], []>, transpose_lhs_hint = false} : vector<128x64xbf16>, vector<384x64xbf16>, vector<128x384xf32> -> vector<128x384xf32>
    %jit3A_251 = arith.constant -3.40282347E+38 : f32
    %broadcast_in_dim3A_252 = vector.shape_cast %or3A_208 : vector<1x384xi1> to vector<1x384xi1>
    %broadcast_in_dim3A_253 = vector.broadcast %broadcast_in_dim3A_252 : vector<1x384xi1> to vector<128x384xi1>
    %broadcast_in_dim3A_254 = vector.broadcast %jit3A_251 : f32 to vector<128x384xf32>
    %select_n3A_255 = arith.select %broadcast_in_dim3A_253, %broadcast_in_dim3A_254, %dot_general3A_250 : vector<128x384xi1>, vector<128x384xf32>
    %exp3A_256 = math.exp %select_n3A_255 : vector<128x384xf32>
    %reduce_sum3A_257 = arith.constant dense<0.000000e+00> : vector<128xf32>
    %reduce_sum3A_258 = vector.multi_reduction <add>, %exp3A_256, %reduce_sum3A_257 [1] : vector<128x384xf32> to vector<128xf32>
    %broadcast_in_dim3A_259 = vector.shape_cast %reduce_sum3A_258 : vector<128xf32> to vector<128x1xf32>
    %slice3A_260 = vector.extract_strided_slice %slice3A_194 {offsets = [0, 128], sizes = [384, 64], strides = [1, 1]} : vector<384x512xbf16> to vector<384x64xbf16>
    %convert_element_type3A_261 = arith.truncf %exp3A_256 : vector<128x384xf32> to vector<128x384xbf16>
    %dot_general3A_262 = arith.constant dense<0.000000e+00> : vector<128x64xf32>
    %dot_general3A_263 = tpu.matmul %convert_element_type3A_261, %slice3A_260, %dot_general3A_262 {dimension_numbers = #tpu.dot_dimension_numbers<[1], [0], [0], [1], [0, 0, 1, 1], [], []>, transpose_lhs_hint = false} : vector<128x384xbf16>, vector<384x64xbf16>, vector<128x64xf32> -> vector<128x64xf32>
    %div3A_264 = vector.broadcast %broadcast_in_dim3A_259 : vector<128x1xf32> to vector<128x64xf32>
    %div3A_265 = arith.divf %dot_general3A_263, %div3A_264 : vector<128x64xf32>
    %slice3A_266 = vector.extract_strided_slice %slice3A_192 {offsets = [0, 192], sizes = [128, 64], strides = [1, 1]} : vector<128x512xbf16> to vector<128x64xbf16>
    %slice3A_267 = vector.extract_strided_slice %slice3A_193 {offsets = [0, 192], sizes = [384, 64], strides = [1, 1]} : vector<384x512xbf16> to vector<384x64xbf16>
    %dot_general3A_268 = arith.constant dense<0.000000e+00> : vector<128x384xf32>
    %dot_general3A_269 = tpu.matmul %slice3A_266, %slice3A_267, %dot_general3A_268 {dimension_numbers = #tpu.dot_dimension_numbers<[1], [1], [0], [0], [0, 0, 1, 0], [], []>, transpose_lhs_hint = false} : vector<128x64xbf16>, vector<384x64xbf16>, vector<128x384xf32> -> vector<128x384xf32>
    %jit3A_270 = arith.constant -3.40282347E+38 : f32
    %broadcast_in_dim3A_271 = vector.shape_cast %or3A_208 : vector<1x384xi1> to vector<1x384xi1>
    %broadcast_in_dim3A_272 = vector.broadcast %broadcast_in_dim3A_271 : vector<1x384xi1> to vector<128x384xi1>
    %broadcast_in_dim3A_273 = vector.broadcast %jit3A_270 : f32 to vector<128x384xf32>
    %select_n3A_274 = arith.select %broadcast_in_dim3A_272, %broadcast_in_dim3A_273, %dot_general3A_269 : vector<128x384xi1>, vector<128x384xf32>
    %exp3A_275 = math.exp %select_n3A_274 : vector<128x384xf32>
    %reduce_sum3A_276 = arith.constant dense<0.000000e+00> : vector<128xf32>
    %reduce_sum3A_277 = vector.multi_reduction <add>, %exp3A_275, %reduce_sum3A_276 [1] : vector<128x384xf32> to vector<128xf32>
    %broadcast_in_dim3A_278 = vector.shape_cast %reduce_sum3A_277 : vector<128xf32> to vector<128x1xf32>
    %slice3A_279 = vector.extract_strided_slice %slice3A_194 {offsets = [0, 192], sizes = [384, 64], strides = [1, 1]} : vector<384x512xbf16> to vector<384x64xbf16>
    %convert_element_type3A_280 = arith.truncf %exp3A_275 : vector<128x384xf32> to vector<128x384xbf16>
    %dot_general3A_281 = arith.constant dense<0.000000e+00> : vector<128x64xf32>
    %dot_general3A_282 = tpu.matmul %convert_element_type3A_280, %slice3A_279, %dot_general3A_281 {dimension_numbers = #tpu.dot_dimension_numbers<[1], [0], [0], [1], [0, 0, 1, 1], [], []>, transpose_lhs_hint = false} : vector<128x384xbf16>, vector<384x64xbf16>, vector<128x64xf32> -> vector<128x64xf32>
    %div3A_283 = vector.broadcast %broadcast_in_dim3A_278 : vector<128x1xf32> to vector<128x64xf32>
    %div3A_284 = arith.divf %dot_general3A_282, %div3A_283 : vector<128x64xf32>
    %slice3A_285 = vector.extract_strided_slice %slice3A_192 {offsets = [0, 256], sizes = [128, 64], strides = [1, 1]} : vector<128x512xbf16> to vector<128x64xbf16>
    %slice3A_286 = vector.extract_strided_slice %slice3A_193 {offsets = [0, 256], sizes = [384, 64], strides = [1, 1]} : vector<384x512xbf16> to vector<384x64xbf16>
    %dot_general3A_287 = arith.constant dense<0.000000e+00> : vector<128x384xf32>
    %dot_general3A_288 = tpu.matmul %slice3A_285, %slice3A_286, %dot_general3A_287 {dimension_numbers = #tpu.dot_dimension_numbers<[1], [1], [0], [0], [0, 0, 1, 0], [], []>, transpose_lhs_hint = false} : vector<128x64xbf16>, vector<384x64xbf16>, vector<128x384xf32> -> vector<128x384xf32>
    %jit3A_289 = arith.constant -3.40282347E+38 : f32
    %broadcast_in_dim3A_290 = vector.shape_cast %or3A_208 : vector<1x384xi1> to vector<1x384xi1>
    %broadcast_in_dim3A_291 = vector.broadcast %broadcast_in_dim3A_290 : vector<1x384xi1> to vector<128x384xi1>
    %broadcast_in_dim3A_292 = vector.broadcast %jit3A_289 : f32 to vector<128x384xf32>
    %select_n3A_293 = arith.select %broadcast_in_dim3A_291, %broadcast_in_dim3A_292, %dot_general3A_288 : vector<128x384xi1>, vector<128x384xf32>
    %exp3A_294 = math.exp %select_n3A_293 : vector<128x384xf32>
    %reduce_sum3A_295 = arith.constant dense<0.000000e+00> : vector<128xf32>
    %reduce_sum3A_296 = vector.multi_reduction <add>, %exp3A_294, %reduce_sum3A_295 [1] : vector<128x384xf32> to vector<128xf32>
    %broadcast_in_dim3A_297 = vector.shape_cast %reduce_sum3A_296 : vector<128xf32> to vector<128x1xf32>
    %slice3A_298 = vector.extract_strided_slice %slice3A_194 {offsets = [0, 256], sizes = [384, 64], strides = [1, 1]} : vector<384x512xbf16> to vector<384x64xbf16>
    %convert_element_type3A_299 = arith.truncf %exp3A_294 : vector<128x384xf32> to vector<128x384xbf16>
    %dot_general3A_300 = arith.constant dense<0.000000e+00> : vector<128x64xf32>
    %dot_general3A_301 = tpu.matmul %convert_element_type3A_299, %slice3A_298, %dot_general3A_300 {dimension_numbers = #tpu.dot_dimension_numbers<[1], [0], [0], [1], [0, 0, 1, 1], [], []>, transpose_lhs_hint = false} : vector<128x384xbf16>, vector<384x64xbf16>, vector<128x64xf32> -> vector<128x64xf32>
    %div3A_302 = vector.broadcast %broadcast_in_dim3A_297 : vector<128x1xf32> to vector<128x64xf32>
    %div3A_303 = arith.divf %dot_general3A_301, %div3A_302 : vector<128x64xf32>
    %slice3A_304 = vector.extract_strided_slice %slice3A_192 {offsets = [0, 320], sizes = [128, 64], strides = [1, 1]} : vector<128x512xbf16> to vector<128x64xbf16>
    %slice3A_305 = vector.extract_strided_slice %slice3A_193 {offsets = [0, 320], sizes = [384, 64], strides = [1, 1]} : vector<384x512xbf16> to vector<384x64xbf16>
    %dot_general3A_306 = arith.constant dense<0.000000e+00> : vector<128x384xf32>
    %dot_general3A_307 = tpu.matmul %slice3A_304, %slice3A_305, %dot_general3A_306 {dimension_numbers = #tpu.dot_dimension_numbers<[1], [1], [0], [0], [0, 0, 1, 0], [], []>, transpose_lhs_hint = false} : vector<128x64xbf16>, vector<384x64xbf16>, vector<128x384xf32> -> vector<128x384xf32>
    %jit3A_308 = arith.constant -3.40282347E+38 : f32
    %broadcast_in_dim3A_309 = vector.shape_cast %or3A_208 : vector<1x384xi1> to vector<1x384xi1>
    %broadcast_in_dim3A_310 = vector.broadcast %broadcast_in_dim3A_309 : vector<1x384xi1> to vector<128x384xi1>
    %broadcast_in_dim3A_311 = vector.broadcast %jit3A_308 : f32 to vector<128x384xf32>
    %select_n3A_312 = arith.select %broadcast_in_dim3A_310, %broadcast_in_dim3A_311, %dot_general3A_307 : vector<128x384xi1>, vector<128x384xf32>
    %exp3A_313 = math.exp %select_n3A_312 : vector<128x384xf32>
    %reduce_sum3A_314 = arith.constant dense<0.000000e+00> : vector<128xf32>
    %reduce_sum3A_315 = vector.multi_reduction <add>, %exp3A_313, %reduce_sum3A_314 [1] : vector<128x384xf32> to vector<128xf32>
    %broadcast_in_dim3A_316 = vector.shape_cast %reduce_sum3A_315 : vector<128xf32> to vector<128x1xf32>
    %slice3A_317 = vector.extract_strided_slice %slice3A_194 {offsets = [0, 320], sizes = [384, 64], strides = [1, 1]} : vector<384x512xbf16> to vector<384x64xbf16>
    %convert_element_type3A_318 = arith.truncf %exp3A_313 : vector<128x384xf32> to vector<128x384xbf16>
    %dot_general3A_319 = arith.constant dense<0.000000e+00> : vector<128x64xf32>
    %dot_general3A_320 = tpu.matmul %convert_element_type3A_318, %slice3A_317, %dot_general3A_319 {dimension_numbers = #tpu.dot_dimension_numbers<[1], [0], [0], [1], [0, 0, 1, 1], [], []>, transpose_lhs_hint = false} : vector<128x384xbf16>, vector<384x64xbf16>, vector<128x64xf32> -> vector<128x64xf32>
    %div3A_321 = vector.broadcast %broadcast_in_dim3A_316 : vector<128x1xf32> to vector<128x64xf32>
    %div3A_322 = arith.divf %dot_general3A_320, %div3A_321 : vector<128x64xf32>
    %slice3A_323 = vector.extract_strided_slice %slice3A_192 {offsets = [0, 384], sizes = [128, 64], strides = [1, 1]} : vector<128x512xbf16> to vector<128x64xbf16>
    %slice3A_324 = vector.extract_strided_slice %slice3A_193 {offsets = [0, 384], sizes = [384, 64], strides = [1, 1]} : vector<384x512xbf16> to vector<384x64xbf16>
    %dot_general3A_325 = arith.constant dense<0.000000e+00> : vector<128x384xf32>
    %dot_general3A_326 = tpu.matmul %slice3A_323, %slice3A_324, %dot_general3A_325 {dimension_numbers = #tpu.dot_dimension_numbers<[1], [1], [0], [0], [0, 0, 1, 0], [], []>, transpose_lhs_hint = false} : vector<128x64xbf16>, vector<384x64xbf16>, vector<128x384xf32> -> vector<128x384xf32>
    %jit3A_327 = arith.constant -3.40282347E+38 : f32
    %broadcast_in_dim3A_328 = vector.shape_cast %or3A_208 : vector<1x384xi1> to vector<1x384xi1>
    %broadcast_in_dim3A_329 = vector.broadcast %broadcast_in_dim3A_328 : vector<1x384xi1> to vector<128x384xi1>
    %broadcast_in_dim3A_330 = vector.broadcast %jit3A_327 : f32 to vector<128x384xf32>
    %select_n3A_331 = arith.select %broadcast_in_dim3A_329, %broadcast_in_dim3A_330, %dot_general3A_326 : vector<128x384xi1>, vector<128x384xf32>
    %exp3A_332 = math.exp %select_n3A_331 : vector<128x384xf32>
    %reduce_sum3A_333 = arith.constant dense<0.000000e+00> : vector<128xf32>
    %reduce_sum3A_334 = vector.multi_reduction <add>, %exp3A_332, %reduce_sum3A_333 [1] : vector<128x384xf32> to vector<128xf32>
    %broadcast_in_dim3A_335 = vector.shape_cast %reduce_sum3A_334 : vector<128xf32> to vector<128x1xf32>
    %slice3A_336 = vector.extract_strided_slice %slice3A_194 {offsets = [0, 384], sizes = [384, 64], strides = [1, 1]} : vector<384x512xbf16> to vector<384x64xbf16>
    %convert_element_type3A_337 = arith.truncf %exp3A_332 : vector<128x384xf32> to vector<128x384xbf16>
    %dot_general3A_338 = arith.constant dense<0.000000e+00> : vector<128x64xf32>
    %dot_general3A_339 = tpu.matmul %convert_element_type3A_337, %slice3A_336, %dot_general3A_338 {dimension_numbers = #tpu.dot_dimension_numbers<[1], [0], [0], [1], [0, 0, 1, 1], [], []>, transpose_lhs_hint = false} : vector<128x384xbf16>, vector<384x64xbf16>, vector<128x64xf32> -> vector<128x64xf32>
    %div3A_340 = vector.broadcast %broadcast_in_dim3A_335 : vector<128x1xf32> to vector<128x64xf32>
    %div3A_341 = arith.divf %dot_general3A_339, %div3A_340 : vector<128x64xf32>
    %slice3A_342 = vector.extract_strided_slice %slice3A_192 {offsets = [0, 448], sizes = [128, 64], strides = [1, 1]} : vector<128x512xbf16> to vector<128x64xbf16>
    %slice3A_343 = vector.extract_strided_slice %slice3A_193 {offsets = [0, 448], sizes = [384, 64], strides = [1, 1]} : vector<384x512xbf16> to vector<384x64xbf16>
    %dot_general3A_344 = arith.constant dense<0.000000e+00> : vector<128x384xf32>
    %dot_general3A_345 = tpu.matmul %slice3A_342, %slice3A_343, %dot_general3A_344 {dimension_numbers = #tpu.dot_dimension_numbers<[1], [1], [0], [0], [0, 0, 1, 0], [], []>, transpose_lhs_hint = false} : vector<128x64xbf16>, vector<384x64xbf16>, vector<128x384xf32> -> vector<128x384xf32>
    %jit3A_346 = arith.constant -3.40282347E+38 : f32
    %broadcast_in_dim3A_347 = vector.shape_cast %or3A_208 : vector<1x384xi1> to vector<1x384xi1>
    %broadcast_in_dim3A_348 = vector.broadcast %broadcast_in_dim3A_347 : vector<1x384xi1> to vector<128x384xi1>
    %broadcast_in_dim3A_349 = vector.broadcast %jit3A_346 : f32 to vector<128x384xf32>
    %select_n3A_350 = arith.select %broadcast_in_dim3A_348, %broadcast_in_dim3A_349, %dot_general3A_345 : vector<128x384xi1>, vector<128x384xf32>
    %exp3A_351 = math.exp %select_n3A_350 : vector<128x384xf32>
    %reduce_sum3A_352 = arith.constant dense<0.000000e+00> : vector<128xf32>
    %reduce_sum3A_353 = vector.multi_reduction <add>, %exp3A_351, %reduce_sum3A_352 [1] : vector<128x384xf32> to vector<128xf32>
    %broadcast_in_dim3A_354 = vector.shape_cast %reduce_sum3A_353 : vector<128xf32> to vector<128x1xf32>
    %slice3A_355 = vector.extract_strided_slice %slice3A_194 {offsets = [0, 448], sizes = [384, 64], strides = [1, 1]} : vector<384x512xbf16> to vector<384x64xbf16>
    %convert_element_type3A_356 = arith.truncf %exp3A_351 : vector<128x384xf32> to vector<128x384xbf16>
    %dot_general3A_357 = arith.constant dense<0.000000e+00> : vector<128x64xf32>
    %dot_general3A_358 = tpu.matmul %convert_element_type3A_356, %slice3A_355, %dot_general3A_357 {dimension_numbers = #tpu.dot_dimension_numbers<[1], [0], [0], [1], [0, 0, 1, 1], [], []>, transpose_lhs_hint = false} : vector<128x384xbf16>, vector<384x64xbf16>, vector<128x64xf32> -> vector<128x64xf32>
    %div3A_359 = vector.broadcast %broadcast_in_dim3A_354 : vector<128x1xf32> to vector<128x64xf32>
    %div3A_360 = arith.divf %dot_general3A_358, %div3A_359 : vector<128x64xf32>
    %concatenate3A_361 = tpu.concatenate %div3A_227, %div3A_246, %div3A_265, %div3A_284, %div3A_303, %div3A_322, %div3A_341, %div3A_360 in 1 : vector<128x64xf32>, vector<128x64xf32>, vector<128x64xf32>, vector<128x64xf32>, vector<128x64xf32>, vector<128x64xf32>, vector<128x64xf32>, vector<128x64xf32> -> vector<128x512xf32>
    %slice3A_362 = vector.extract_strided_slice %convert_element_type3A_33 {offsets = [256, 0], sizes = [128, 512], strides = [1, 1]} : vector<1024x512xbf16> to vector<128x512xbf16>
    %slice3A_363 = vector.extract_strided_slice %concatenate3A {offsets = [256, 0], sizes = [384, 512], strides = [1, 1]} : vector<1280x512xbf16> to vector<384x512xbf16>
    %slice3A_364 = vector.extract_strided_slice %concatenate3A_29 {offsets = [256, 0], sizes = [384, 512], strides = [1, 1]} : vector<1280x512xbf16> to vector<384x512xbf16>
    %mul3A_365 = arith.constant 1024 : i32
    %mul3A_366 = arith.muli %arg1, %mul3A_365 : i32
    %add3A_367 = arith.constant 128 : i32
    %add3A_368 = arith.addi %mul3A_366, %add3A_367 : i32
    %iota3A_369 = tpu.iota {dimensions = array<i32: 1>} : vector<1x384xi32>
    %add3A_370 = vector.broadcast %add3A_368 : i32 to vector<1x384xi32>
    %add3A_371 = arith.addi %add3A_370, %iota3A_369 : vector<1x384xi32>
    %lt3A_372 = arith.constant 0 : i32
    %lt3A_373 = vector.broadcast %lt3A_372 : i32 to vector<1x384xi32>
    %lt3A_374 = arith.cmpi slt, %add3A_371, %lt3A_373 : vector<1x384xi32>
    %ge3A_375 = arith.constant 4096 : i32
    %ge3A_376 = vector.broadcast %ge3A_375 : i32 to vector<1x384xi32>
    %ge3A_377 = arith.cmpi sge, %add3A_371, %ge3A_376 : vector<1x384xi32>
    %or3A_378 = arith.ori %lt3A_374, %ge3A_377 : vector<1x384xi1>
    %slice3A_379 = vector.extract_strided_slice %slice3A_362 {offsets = [0, 0], sizes = [128, 64], strides = [1, 1]} : vector<128x512xbf16> to vector<128x64xbf16>
    %slice3A_380 = vector.extract_strided_slice %slice3A_363 {offsets = [0, 0], sizes = [384, 64], strides = [1, 1]} : vector<384x512xbf16> to vector<384x64xbf16>
    %dot_general3A_381 = arith.constant dense<0.000000e+00> : vector<128x384xf32>
    %dot_general3A_382 = tpu.matmul %slice3A_379, %slice3A_380, %dot_general3A_381 {dimension_numbers = #tpu.dot_dimension_numbers<[1], [1], [0], [0], [0, 0, 1, 0], [], []>, transpose_lhs_hint = false} : vector<128x64xbf16>, vector<384x64xbf16>, vector<128x384xf32> -> vector<128x384xf32>
    %jit3A_383 = arith.constant -3.40282347E+38 : f32
    %broadcast_in_dim3A_384 = vector.shape_cast %or3A_378 : vector<1x384xi1> to vector<1x384xi1>
    %broadcast_in_dim3A_385 = vector.broadcast %broadcast_in_dim3A_384 : vector<1x384xi1> to vector<128x384xi1>
    %broadcast_in_dim3A_386 = vector.broadcast %jit3A_383 : f32 to vector<128x384xf32>
    %select_n3A_387 = arith.select %broadcast_in_dim3A_385, %broadcast_in_dim3A_386, %dot_general3A_382 : vector<128x384xi1>, vector<128x384xf32>
    %exp3A_388 = math.exp %select_n3A_387 : vector<128x384xf32>
    %reduce_sum3A_389 = arith.constant dense<0.000000e+00> : vector<128xf32>
    %reduce_sum3A_390 = vector.multi_reduction <add>, %exp3A_388, %reduce_sum3A_389 [1] : vector<128x384xf32> to vector<128xf32>
    %broadcast_in_dim3A_391 = vector.shape_cast %reduce_sum3A_390 : vector<128xf32> to vector<128x1xf32>
    %slice3A_392 = vector.extract_strided_slice %slice3A_364 {offsets = [0, 0], sizes = [384, 64], strides = [1, 1]} : vector<384x512xbf16> to vector<384x64xbf16>
    %convert_element_type3A_393 = arith.truncf %exp3A_388 : vector<128x384xf32> to vector<128x384xbf16>
    %dot_general3A_394 = arith.constant dense<0.000000e+00> : vector<128x64xf32>
    %dot_general3A_395 = tpu.matmul %convert_element_type3A_393, %slice3A_392, %dot_general3A_394 {dimension_numbers = #tpu.dot_dimension_numbers<[1], [0], [0], [1], [0, 0, 1, 1], [], []>, transpose_lhs_hint = false} : vector<128x384xbf16>, vector<384x64xbf16>, vector<128x64xf32> -> vector<128x64xf32>
    %div3A_396 = vector.broadcast %broadcast_in_dim3A_391 : vector<128x1xf32> to vector<128x64xf32>
    %div3A_397 = arith.divf %dot_general3A_395, %div3A_396 : vector<128x64xf32>
    %slice3A_398 = vector.extract_strided_slice %slice3A_362 {offsets = [0, 64], sizes = [128, 64], strides = [1, 1]} : vector<128x512xbf16> to vector<128x64xbf16>
    %slice3A_399 = vector.extract_strided_slice %slice3A_363 {offsets = [0, 64], sizes = [384, 64], strides = [1, 1]} : vector<384x512xbf16> to vector<384x64xbf16>
    %dot_general3A_400 = arith.constant dense<0.000000e+00> : vector<128x384xf32>
    %dot_general3A_401 = tpu.matmul %slice3A_398, %slice3A_399, %dot_general3A_400 {dimension_numbers = #tpu.dot_dimension_numbers<[1], [1], [0], [0], [0, 0, 1, 0], [], []>, transpose_lhs_hint = false} : vector<128x64xbf16>, vector<384x64xbf16>, vector<128x384xf32> -> vector<128x384xf32>
    %jit3A_402 = arith.constant -3.40282347E+38 : f32
    %broadcast_in_dim3A_403 = vector.shape_cast %or3A_378 : vector<1x384xi1> to vector<1x384xi1>
    %broadcast_in_dim3A_404 = vector.broadcast %broadcast_in_dim3A_403 : vector<1x384xi1> to vector<128x384xi1>
    %broadcast_in_dim3A_405 = vector.broadcast %jit3A_402 : f32 to vector<128x384xf32>
    %select_n3A_406 = arith.select %broadcast_in_dim3A_404, %broadcast_in_dim3A_405, %dot_general3A_401 : vector<128x384xi1>, vector<128x384xf32>
    %exp3A_407 = math.exp %select_n3A_406 : vector<128x384xf32>
    %reduce_sum3A_408 = arith.constant dense<0.000000e+00> : vector<128xf32>
    %reduce_sum3A_409 = vector.multi_reduction <add>, %exp3A_407, %reduce_sum3A_408 [1] : vector<128x384xf32> to vector<128xf32>
    %broadcast_in_dim3A_410 = vector.shape_cast %reduce_sum3A_409 : vector<128xf32> to vector<128x1xf32>
    %slice3A_411 = vector.extract_strided_slice %slice3A_364 {offsets = [0, 64], sizes = [384, 64], strides = [1, 1]} : vector<384x512xbf16> to vector<384x64xbf16>
    %convert_element_type3A_412 = arith.truncf %exp3A_407 : vector<128x384xf32> to vector<128x384xbf16>
    %dot_general3A_413 = arith.constant dense<0.000000e+00> : vector<128x64xf32>
    %dot_general3A_414 = tpu.matmul %convert_element_type3A_412, %slice3A_411, %dot_general3A_413 {dimension_numbers = #tpu.dot_dimension_numbers<[1], [0], [0], [1], [0, 0, 1, 1], [], []>, transpose_lhs_hint = false} : vector<128x384xbf16>, vector<384x64xbf16>, vector<128x64xf32> -> vector<128x64xf32>
    %div3A_415 = vector.broadcast %broadcast_in_dim3A_410 : vector<128x1xf32> to vector<128x64xf32>
    %div3A_416 = arith.divf %dot_general3A_414, %div3A_415 : vector<128x64xf32>
    %slice3A_417 = vector.extract_strided_slice %slice3A_362 {offsets = [0, 128], sizes = [128, 64], strides = [1, 1]} : vector<128x512xbf16> to vector<128x64xbf16>
    %slice3A_418 = vector.extract_strided_slice %slice3A_363 {offsets = [0, 128], sizes = [384, 64], strides = [1, 1]} : vector<384x512xbf16> to vector<384x64xbf16>
    %dot_general3A_419 = arith.constant dense<0.000000e+00> : vector<128x384xf32>
    %dot_general3A_420 = tpu.matmul %slice3A_417, %slice3A_418, %dot_general3A_419 {dimension_numbers = #tpu.dot_dimension_numbers<[1], [1], [0], [0], [0, 0, 1, 0], [], []>, transpose_lhs_hint = false} : vector<128x64xbf16>, vector<384x64xbf16>, vector<128x384xf32> -> vector<128x384xf32>
    %jit3A_421 = arith.constant -3.40282347E+38 : f32
    %broadcast_in_dim3A_422 = vector.shape_cast %or3A_378 : vector<1x384xi1> to vector<1x384xi1>
    %broadcast_in_dim3A_423 = vector.broadcast %broadcast_in_dim3A_422 : vector<1x384xi1> to vector<128x384xi1>
    %broadcast_in_dim3A_424 = vector.broadcast %jit3A_421 : f32 to vector<128x384xf32>
    %select_n3A_425 = arith.select %broadcast_in_dim3A_423, %broadcast_in_dim3A_424, %dot_general3A_420 : vector<128x384xi1>, vector<128x384xf32>
    %exp3A_426 = math.exp %select_n3A_425 : vector<128x384xf32>
    %reduce_sum3A_427 = arith.constant dense<0.000000e+00> : vector<128xf32>
    %reduce_sum3A_428 = vector.multi_reduction <add>, %exp3A_426, %reduce_sum3A_427 [1] : vector<128x384xf32> to vector<128xf32>
    %broadcast_in_dim3A_429 = vector.shape_cast %reduce_sum3A_428 : vector<128xf32> to vector<128x1xf32>
    %slice3A_430 = vector.extract_strided_slice %slice3A_364 {offsets = [0, 128], sizes = [384, 64], strides = [1, 1]} : vector<384x512xbf16> to vector<384x64xbf16>
    %convert_element_type3A_431 = arith.truncf %exp3A_426 : vector<128x384xf32> to vector<128x384xbf16>
    %dot_general3A_432 = arith.constant dense<0.000000e+00> : vector<128x64xf32>
    %dot_general3A_433 = tpu.matmul %convert_element_type3A_431, %slice3A_430, %dot_general3A_432 {dimension_numbers = #tpu.dot_dimension_numbers<[1], [0], [0], [1], [0, 0, 1, 1], [], []>, transpose_lhs_hint = false} : vector<128x384xbf16>, vector<384x64xbf16>, vector<128x64xf32> -> vector<128x64xf32>
    %div3A_434 = vector.broadcast %broadcast_in_dim3A_429 : vector<128x1xf32> to vector<128x64xf32>
    %div3A_435 = arith.divf %dot_general3A_433, %div3A_434 : vector<128x64xf32>
    %slice3A_436 = vector.extract_strided_slice %slice3A_362 {offsets = [0, 192], sizes = [128, 64], strides = [1, 1]} : vector<128x512xbf16> to vector<128x64xbf16>
    %slice3A_437 = vector.extract_strided_slice %slice3A_363 {offsets = [0, 192], sizes = [384, 64], strides = [1, 1]} : vector<384x512xbf16> to vector<384x64xbf16>
    %dot_general3A_438 = arith.constant dense<0.000000e+00> : vector<128x384xf32>
    %dot_general3A_439 = tpu.matmul %slice3A_436, %slice3A_437, %dot_general3A_438 {dimension_numbers = #tpu.dot_dimension_numbers<[1], [1], [0], [0], [0, 0, 1, 0], [], []>, transpose_lhs_hint = false} : vector<128x64xbf16>, vector<384x64xbf16>, vector<128x384xf32> -> vector<128x384xf32>
    %jit3A_440 = arith.constant -3.40282347E+38 : f32
    %broadcast_in_dim3A_441 = vector.shape_cast %or3A_378 : vector<1x384xi1> to vector<1x384xi1>
    %broadcast_in_dim3A_442 = vector.broadcast %broadcast_in_dim3A_441 : vector<1x384xi1> to vector<128x384xi1>
    %broadcast_in_dim3A_443 = vector.broadcast %jit3A_440 : f32 to vector<128x384xf32>
    %select_n3A_444 = arith.select %broadcast_in_dim3A_442, %broadcast_in_dim3A_443, %dot_general3A_439 : vector<128x384xi1>, vector<128x384xf32>
    %exp3A_445 = math.exp %select_n3A_444 : vector<128x384xf32>
    %reduce_sum3A_446 = arith.constant dense<0.000000e+00> : vector<128xf32>
    %reduce_sum3A_447 = vector.multi_reduction <add>, %exp3A_445, %reduce_sum3A_446 [1] : vector<128x384xf32> to vector<128xf32>
    %broadcast_in_dim3A_448 = vector.shape_cast %reduce_sum3A_447 : vector<128xf32> to vector<128x1xf32>
    %slice3A_449 = vector.extract_strided_slice %slice3A_364 {offsets = [0, 192], sizes = [384, 64], strides = [1, 1]} : vector<384x512xbf16> to vector<384x64xbf16>
    %convert_element_type3A_450 = arith.truncf %exp3A_445 : vector<128x384xf32> to vector<128x384xbf16>
    %dot_general3A_451 = arith.constant dense<0.000000e+00> : vector<128x64xf32>
    %dot_general3A_452 = tpu.matmul %convert_element_type3A_450, %slice3A_449, %dot_general3A_451 {dimension_numbers = #tpu.dot_dimension_numbers<[1], [0], [0], [1], [0, 0, 1, 1], [], []>, transpose_lhs_hint = false} : vector<128x384xbf16>, vector<384x64xbf16>, vector<128x64xf32> -> vector<128x64xf32>
    %div3A_453 = vector.broadcast %broadcast_in_dim3A_448 : vector<128x1xf32> to vector<128x64xf32>
    %div3A_454 = arith.divf %dot_general3A_452, %div3A_453 : vector<128x64xf32>
    %slice3A_455 = vector.extract_strided_slice %slice3A_362 {offsets = [0, 256], sizes = [128, 64], strides = [1, 1]} : vector<128x512xbf16> to vector<128x64xbf16>
    %slice3A_456 = vector.extract_strided_slice %slice3A_363 {offsets = [0, 256], sizes = [384, 64], strides = [1, 1]} : vector<384x512xbf16> to vector<384x64xbf16>
    %dot_general3A_457 = arith.constant dense<0.000000e+00> : vector<128x384xf32>
    %dot_general3A_458 = tpu.matmul %slice3A_455, %slice3A_456, %dot_general3A_457 {dimension_numbers = #tpu.dot_dimension_numbers<[1], [1], [0], [0], [0, 0, 1, 0], [], []>, transpose_lhs_hint = false} : vector<128x64xbf16>, vector<384x64xbf16>, vector<128x384xf32> -> vector<128x384xf32>
    %jit3A_459 = arith.constant -3.40282347E+38 : f32
    %broadcast_in_dim3A_460 = vector.shape_cast %or3A_378 : vector<1x384xi1> to vector<1x384xi1>
    %broadcast_in_dim3A_461 = vector.broadcast %broadcast_in_dim3A_460 : vector<1x384xi1> to vector<128x384xi1>
    %broadcast_in_dim3A_462 = vector.broadcast %jit3A_459 : f32 to vector<128x384xf32>
    %select_n3A_463 = arith.select %broadcast_in_dim3A_461, %broadcast_in_dim3A_462, %dot_general3A_458 : vector<128x384xi1>, vector<128x384xf32>
    %exp3A_464 = math.exp %select_n3A_463 : vector<128x384xf32>
    %reduce_sum3A_465 = arith.constant dense<0.000000e+00> : vector<128xf32>
    %reduce_sum3A_466 = vector.multi_reduction <add>, %exp3A_464, %reduce_sum3A_465 [1] : vector<128x384xf32> to vector<128xf32>
    %broadcast_in_dim3A_467 = vector.shape_cast %reduce_sum3A_466 : vector<128xf32> to vector<128x1xf32>
    %slice3A_468 = vector.extract_strided_slice %slice3A_364 {offsets = [0, 256], sizes = [384, 64], strides = [1, 1]} : vector<384x512xbf16> to vector<384x64xbf16>
    %convert_element_type3A_469 = arith.truncf %exp3A_464 : vector<128x384xf32> to vector<128x384xbf16>
    %dot_general3A_470 = arith.constant dense<0.000000e+00> : vector<128x64xf32>
    %dot_general3A_471 = tpu.matmul %convert_element_type3A_469, %slice3A_468, %dot_general3A_470 {dimension_numbers = #tpu.dot_dimension_numbers<[1], [0], [0], [1], [0, 0, 1, 1], [], []>, transpose_lhs_hint = false} : vector<128x384xbf16>, vector<384x64xbf16>, vector<128x64xf32> -> vector<128x64xf32>
    %div3A_472 = vector.broadcast %broadcast_in_dim3A_467 : vector<128x1xf32> to vector<128x64xf32>
    %div3A_473 = arith.divf %dot_general3A_471, %div3A_472 : vector<128x64xf32>
    %slice3A_474 = vector.extract_strided_slice %slice3A_362 {offsets = [0, 320], sizes = [128, 64], strides = [1, 1]} : vector<128x512xbf16> to vector<128x64xbf16>
    %slice3A_475 = vector.extract_strided_slice %slice3A_363 {offsets = [0, 320], sizes = [384, 64], strides = [1, 1]} : vector<384x512xbf16> to vector<384x64xbf16>
    %dot_general3A_476 = arith.constant dense<0.000000e+00> : vector<128x384xf32>
    %dot_general3A_477 = tpu.matmul %slice3A_474, %slice3A_475, %dot_general3A_476 {dimension_numbers = #tpu.dot_dimension_numbers<[1], [1], [0], [0], [0, 0, 1, 0], [], []>, transpose_lhs_hint = false} : vector<128x64xbf16>, vector<384x64xbf16>, vector<128x384xf32> -> vector<128x384xf32>
    %jit3A_478 = arith.constant -3.40282347E+38 : f32
    %broadcast_in_dim3A_479 = vector.shape_cast %or3A_378 : vector<1x384xi1> to vector<1x384xi1>
    %broadcast_in_dim3A_480 = vector.broadcast %broadcast_in_dim3A_479 : vector<1x384xi1> to vector<128x384xi1>
    %broadcast_in_dim3A_481 = vector.broadcast %jit3A_478 : f32 to vector<128x384xf32>
    %select_n3A_482 = arith.select %broadcast_in_dim3A_480, %broadcast_in_dim3A_481, %dot_general3A_477 : vector<128x384xi1>, vector<128x384xf32>
    %exp3A_483 = math.exp %select_n3A_482 : vector<128x384xf32>
    %reduce_sum3A_484 = arith.constant dense<0.000000e+00> : vector<128xf32>
    %reduce_sum3A_485 = vector.multi_reduction <add>, %exp3A_483, %reduce_sum3A_484 [1] : vector<128x384xf32> to vector<128xf32>
    %broadcast_in_dim3A_486 = vector.shape_cast %reduce_sum3A_485 : vector<128xf32> to vector<128x1xf32>
    %slice3A_487 = vector.extract_strided_slice %slice3A_364 {offsets = [0, 320], sizes = [384, 64], strides = [1, 1]} : vector<384x512xbf16> to vector<384x64xbf16>
    %convert_element_type3A_488 = arith.truncf %exp3A_483 : vector<128x384xf32> to vector<128x384xbf16>
    %dot_general3A_489 = arith.constant dense<0.000000e+00> : vector<128x64xf32>
    %dot_general3A_490 = tpu.matmul %convert_element_type3A_488, %slice3A_487, %dot_general3A_489 {dimension_numbers = #tpu.dot_dimension_numbers<[1], [0], [0], [1], [0, 0, 1, 1], [], []>, transpose_lhs_hint = false} : vector<128x384xbf16>, vector<384x64xbf16>, vector<128x64xf32> -> vector<128x64xf32>
    %div3A_491 = vector.broadcast %broadcast_in_dim3A_486 : vector<128x1xf32> to vector<128x64xf32>
    %div3A_492 = arith.divf %dot_general3A_490, %div3A_491 : vector<128x64xf32>
    %slice3A_493 = vector.extract_strided_slice %slice3A_362 {offsets = [0, 384], sizes = [128, 64], strides = [1, 1]} : vector<128x512xbf16> to vector<128x64xbf16>
    %slice3A_494 = vector.extract_strided_slice %slice3A_363 {offsets = [0, 384], sizes = [384, 64], strides = [1, 1]} : vector<384x512xbf16> to vector<384x64xbf16>
    %dot_general3A_495 = arith.constant dense<0.000000e+00> : vector<128x384xf32>
    %dot_general3A_496 = tpu.matmul %slice3A_493, %slice3A_494, %dot_general3A_495 {dimension_numbers = #tpu.dot_dimension_numbers<[1], [1], [0], [0], [0, 0, 1, 0], [], []>, transpose_lhs_hint = false} : vector<128x64xbf16>, vector<384x64xbf16>, vector<128x384xf32> -> vector<128x384xf32>
    %jit3A_497 = arith.constant -3.40282347E+38 : f32
    %broadcast_in_dim3A_498 = vector.shape_cast %or3A_378 : vector<1x384xi1> to vector<1x384xi1>
    %broadcast_in_dim3A_499 = vector.broadcast %broadcast_in_dim3A_498 : vector<1x384xi1> to vector<128x384xi1>
    %broadcast_in_dim3A_500 = vector.broadcast %jit3A_497 : f32 to vector<128x384xf32>
    %select_n3A_501 = arith.select %broadcast_in_dim3A_499, %broadcast_in_dim3A_500, %dot_general3A_496 : vector<128x384xi1>, vector<128x384xf32>
    %exp3A_502 = math.exp %select_n3A_501 : vector<128x384xf32>
    %reduce_sum3A_503 = arith.constant dense<0.000000e+00> : vector<128xf32>
    %reduce_sum3A_504 = vector.multi_reduction <add>, %exp3A_502, %reduce_sum3A_503 [1] : vector<128x384xf32> to vector<128xf32>
    %broadcast_in_dim3A_505 = vector.shape_cast %reduce_sum3A_504 : vector<128xf32> to vector<128x1xf32>
    %slice3A_506 = vector.extract_strided_slice %slice3A_364 {offsets = [0, 384], sizes = [384, 64], strides = [1, 1]} : vector<384x512xbf16> to vector<384x64xbf16>
    %convert_element_type3A_507 = arith.truncf %exp3A_502 : vector<128x384xf32> to vector<128x384xbf16>
    %dot_general3A_508 = arith.constant dense<0.000000e+00> : vector<128x64xf32>
    %dot_general3A_509 = tpu.matmul %convert_element_type3A_507, %slice3A_506, %dot_general3A_508 {dimension_numbers = #tpu.dot_dimension_numbers<[1], [0], [0], [1], [0, 0, 1, 1], [], []>, transpose_lhs_hint = false} : vector<128x384xbf16>, vector<384x64xbf16>, vector<128x64xf32> -> vector<128x64xf32>
    %div3A_510 = vector.broadcast %broadcast_in_dim3A_505 : vector<128x1xf32> to vector<128x64xf32>
    %div3A_511 = arith.divf %dot_general3A_509, %div3A_510 : vector<128x64xf32>
    %slice3A_512 = vector.extract_strided_slice %slice3A_362 {offsets = [0, 448], sizes = [128, 64], strides = [1, 1]} : vector<128x512xbf16> to vector<128x64xbf16>
    %slice3A_513 = vector.extract_strided_slice %slice3A_363 {offsets = [0, 448], sizes = [384, 64], strides = [1, 1]} : vector<384x512xbf16> to vector<384x64xbf16>
    %dot_general3A_514 = arith.constant dense<0.000000e+00> : vector<128x384xf32>
    %dot_general3A_515 = tpu.matmul %slice3A_512, %slice3A_513, %dot_general3A_514 {dimension_numbers = #tpu.dot_dimension_numbers<[1], [1], [0], [0], [0, 0, 1, 0], [], []>, transpose_lhs_hint = false} : vector<128x64xbf16>, vector<384x64xbf16>, vector<128x384xf32> -> vector<128x384xf32>
    %jit3A_516 = arith.constant -3.40282347E+38 : f32
    %broadcast_in_dim3A_517 = vector.shape_cast %or3A_378 : vector<1x384xi1> to vector<1x384xi1>
    %broadcast_in_dim3A_518 = vector.broadcast %broadcast_in_dim3A_517 : vector<1x384xi1> to vector<128x384xi1>
    %broadcast_in_dim3A_519 = vector.broadcast %jit3A_516 : f32 to vector<128x384xf32>
    %select_n3A_520 = arith.select %broadcast_in_dim3A_518, %broadcast_in_dim3A_519, %dot_general3A_515 : vector<128x384xi1>, vector<128x384xf32>
    %exp3A_521 = math.exp %select_n3A_520 : vector<128x384xf32>
    %reduce_sum3A_522 = arith.constant dense<0.000000e+00> : vector<128xf32>
    %reduce_sum3A_523 = vector.multi_reduction <add>, %exp3A_521, %reduce_sum3A_522 [1] : vector<128x384xf32> to vector<128xf32>
    %broadcast_in_dim3A_524 = vector.shape_cast %reduce_sum3A_523 : vector<128xf32> to vector<128x1xf32>
    %slice3A_525 = vector.extract_strided_slice %slice3A_364 {offsets = [0, 448], sizes = [384, 64], strides = [1, 1]} : vector<384x512xbf16> to vector<384x64xbf16>
    %convert_element_type3A_526 = arith.truncf %exp3A_521 : vector<128x384xf32> to vector<128x384xbf16>
    %dot_general3A_527 = arith.constant dense<0.000000e+00> : vector<128x64xf32>
    %dot_general3A_528 = tpu.matmul %convert_element_type3A_526, %slice3A_525, %dot_general3A_527 {dimension_numbers = #tpu.dot_dimension_numbers<[1], [0], [0], [1], [0, 0, 1, 1], [], []>, transpose_lhs_hint = false} : vector<128x384xbf16>, vector<384x64xbf16>, vector<128x64xf32> -> vector<128x64xf32>
    %div3A_529 = vector.broadcast %broadcast_in_dim3A_524 : vector<128x1xf32> to vector<128x64xf32>
    %div3A_530 = arith.divf %dot_general3A_528, %div3A_529 : vector<128x64xf32>
    %concatenate3A_531 = tpu.concatenate %div3A_397, %div3A_416, %div3A_435, %div3A_454, %div3A_473, %div3A_492, %div3A_511, %div3A_530 in 1 : vector<128x64xf32>, vector<128x64xf32>, vector<128x64xf32>, vector<128x64xf32>, vector<128x64xf32>, vector<128x64xf32>, vector<128x64xf32>, vector<128x64xf32> -> vector<128x512xf32>
    %slice3A_532 = vector.extract_strided_slice %convert_element_type3A_33 {offsets = [384, 0], sizes = [128, 512], strides = [1, 1]} : vector<1024x512xbf16> to vector<128x512xbf16>
    %slice3A_533 = vector.extract_strided_slice %concatenate3A {offsets = [384, 0], sizes = [384, 512], strides = [1, 1]} : vector<1280x512xbf16> to vector<384x512xbf16>
    %slice3A_534 = vector.extract_strided_slice %concatenate3A_29 {offsets = [384, 0], sizes = [384, 512], strides = [1, 1]} : vector<1280x512xbf16> to vector<384x512xbf16>
    %mul3A_535 = arith.constant 1024 : i32
    %mul3A_536 = arith.muli %arg1, %mul3A_535 : i32
    %add3A_537 = arith.constant 256 : i32
    %add3A_538 = arith.addi %mul3A_536, %add3A_537 : i32
    %iota3A_539 = tpu.iota {dimensions = array<i32: 1>} : vector<1x384xi32>
    %add3A_540 = vector.broadcast %add3A_538 : i32 to vector<1x384xi32>
    %add3A_541 = arith.addi %add3A_540, %iota3A_539 : vector<1x384xi32>
    %lt3A_542 = arith.constant 0 : i32
    %lt3A_543 = vector.broadcast %lt3A_542 : i32 to vector<1x384xi32>
    %lt3A_544 = arith.cmpi slt, %add3A_541, %lt3A_543 : vector<1x384xi32>
    %ge3A_545 = arith.constant 4096 : i32
    %ge3A_546 = vector.broadcast %ge3A_545 : i32 to vector<1x384xi32>
    %ge3A_547 = arith.cmpi sge, %add3A_541, %ge3A_546 : vector<1x384xi32>
    %or3A_548 = arith.ori %lt3A_544, %ge3A_547 : vector<1x384xi1>
    %slice3A_549 = vector.extract_strided_slice %slice3A_532 {offsets = [0, 0], sizes = [128, 64], strides = [1, 1]} : vector<128x512xbf16> to vector<128x64xbf16>
    %slice3A_550 = vector.extract_strided_slice %slice3A_533 {offsets = [0, 0], sizes = [384, 64], strides = [1, 1]} : vector<384x512xbf16> to vector<384x64xbf16>
    %dot_general3A_551 = arith.constant dense<0.000000e+00> : vector<128x384xf32>
    %dot_general3A_552 = tpu.matmul %slice3A_549, %slice3A_550, %dot_general3A_551 {dimension_numbers = #tpu.dot_dimension_numbers<[1], [1], [0], [0], [0, 0, 1, 0], [], []>, transpose_lhs_hint = false} : vector<128x64xbf16>, vector<384x64xbf16>, vector<128x384xf32> -> vector<128x384xf32>
    %jit3A_553 = arith.constant -3.40282347E+38 : f32
    %broadcast_in_dim3A_554 = vector.shape_cast %or3A_548 : vector<1x384xi1> to vector<1x384xi1>
    %broadcast_in_dim3A_555 = vector.broadcast %broadcast_in_dim3A_554 : vector<1x384xi1> to vector<128x384xi1>
    %broadcast_in_dim3A_556 = vector.broadcast %jit3A_553 : f32 to vector<128x384xf32>
    %select_n3A_557 = arith.select %broadcast_in_dim3A_555, %broadcast_in_dim3A_556, %dot_general3A_552 : vector<128x384xi1>, vector<128x384xf32>
    %exp3A_558 = math.exp %select_n3A_557 : vector<128x384xf32>
    %reduce_sum3A_559 = arith.constant dense<0.000000e+00> : vector<128xf32>
    %reduce_sum3A_560 = vector.multi_reduction <add>, %exp3A_558, %reduce_sum3A_559 [1] : vector<128x384xf32> to vector<128xf32>
    %broadcast_in_dim3A_561 = vector.shape_cast %reduce_sum3A_560 : vector<128xf32> to vector<128x1xf32>
    %slice3A_562 = vector.extract_strided_slice %slice3A_534 {offsets = [0, 0], sizes = [384, 64], strides = [1, 1]} : vector<384x512xbf16> to vector<384x64xbf16>
    %convert_element_type3A_563 = arith.truncf %exp3A_558 : vector<128x384xf32> to vector<128x384xbf16>
    %dot_general3A_564 = arith.constant dense<0.000000e+00> : vector<128x64xf32>
    %dot_general3A_565 = tpu.matmul %convert_element_type3A_563, %slice3A_562, %dot_general3A_564 {dimension_numbers = #tpu.dot_dimension_numbers<[1], [0], [0], [1], [0, 0, 1, 1], [], []>, transpose_lhs_hint = false} : vector<128x384xbf16>, vector<384x64xbf16>, vector<128x64xf32> -> vector<128x64xf32>
    %div3A_566 = vector.broadcast %broadcast_in_dim3A_561 : vector<128x1xf32> to vector<128x64xf32>
    %div3A_567 = arith.divf %dot_general3A_565, %div3A_566 : vector<128x64xf32>
    %slice3A_568 = vector.extract_strided_slice %slice3A_532 {offsets = [0, 64], sizes = [128, 64], strides = [1, 1]} : vector<128x512xbf16> to vector<128x64xbf16>
    %slice3A_569 = vector.extract_strided_slice %slice3A_533 {offsets = [0, 64], sizes = [384, 64], strides = [1, 1]} : vector<384x512xbf16> to vector<384x64xbf16>
    %dot_general3A_570 = arith.constant dense<0.000000e+00> : vector<128x384xf32>
    %dot_general3A_571 = tpu.matmul %slice3A_568, %slice3A_569, %dot_general3A_570 {dimension_numbers = #tpu.dot_dimension_numbers<[1], [1], [0], [0], [0, 0, 1, 0], [], []>, transpose_lhs_hint = false} : vector<128x64xbf16>, vector<384x64xbf16>, vector<128x384xf32> -> vector<128x384xf32>
    %jit3A_572 = arith.constant -3.40282347E+38 : f32
    %broadcast_in_dim3A_573 = vector.shape_cast %or3A_548 : vector<1x384xi1> to vector<1x384xi1>
    %broadcast_in_dim3A_574 = vector.broadcast %broadcast_in_dim3A_573 : vector<1x384xi1> to vector<128x384xi1>
    %broadcast_in_dim3A_575 = vector.broadcast %jit3A_572 : f32 to vector<128x384xf32>
    %select_n3A_576 = arith.select %broadcast_in_dim3A_574, %broadcast_in_dim3A_575, %dot_general3A_571 : vector<128x384xi1>, vector<128x384xf32>
    %exp3A_577 = math.exp %select_n3A_576 : vector<128x384xf32>
    %reduce_sum3A_578 = arith.constant dense<0.000000e+00> : vector<128xf32>
    %reduce_sum3A_579 = vector.multi_reduction <add>, %exp3A_577, %reduce_sum3A_578 [1] : vector<128x384xf32> to vector<128xf32>
    %broadcast_in_dim3A_580 = vector.shape_cast %reduce_sum3A_579 : vector<128xf32> to vector<128x1xf32>
    %slice3A_581 = vector.extract_strided_slice %slice3A_534 {offsets = [0, 64], sizes = [384, 64], strides = [1, 1]} : vector<384x512xbf16> to vector<384x64xbf16>
    %convert_element_type3A_582 = arith.truncf %exp3A_577 : vector<128x384xf32> to vector<128x384xbf16>
    %dot_general3A_583 = arith.constant dense<0.000000e+00> : vector<128x64xf32>
    %dot_general3A_584 = tpu.matmul %convert_element_type3A_582, %slice3A_581, %dot_general3A_583 {dimension_numbers = #tpu.dot_dimension_numbers<[1], [0], [0], [1], [0, 0, 1, 1], [], []>, transpose_lhs_hint = false} : vector<128x384xbf16>, vector<384x64xbf16>, vector<128x64xf32> -> vector<128x64xf32>
    %div3A_585 = vector.broadcast %broadcast_in_dim3A_580 : vector<128x1xf32> to vector<128x64xf32>
    %div3A_586 = arith.divf %dot_general3A_584, %div3A_585 : vector<128x64xf32>
    %slice3A_587 = vector.extract_strided_slice %slice3A_532 {offsets = [0, 128], sizes = [128, 64], strides = [1, 1]} : vector<128x512xbf16> to vector<128x64xbf16>
    %slice3A_588 = vector.extract_strided_slice %slice3A_533 {offsets = [0, 128], sizes = [384, 64], strides = [1, 1]} : vector<384x512xbf16> to vector<384x64xbf16>
    %dot_general3A_589 = arith.constant dense<0.000000e+00> : vector<128x384xf32>
    %dot_general3A_590 = tpu.matmul %slice3A_587, %slice3A_588, %dot_general3A_589 {dimension_numbers = #tpu.dot_dimension_numbers<[1], [1], [0], [0], [0, 0, 1, 0], [], []>, transpose_lhs_hint = false} : vector<128x64xbf16>, vector<384x64xbf16>, vector<128x384xf32> -> vector<128x384xf32>
    %jit3A_591 = arith.constant -3.40282347E+38 : f32
    %broadcast_in_dim3A_592 = vector.shape_cast %or3A_548 : vector<1x384xi1> to vector<1x384xi1>
    %broadcast_in_dim3A_593 = vector.broadcast %broadcast_in_dim3A_592 : vector<1x384xi1> to vector<128x384xi1>
    %broadcast_in_dim3A_594 = vector.broadcast %jit3A_591 : f32 to vector<128x384xf32>
    %select_n3A_595 = arith.select %broadcast_in_dim3A_593, %broadcast_in_dim3A_594, %dot_general3A_590 : vector<128x384xi1>, vector<128x384xf32>
    %exp3A_596 = math.exp %select_n3A_595 : vector<128x384xf32>
    %reduce_sum3A_597 = arith.constant dense<0.000000e+00> : vector<128xf32>
    %reduce_sum3A_598 = vector.multi_reduction <add>, %exp3A_596, %reduce_sum3A_597 [1] : vector<128x384xf32> to vector<128xf32>
    %broadcast_in_dim3A_599 = vector.shape_cast %reduce_sum3A_598 : vector<128xf32> to vector<128x1xf32>
    %slice3A_600 = vector.extract_strided_slice %slice3A_534 {offsets = [0, 128], sizes = [384, 64], strides = [1, 1]} : vector<384x512xbf16> to vector<384x64xbf16>
    %convert_element_type3A_601 = arith.truncf %exp3A_596 : vector<128x384xf32> to vector<128x384xbf16>
    %dot_general3A_602 = arith.constant dense<0.000000e+00> : vector<128x64xf32>
    %dot_general3A_603 = tpu.matmul %convert_element_type3A_601, %slice3A_600, %dot_general3A_602 {dimension_numbers = #tpu.dot_dimension_numbers<[1], [0], [0], [1], [0, 0, 1, 1], [], []>, transpose_lhs_hint = false} : vector<128x384xbf16>, vector<384x64xbf16>, vector<128x64xf32> -> vector<128x64xf32>
    %div3A_604 = vector.broadcast %broadcast_in_dim3A_599 : vector<128x1xf32> to vector<128x64xf32>
    %div3A_605 = arith.divf %dot_general3A_603, %div3A_604 : vector<128x64xf32>
    %slice3A_606 = vector.extract_strided_slice %slice3A_532 {offsets = [0, 192], sizes = [128, 64], strides = [1, 1]} : vector<128x512xbf16> to vector<128x64xbf16>
    %slice3A_607 = vector.extract_strided_slice %slice3A_533 {offsets = [0, 192], sizes = [384, 64], strides = [1, 1]} : vector<384x512xbf16> to vector<384x64xbf16>
    %dot_general3A_608 = arith.constant dense<0.000000e+00> : vector<128x384xf32>
    %dot_general3A_609 = tpu.matmul %slice3A_606, %slice3A_607, %dot_general3A_608 {dimension_numbers = #tpu.dot_dimension_numbers<[1], [1], [0], [0], [0, 0, 1, 0], [], []>, transpose_lhs_hint = false} : vector<128x64xbf16>, vector<384x64xbf16>, vector<128x384xf32> -> vector<128x384xf32>
    %jit3A_610 = arith.constant -3.40282347E+38 : f32
    %broadcast_in_dim3A_611 = vector.shape_cast %or3A_548 : vector<1x384xi1> to vector<1x384xi1>
    %broadcast_in_dim3A_612 = vector.broadcast %broadcast_in_dim3A_611 : vector<1x384xi1> to vector<128x384xi1>
    %broadcast_in_dim3A_613 = vector.broadcast %jit3A_610 : f32 to vector<128x384xf32>
    %select_n3A_614 = arith.select %broadcast_in_dim3A_612, %broadcast_in_dim3A_613, %dot_general3A_609 : vector<128x384xi1>, vector<128x384xf32>
    %exp3A_615 = math.exp %select_n3A_614 : vector<128x384xf32>
    %reduce_sum3A_616 = arith.constant dense<0.000000e+00> : vector<128xf32>
    %reduce_sum3A_617 = vector.multi_reduction <add>, %exp3A_615, %reduce_sum3A_616 [1] : vector<128x384xf32> to vector<128xf32>
    %broadcast_in_dim3A_618 = vector.shape_cast %reduce_sum3A_617 : vector<128xf32> to vector<128x1xf32>
    %slice3A_619 = vector.extract_strided_slice %slice3A_534 {offsets = [0, 192], sizes = [384, 64], strides = [1, 1]} : vector<384x512xbf16> to vector<384x64xbf16>
    %convert_element_type3A_620 = arith.truncf %exp3A_615 : vector<128x384xf32> to vector<128x384xbf16>
    %dot_general3A_621 = arith.constant dense<0.000000e+00> : vector<128x64xf32>
    %dot_general3A_622 = tpu.matmul %convert_element_type3A_620, %slice3A_619, %dot_general3A_621 {dimension_numbers = #tpu.dot_dimension_numbers<[1], [0], [0], [1], [0, 0, 1, 1], [], []>, transpose_lhs_hint = false} : vector<128x384xbf16>, vector<384x64xbf16>, vector<128x64xf32> -> vector<128x64xf32>
    %div3A_623 = vector.broadcast %broadcast_in_dim3A_618 : vector<128x1xf32> to vector<128x64xf32>
    %div3A_624 = arith.divf %dot_general3A_622, %div3A_623 : vector<128x64xf32>
    %slice3A_625 = vector.extract_strided_slice %slice3A_532 {offsets = [0, 256], sizes = [128, 64], strides = [1, 1]} : vector<128x512xbf16> to vector<128x64xbf16>
    %slice3A_626 = vector.extract_strided_slice %slice3A_533 {offsets = [0, 256], sizes = [384, 64], strides = [1, 1]} : vector<384x512xbf16> to vector<384x64xbf16>
    %dot_general3A_627 = arith.constant dense<0.000000e+00> : vector<128x384xf32>
    %dot_general3A_628 = tpu.matmul %slice3A_625, %slice3A_626, %dot_general3A_627 {dimension_numbers = #tpu.dot_dimension_numbers<[1], [1], [0], [0], [0, 0, 1, 0], [], []>, transpose_lhs_hint = false} : vector<128x64xbf16>, vector<384x64xbf16>, vector<128x384xf32> -> vector<128x384xf32>
    %jit3A_629 = arith.constant -3.40282347E+38 : f32
    %broadcast_in_dim3A_630 = vector.shape_cast %or3A_548 : vector<1x384xi1> to vector<1x384xi1>
    %broadcast_in_dim3A_631 = vector.broadcast %broadcast_in_dim3A_630 : vector<1x384xi1> to vector<128x384xi1>
    %broadcast_in_dim3A_632 = vector.broadcast %jit3A_629 : f32 to vector<128x384xf32>
    %select_n3A_633 = arith.select %broadcast_in_dim3A_631, %broadcast_in_dim3A_632, %dot_general3A_628 : vector<128x384xi1>, vector<128x384xf32>
    %exp3A_634 = math.exp %select_n3A_633 : vector<128x384xf32>
    %reduce_sum3A_635 = arith.constant dense<0.000000e+00> : vector<128xf32>
    %reduce_sum3A_636 = vector.multi_reduction <add>, %exp3A_634, %reduce_sum3A_635 [1] : vector<128x384xf32> to vector<128xf32>
    %broadcast_in_dim3A_637 = vector.shape_cast %reduce_sum3A_636 : vector<128xf32> to vector<128x1xf32>
    %slice3A_638 = vector.extract_strided_slice %slice3A_534 {offsets = [0, 256], sizes = [384, 64], strides = [1, 1]} : vector<384x512xbf16> to vector<384x64xbf16>
    %convert_element_type3A_639 = arith.truncf %exp3A_634 : vector<128x384xf32> to vector<128x384xbf16>
    %dot_general3A_640 = arith.constant dense<0.000000e+00> : vector<128x64xf32>
    %dot_general3A_641 = tpu.matmul %convert_element_type3A_639, %slice3A_638, %dot_general3A_640 {dimension_numbers = #tpu.dot_dimension_numbers<[1], [0], [0], [1], [0, 0, 1, 1], [], []>, transpose_lhs_hint = false} : vector<128x384xbf16>, vector<384x64xbf16>, vector<128x64xf32> -> vector<128x64xf32>
    %div3A_642 = vector.broadcast %broadcast_in_dim3A_637 : vector<128x1xf32> to vector<128x64xf32>
    %div3A_643 = arith.divf %dot_general3A_641, %div3A_642 : vector<128x64xf32>
    %slice3A_644 = vector.extract_strided_slice %slice3A_532 {offsets = [0, 320], sizes = [128, 64], strides = [1, 1]} : vector<128x512xbf16> to vector<128x64xbf16>
    %slice3A_645 = vector.extract_strided_slice %slice3A_533 {offsets = [0, 320], sizes = [384, 64], strides = [1, 1]} : vector<384x512xbf16> to vector<384x64xbf16>
    %dot_general3A_646 = arith.constant dense<0.000000e+00> : vector<128x384xf32>
    %dot_general3A_647 = tpu.matmul %slice3A_644, %slice3A_645, %dot_general3A_646 {dimension_numbers = #tpu.dot_dimension_numbers<[1], [1], [0], [0], [0, 0, 1, 0], [], []>, transpose_lhs_hint = false} : vector<128x64xbf16>, vector<384x64xbf16>, vector<128x384xf32> -> vector<128x384xf32>
    %jit3A_648 = arith.constant -3.40282347E+38 : f32
    %broadcast_in_dim3A_649 = vector.shape_cast %or3A_548 : vector<1x384xi1> to vector<1x384xi1>
    %broadcast_in_dim3A_650 = vector.broadcast %broadcast_in_dim3A_649 : vector<1x384xi1> to vector<128x384xi1>
    %broadcast_in_dim3A_651 = vector.broadcast %jit3A_648 : f32 to vector<128x384xf32>
    %select_n3A_652 = arith.select %broadcast_in_dim3A_650, %broadcast_in_dim3A_651, %dot_general3A_647 : vector<128x384xi1>, vector<128x384xf32>
    %exp3A_653 = math.exp %select_n3A_652 : vector<128x384xf32>
    %reduce_sum3A_654 = arith.constant dense<0.000000e+00> : vector<128xf32>
    %reduce_sum3A_655 = vector.multi_reduction <add>, %exp3A_653, %reduce_sum3A_654 [1] : vector<128x384xf32> to vector<128xf32>
    %broadcast_in_dim3A_656 = vector.shape_cast %reduce_sum3A_655 : vector<128xf32> to vector<128x1xf32>
    %slice3A_657 = vector.extract_strided_slice %slice3A_534 {offsets = [0, 320], sizes = [384, 64], strides = [1, 1]} : vector<384x512xbf16> to vector<384x64xbf16>
    %convert_element_type3A_658 = arith.truncf %exp3A_653 : vector<128x384xf32> to vector<128x384xbf16>
    %dot_general3A_659 = arith.constant dense<0.000000e+00> : vector<128x64xf32>
    %dot_general3A_660 = tpu.matmul %convert_element_type3A_658, %slice3A_657, %dot_general3A_659 {dimension_numbers = #tpu.dot_dimension_numbers<[1], [0], [0], [1], [0, 0, 1, 1], [], []>, transpose_lhs_hint = false} : vector<128x384xbf16>, vector<384x64xbf16>, vector<128x64xf32> -> vector<128x64xf32>
    %div3A_661 = vector.broadcast %broadcast_in_dim3A_656 : vector<128x1xf32> to vector<128x64xf32>
    %div3A_662 = arith.divf %dot_general3A_660, %div3A_661 : vector<128x64xf32>
    %slice3A_663 = vector.extract_strided_slice %slice3A_532 {offsets = [0, 384], sizes = [128, 64], strides = [1, 1]} : vector<128x512xbf16> to vector<128x64xbf16>
    %slice3A_664 = vector.extract_strided_slice %slice3A_533 {offsets = [0, 384], sizes = [384, 64], strides = [1, 1]} : vector<384x512xbf16> to vector<384x64xbf16>
    %dot_general3A_665 = arith.constant dense<0.000000e+00> : vector<128x384xf32>
    %dot_general3A_666 = tpu.matmul %slice3A_663, %slice3A_664, %dot_general3A_665 {dimension_numbers = #tpu.dot_dimension_numbers<[1], [1], [0], [0], [0, 0, 1, 0], [], []>, transpose_lhs_hint = false} : vector<128x64xbf16>, vector<384x64xbf16>, vector<128x384xf32> -> vector<128x384xf32>
    %jit3A_667 = arith.constant -3.40282347E+38 : f32
    %broadcast_in_dim3A_668 = vector.shape_cast %or3A_548 : vector<1x384xi1> to vector<1x384xi1>
    %broadcast_in_dim3A_669 = vector.broadcast %broadcast_in_dim3A_668 : vector<1x384xi1> to vector<128x384xi1>
    %broadcast_in_dim3A_670 = vector.broadcast %jit3A_667 : f32 to vector<128x384xf32>
    %select_n3A_671 = arith.select %broadcast_in_dim3A_669, %broadcast_in_dim3A_670, %dot_general3A_666 : vector<128x384xi1>, vector<128x384xf32>
    %exp3A_672 = math.exp %select_n3A_671 : vector<128x384xf32>
    %reduce_sum3A_673 = arith.constant dense<0.000000e+00> : vector<128xf32>
    %reduce_sum3A_674 = vector.multi_reduction <add>, %exp3A_672, %reduce_sum3A_673 [1] : vector<128x384xf32> to vector<128xf32>
    %broadcast_in_dim3A_675 = vector.shape_cast %reduce_sum3A_674 : vector<128xf32> to vector<128x1xf32>
    %slice3A_676 = vector.extract_strided_slice %slice3A_534 {offsets = [0, 384], sizes = [384, 64], strides = [1, 1]} : vector<384x512xbf16> to vector<384x64xbf16>
    %convert_element_type3A_677 = arith.truncf %exp3A_672 : vector<128x384xf32> to vector<128x384xbf16>
    %dot_general3A_678 = arith.constant dense<0.000000e+00> : vector<128x64xf32>
    %dot_general3A_679 = tpu.matmul %convert_element_type3A_677, %slice3A_676, %dot_general3A_678 {dimension_numbers = #tpu.dot_dimension_numbers<[1], [0], [0], [1], [0, 0, 1, 1], [], []>, transpose_lhs_hint = false} : vector<128x384xbf16>, vector<384x64xbf16>, vector<128x64xf32> -> vector<128x64xf32>
    %div3A_680 = vector.broadcast %broadcast_in_dim3A_675 : vector<128x1xf32> to vector<128x64xf32>
    %div3A_681 = arith.divf %dot_general3A_679, %div3A_680 : vector<128x64xf32>
    %slice3A_682 = vector.extract_strided_slice %slice3A_532 {offsets = [0, 448], sizes = [128, 64], strides = [1, 1]} : vector<128x512xbf16> to vector<128x64xbf16>
    %slice3A_683 = vector.extract_strided_slice %slice3A_533 {offsets = [0, 448], sizes = [384, 64], strides = [1, 1]} : vector<384x512xbf16> to vector<384x64xbf16>
    %dot_general3A_684 = arith.constant dense<0.000000e+00> : vector<128x384xf32>
    %dot_general3A_685 = tpu.matmul %slice3A_682, %slice3A_683, %dot_general3A_684 {dimension_numbers = #tpu.dot_dimension_numbers<[1], [1], [0], [0], [0, 0, 1, 0], [], []>, transpose_lhs_hint = false} : vector<128x64xbf16>, vector<384x64xbf16>, vector<128x384xf32> -> vector<128x384xf32>
    %jit3A_686 = arith.constant -3.40282347E+38 : f32
    %broadcast_in_dim3A_687 = vector.shape_cast %or3A_548 : vector<1x384xi1> to vector<1x384xi1>
    %broadcast_in_dim3A_688 = vector.broadcast %broadcast_in_dim3A_687 : vector<1x384xi1> to vector<128x384xi1>
    %broadcast_in_dim3A_689 = vector.broadcast %jit3A_686 : f32 to vector<128x384xf32>
    %select_n3A_690 = arith.select %broadcast_in_dim3A_688, %broadcast_in_dim3A_689, %dot_general3A_685 : vector<128x384xi1>, vector<128x384xf32>
    %exp3A_691 = math.exp %select_n3A_690 : vector<128x384xf32>
    %reduce_sum3A_692 = arith.constant dense<0.000000e+00> : vector<128xf32>
    %reduce_sum3A_693 = vector.multi_reduction <add>, %exp3A_691, %reduce_sum3A_692 [1] : vector<128x384xf32> to vector<128xf32>
    %broadcast_in_dim3A_694 = vector.shape_cast %reduce_sum3A_693 : vector<128xf32> to vector<128x1xf32>
    %slice3A_695 = vector.extract_strided_slice %slice3A_534 {offsets = [0, 448], sizes = [384, 64], strides = [1, 1]} : vector<384x512xbf16> to vector<384x64xbf16>
    %convert_element_type3A_696 = arith.truncf %exp3A_691 : vector<128x384xf32> to vector<128x384xbf16>
    %dot_general3A_697 = arith.constant dense<0.000000e+00> : vector<128x64xf32>
    %dot_general3A_698 = tpu.matmul %convert_element_type3A_696, %slice3A_695, %dot_general3A_697 {dimension_numbers = #tpu.dot_dimension_numbers<[1], [0], [0], [1], [0, 0, 1, 1], [], []>, transpose_lhs_hint = false} : vector<128x384xbf16>, vector<384x64xbf16>, vector<128x64xf32> -> vector<128x64xf32>
    %div3A_699 = vector.broadcast %broadcast_in_dim3A_694 : vector<128x1xf32> to vector<128x64xf32>
    %div3A_700 = arith.divf %dot_general3A_698, %div3A_699 : vector<128x64xf32>
    %concatenate3A_701 = tpu.concatenate %div3A_567, %div3A_586, %div3A_605, %div3A_624, %div3A_643, %div3A_662, %div3A_681, %div3A_700 in 1 : vector<128x64xf32>, vector<128x64xf32>, vector<128x64xf32>, vector<128x64xf32>, vector<128x64xf32>, vector<128x64xf32>, vector<128x64xf32>, vector<128x64xf32> -> vector<128x512xf32>
    %slice3A_702 = vector.extract_strided_slice %convert_element_type3A_33 {offsets = [512, 0], sizes = [128, 512], strides = [1, 1]} : vector<1024x512xbf16> to vector<128x512xbf16>
    %slice3A_703 = vector.extract_strided_slice %concatenate3A {offsets = [512, 0], sizes = [384, 512], strides = [1, 1]} : vector<1280x512xbf16> to vector<384x512xbf16>
    %slice3A_704 = vector.extract_strided_slice %concatenate3A_29 {offsets = [512, 0], sizes = [384, 512], strides = [1, 1]} : vector<1280x512xbf16> to vector<384x512xbf16>
    %mul3A_705 = arith.constant 1024 : i32
    %mul3A_706 = arith.muli %arg1, %mul3A_705 : i32
    %add3A_707 = arith.constant 384 : i32
    %add3A_708 = arith.addi %mul3A_706, %add3A_707 : i32
    %iota3A_709 = tpu.iota {dimensions = array<i32: 1>} : vector<1x384xi32>
    %add3A_710 = vector.broadcast %add3A_708 : i32 to vector<1x384xi32>
    %add3A_711 = arith.addi %add3A_710, %iota3A_709 : vector<1x384xi32>
    %lt3A_712 = arith.constant 0 : i32
    %lt3A_713 = vector.broadcast %lt3A_712 : i32 to vector<1x384xi32>
    %lt3A_714 = arith.cmpi slt, %add3A_711, %lt3A_713 : vector<1x384xi32>
    %ge3A_715 = arith.constant 4096 : i32
    %ge3A_716 = vector.broadcast %ge3A_715 : i32 to vector<1x384xi32>
    %ge3A_717 = arith.cmpi sge, %add3A_711, %ge3A_716 : vector<1x384xi32>
    %or3A_718 = arith.ori %lt3A_714, %ge3A_717 : vector<1x384xi1>
    %slice3A_719 = vector.extract_strided_slice %slice3A_702 {offsets = [0, 0], sizes = [128, 64], strides = [1, 1]} : vector<128x512xbf16> to vector<128x64xbf16>
    %slice3A_720 = vector.extract_strided_slice %slice3A_703 {offsets = [0, 0], sizes = [384, 64], strides = [1, 1]} : vector<384x512xbf16> to vector<384x64xbf16>
    %dot_general3A_721 = arith.constant dense<0.000000e+00> : vector<128x384xf32>
    %dot_general3A_722 = tpu.matmul %slice3A_719, %slice3A_720, %dot_general3A_721 {dimension_numbers = #tpu.dot_dimension_numbers<[1], [1], [0], [0], [0, 0, 1, 0], [], []>, transpose_lhs_hint = false} : vector<128x64xbf16>, vector<384x64xbf16>, vector<128x384xf32> -> vector<128x384xf32>
    %jit3A_723 = arith.constant -3.40282347E+38 : f32
    %broadcast_in_dim3A_724 = vector.shape_cast %or3A_718 : vector<1x384xi1> to vector<1x384xi1>
    %broadcast_in_dim3A_725 = vector.broadcast %broadcast_in_dim3A_724 : vector<1x384xi1> to vector<128x384xi1>
    %broadcast_in_dim3A_726 = vector.broadcast %jit3A_723 : f32 to vector<128x384xf32>
    %select_n3A_727 = arith.select %broadcast_in_dim3A_725, %broadcast_in_dim3A_726, %dot_general3A_722 : vector<128x384xi1>, vector<128x384xf32>
    %exp3A_728 = math.exp %select_n3A_727 : vector<128x384xf32>
    %reduce_sum3A_729 = arith.constant dense<0.000000e+00> : vector<128xf32>
    %reduce_sum3A_730 = vector.multi_reduction <add>, %exp3A_728, %reduce_sum3A_729 [1] : vector<128x384xf32> to vector<128xf32>
    %broadcast_in_dim3A_731 = vector.shape_cast %reduce_sum3A_730 : vector<128xf32> to vector<128x1xf32>
    %slice3A_732 = vector.extract_strided_slice %slice3A_704 {offsets = [0, 0], sizes = [384, 64], strides = [1, 1]} : vector<384x512xbf16> to vector<384x64xbf16>
    %convert_element_type3A_733 = arith.truncf %exp3A_728 : vector<128x384xf32> to vector<128x384xbf16>
    %dot_general3A_734 = arith.constant dense<0.000000e+00> : vector<128x64xf32>
    %dot_general3A_735 = tpu.matmul %convert_element_type3A_733, %slice3A_732, %dot_general3A_734 {dimension_numbers = #tpu.dot_dimension_numbers<[1], [0], [0], [1], [0, 0, 1, 1], [], []>, transpose_lhs_hint = false} : vector<128x384xbf16>, vector<384x64xbf16>, vector<128x64xf32> -> vector<128x64xf32>
    %div3A_736 = vector.broadcast %broadcast_in_dim3A_731 : vector<128x1xf32> to vector<128x64xf32>
    %div3A_737 = arith.divf %dot_general3A_735, %div3A_736 : vector<128x64xf32>
    %slice3A_738 = vector.extract_strided_slice %slice3A_702 {offsets = [0, 64], sizes = [128, 64], strides = [1, 1]} : vector<128x512xbf16> to vector<128x64xbf16>
    %slice3A_739 = vector.extract_strided_slice %slice3A_703 {offsets = [0, 64], sizes = [384, 64], strides = [1, 1]} : vector<384x512xbf16> to vector<384x64xbf16>
    %dot_general3A_740 = arith.constant dense<0.000000e+00> : vector<128x384xf32>
    %dot_general3A_741 = tpu.matmul %slice3A_738, %slice3A_739, %dot_general3A_740 {dimension_numbers = #tpu.dot_dimension_numbers<[1], [1], [0], [0], [0, 0, 1, 0], [], []>, transpose_lhs_hint = false} : vector<128x64xbf16>, vector<384x64xbf16>, vector<128x384xf32> -> vector<128x384xf32>
    %jit3A_742 = arith.constant -3.40282347E+38 : f32
    %broadcast_in_dim3A_743 = vector.shape_cast %or3A_718 : vector<1x384xi1> to vector<1x384xi1>
    %broadcast_in_dim3A_744 = vector.broadcast %broadcast_in_dim3A_743 : vector<1x384xi1> to vector<128x384xi1>
    %broadcast_in_dim3A_745 = vector.broadcast %jit3A_742 : f32 to vector<128x384xf32>
    %select_n3A_746 = arith.select %broadcast_in_dim3A_744, %broadcast_in_dim3A_745, %dot_general3A_741 : vector<128x384xi1>, vector<128x384xf32>
    %exp3A_747 = math.exp %select_n3A_746 : vector<128x384xf32>
    %reduce_sum3A_748 = arith.constant dense<0.000000e+00> : vector<128xf32>
    %reduce_sum3A_749 = vector.multi_reduction <add>, %exp3A_747, %reduce_sum3A_748 [1] : vector<128x384xf32> to vector<128xf32>
    %broadcast_in_dim3A_750 = vector.shape_cast %reduce_sum3A_749 : vector<128xf32> to vector<128x1xf32>
    %slice3A_751 = vector.extract_strided_slice %slice3A_704 {offsets = [0, 64], sizes = [384, 64], strides = [1, 1]} : vector<384x512xbf16> to vector<384x64xbf16>
    %convert_element_type3A_752 = arith.truncf %exp3A_747 : vector<128x384xf32> to vector<128x384xbf16>
    %dot_general3A_753 = arith.constant dense<0.000000e+00> : vector<128x64xf32>
    %dot_general3A_754 = tpu.matmul %convert_element_type3A_752, %slice3A_751, %dot_general3A_753 {dimension_numbers = #tpu.dot_dimension_numbers<[1], [0], [0], [1], [0, 0, 1, 1], [], []>, transpose_lhs_hint = false} : vector<128x384xbf16>, vector<384x64xbf16>, vector<128x64xf32> -> vector<128x64xf32>
    %div3A_755 = vector.broadcast %broadcast_in_dim3A_750 : vector<128x1xf32> to vector<128x64xf32>
    %div3A_756 = arith.divf %dot_general3A_754, %div3A_755 : vector<128x64xf32>
    %slice3A_757 = vector.extract_strided_slice %slice3A_702 {offsets = [0, 128], sizes = [128, 64], strides = [1, 1]} : vector<128x512xbf16> to vector<128x64xbf16>
    %slice3A_758 = vector.extract_strided_slice %slice3A_703 {offsets = [0, 128], sizes = [384, 64], strides = [1, 1]} : vector<384x512xbf16> to vector<384x64xbf16>
    %dot_general3A_759 = arith.constant dense<0.000000e+00> : vector<128x384xf32>
    %dot_general3A_760 = tpu.matmul %slice3A_757, %slice3A_758, %dot_general3A_759 {dimension_numbers = #tpu.dot_dimension_numbers<[1], [1], [0], [0], [0, 0, 1, 0], [], []>, transpose_lhs_hint = false} : vector<128x64xbf16>, vector<384x64xbf16>, vector<128x384xf32> -> vector<128x384xf32>
    %jit3A_761 = arith.constant -3.40282347E+38 : f32
    %broadcast_in_dim3A_762 = vector.shape_cast %or3A_718 : vector<1x384xi1> to vector<1x384xi1>
    %broadcast_in_dim3A_763 = vector.broadcast %broadcast_in_dim3A_762 : vector<1x384xi1> to vector<128x384xi1>
    %broadcast_in_dim3A_764 = vector.broadcast %jit3A_761 : f32 to vector<128x384xf32>
    %select_n3A_765 = arith.select %broadcast_in_dim3A_763, %broadcast_in_dim3A_764, %dot_general3A_760 : vector<128x384xi1>, vector<128x384xf32>
    %exp3A_766 = math.exp %select_n3A_765 : vector<128x384xf32>
    %reduce_sum3A_767 = arith.constant dense<0.000000e+00> : vector<128xf32>
    %reduce_sum3A_768 = vector.multi_reduction <add>, %exp3A_766, %reduce_sum3A_767 [1] : vector<128x384xf32> to vector<128xf32>
    %broadcast_in_dim3A_769 = vector.shape_cast %reduce_sum3A_768 : vector<128xf32> to vector<128x1xf32>
    %slice3A_770 = vector.extract_strided_slice %slice3A_704 {offsets = [0, 128], sizes = [384, 64], strides = [1, 1]} : vector<384x512xbf16> to vector<384x64xbf16>
    %convert_element_type3A_771 = arith.truncf %exp3A_766 : vector<128x384xf32> to vector<128x384xbf16>
    %dot_general3A_772 = arith.constant dense<0.000000e+00> : vector<128x64xf32>
    %dot_general3A_773 = tpu.matmul %convert_element_type3A_771, %slice3A_770, %dot_general3A_772 {dimension_numbers = #tpu.dot_dimension_numbers<[1], [0], [0], [1], [0, 0, 1, 1], [], []>, transpose_lhs_hint = false} : vector<128x384xbf16>, vector<384x64xbf16>, vector<128x64xf32> -> vector<128x64xf32>
    %div3A_774 = vector.broadcast %broadcast_in_dim3A_769 : vector<128x1xf32> to vector<128x64xf32>
    %div3A_775 = arith.divf %dot_general3A_773, %div3A_774 : vector<128x64xf32>
    %slice3A_776 = vector.extract_strided_slice %slice3A_702 {offsets = [0, 192], sizes = [128, 64], strides = [1, 1]} : vector<128x512xbf16> to vector<128x64xbf16>
    %slice3A_777 = vector.extract_strided_slice %slice3A_703 {offsets = [0, 192], sizes = [384, 64], strides = [1, 1]} : vector<384x512xbf16> to vector<384x64xbf16>
    %dot_general3A_778 = arith.constant dense<0.000000e+00> : vector<128x384xf32>
    %dot_general3A_779 = tpu.matmul %slice3A_776, %slice3A_777, %dot_general3A_778 {dimension_numbers = #tpu.dot_dimension_numbers<[1], [1], [0], [0], [0, 0, 1, 0], [], []>, transpose_lhs_hint = false} : vector<128x64xbf16>, vector<384x64xbf16>, vector<128x384xf32> -> vector<128x384xf32>
    %jit3A_780 = arith.constant -3.40282347E+38 : f32
    %broadcast_in_dim3A_781 = vector.shape_cast %or3A_718 : vector<1x384xi1> to vector<1x384xi1>
    %broadcast_in_dim3A_782 = vector.broadcast %broadcast_in_dim3A_781 : vector<1x384xi1> to vector<128x384xi1>
    %broadcast_in_dim3A_783 = vector.broadcast %jit3A_780 : f32 to vector<128x384xf32>
    %select_n3A_784 = arith.select %broadcast_in_dim3A_782, %broadcast_in_dim3A_783, %dot_general3A_779 : vector<128x384xi1>, vector<128x384xf32>
    %exp3A_785 = math.exp %select_n3A_784 : vector<128x384xf32>
    %reduce_sum3A_786 = arith.constant dense<0.000000e+00> : vector<128xf32>
    %reduce_sum3A_787 = vector.multi_reduction <add>, %exp3A_785, %reduce_sum3A_786 [1] : vector<128x384xf32> to vector<128xf32>
    %broadcast_in_dim3A_788 = vector.shape_cast %reduce_sum3A_787 : vector<128xf32> to vector<128x1xf32>
    %slice3A_789 = vector.extract_strided_slice %slice3A_704 {offsets = [0, 192], sizes = [384, 64], strides = [1, 1]} : vector<384x512xbf16> to vector<384x64xbf16>
    %convert_element_type3A_790 = arith.truncf %exp3A_785 : vector<128x384xf32> to vector<128x384xbf16>
    %dot_general3A_791 = arith.constant dense<0.000000e+00> : vector<128x64xf32>
    %dot_general3A_792 = tpu.matmul %convert_element_type3A_790, %slice3A_789, %dot_general3A_791 {dimension_numbers = #tpu.dot_dimension_numbers<[1], [0], [0], [1], [0, 0, 1, 1], [], []>, transpose_lhs_hint = false} : vector<128x384xbf16>, vector<384x64xbf16>, vector<128x64xf32> -> vector<128x64xf32>
    %div3A_793 = vector.broadcast %broadcast_in_dim3A_788 : vector<128x1xf32> to vector<128x64xf32>
    %div3A_794 = arith.divf %dot_general3A_792, %div3A_793 : vector<128x64xf32>
    %slice3A_795 = vector.extract_strided_slice %slice3A_702 {offsets = [0, 256], sizes = [128, 64], strides = [1, 1]} : vector<128x512xbf16> to vector<128x64xbf16>
    %slice3A_796 = vector.extract_strided_slice %slice3A_703 {offsets = [0, 256], sizes = [384, 64], strides = [1, 1]} : vector<384x512xbf16> to vector<384x64xbf16>
    %dot_general3A_797 = arith.constant dense<0.000000e+00> : vector<128x384xf32>
    %dot_general3A_798 = tpu.matmul %slice3A_795, %slice3A_796, %dot_general3A_797 {dimension_numbers = #tpu.dot_dimension_numbers<[1], [1], [0], [0], [0, 0, 1, 0], [], []>, transpose_lhs_hint = false} : vector<128x64xbf16>, vector<384x64xbf16>, vector<128x384xf32> -> vector<128x384xf32>
    %jit3A_799 = arith.constant -3.40282347E+38 : f32
    %broadcast_in_dim3A_800 = vector.shape_cast %or3A_718 : vector<1x384xi1> to vector<1x384xi1>
    %broadcast_in_dim3A_801 = vector.broadcast %broadcast_in_dim3A_800 : vector<1x384xi1> to vector<128x384xi1>
    %broadcast_in_dim3A_802 = vector.broadcast %jit3A_799 : f32 to vector<128x384xf32>
    %select_n3A_803 = arith.select %broadcast_in_dim3A_801, %broadcast_in_dim3A_802, %dot_general3A_798 : vector<128x384xi1>, vector<128x384xf32>
    %exp3A_804 = math.exp %select_n3A_803 : vector<128x384xf32>
    %reduce_sum3A_805 = arith.constant dense<0.000000e+00> : vector<128xf32>
    %reduce_sum3A_806 = vector.multi_reduction <add>, %exp3A_804, %reduce_sum3A_805 [1] : vector<128x384xf32> to vector<128xf32>
    %broadcast_in_dim3A_807 = vector.shape_cast %reduce_sum3A_806 : vector<128xf32> to vector<128x1xf32>
    %slice3A_808 = vector.extract_strided_slice %slice3A_704 {offsets = [0, 256], sizes = [384, 64], strides = [1, 1]} : vector<384x512xbf16> to vector<384x64xbf16>
    %convert_element_type3A_809 = arith.truncf %exp3A_804 : vector<128x384xf32> to vector<128x384xbf16>
    %dot_general3A_810 = arith.constant dense<0.000000e+00> : vector<128x64xf32>
    %dot_general3A_811 = tpu.matmul %convert_element_type3A_809, %slice3A_808, %dot_general3A_810 {dimension_numbers = #tpu.dot_dimension_numbers<[1], [0], [0], [1], [0, 0, 1, 1], [], []>, transpose_lhs_hint = false} : vector<128x384xbf16>, vector<384x64xbf16>, vector<128x64xf32> -> vector<128x64xf32>
    %div3A_812 = vector.broadcast %broadcast_in_dim3A_807 : vector<128x1xf32> to vector<128x64xf32>
    %div3A_813 = arith.divf %dot_general3A_811, %div3A_812 : vector<128x64xf32>
    %slice3A_814 = vector.extract_strided_slice %slice3A_702 {offsets = [0, 320], sizes = [128, 64], strides = [1, 1]} : vector<128x512xbf16> to vector<128x64xbf16>
    %slice3A_815 = vector.extract_strided_slice %slice3A_703 {offsets = [0, 320], sizes = [384, 64], strides = [1, 1]} : vector<384x512xbf16> to vector<384x64xbf16>
    %dot_general3A_816 = arith.constant dense<0.000000e+00> : vector<128x384xf32>
    %dot_general3A_817 = tpu.matmul %slice3A_814, %slice3A_815, %dot_general3A_816 {dimension_numbers = #tpu.dot_dimension_numbers<[1], [1], [0], [0], [0, 0, 1, 0], [], []>, transpose_lhs_hint = false} : vector<128x64xbf16>, vector<384x64xbf16>, vector<128x384xf32> -> vector<128x384xf32>
    %jit3A_818 = arith.constant -3.40282347E+38 : f32
    %broadcast_in_dim3A_819 = vector.shape_cast %or3A_718 : vector<1x384xi1> to vector<1x384xi1>
    %broadcast_in_dim3A_820 = vector.broadcast %broadcast_in_dim3A_819 : vector<1x384xi1> to vector<128x384xi1>
    %broadcast_in_dim3A_821 = vector.broadcast %jit3A_818 : f32 to vector<128x384xf32>
    %select_n3A_822 = arith.select %broadcast_in_dim3A_820, %broadcast_in_dim3A_821, %dot_general3A_817 : vector<128x384xi1>, vector<128x384xf32>
    %exp3A_823 = math.exp %select_n3A_822 : vector<128x384xf32>
    %reduce_sum3A_824 = arith.constant dense<0.000000e+00> : vector<128xf32>
    %reduce_sum3A_825 = vector.multi_reduction <add>, %exp3A_823, %reduce_sum3A_824 [1] : vector<128x384xf32> to vector<128xf32>
    %broadcast_in_dim3A_826 = vector.shape_cast %reduce_sum3A_825 : vector<128xf32> to vector<128x1xf32>
    %slice3A_827 = vector.extract_strided_slice %slice3A_704 {offsets = [0, 320], sizes = [384, 64], strides = [1, 1]} : vector<384x512xbf16> to vector<384x64xbf16>
    %convert_element_type3A_828 = arith.truncf %exp3A_823 : vector<128x384xf32> to vector<128x384xbf16>
    %dot_general3A_829 = arith.constant dense<0.000000e+00> : vector<128x64xf32>
    %dot_general3A_830 = tpu.matmul %convert_element_type3A_828, %slice3A_827, %dot_general3A_829 {dimension_numbers = #tpu.dot_dimension_numbers<[1], [0], [0], [1], [0, 0, 1, 1], [], []>, transpose_lhs_hint = false} : vector<128x384xbf16>, vector<384x64xbf16>, vector<128x64xf32> -> vector<128x64xf32>
    %div3A_831 = vector.broadcast %broadcast_in_dim3A_826 : vector<128x1xf32> to vector<128x64xf32>
    %div3A_832 = arith.divf %dot_general3A_830, %div3A_831 : vector<128x64xf32>
    %slice3A_833 = vector.extract_strided_slice %slice3A_702 {offsets = [0, 384], sizes = [128, 64], strides = [1, 1]} : vector<128x512xbf16> to vector<128x64xbf16>
    %slice3A_834 = vector.extract_strided_slice %slice3A_703 {offsets = [0, 384], sizes = [384, 64], strides = [1, 1]} : vector<384x512xbf16> to vector<384x64xbf16>
    %dot_general3A_835 = arith.constant dense<0.000000e+00> : vector<128x384xf32>
    %dot_general3A_836 = tpu.matmul %slice3A_833, %slice3A_834, %dot_general3A_835 {dimension_numbers = #tpu.dot_dimension_numbers<[1], [1], [0], [0], [0, 0, 1, 0], [], []>, transpose_lhs_hint = false} : vector<128x64xbf16>, vector<384x64xbf16>, vector<128x384xf32> -> vector<128x384xf32>
    %jit3A_837 = arith.constant -3.40282347E+38 : f32
    %broadcast_in_dim3A_838 = vector.shape_cast %or3A_718 : vector<1x384xi1> to vector<1x384xi1>
    %broadcast_in_dim3A_839 = vector.broadcast %broadcast_in_dim3A_838 : vector<1x384xi1> to vector<128x384xi1>
    %broadcast_in_dim3A_840 = vector.broadcast %jit3A_837 : f32 to vector<128x384xf32>
    %select_n3A_841 = arith.select %broadcast_in_dim3A_839, %broadcast_in_dim3A_840, %dot_general3A_836 : vector<128x384xi1>, vector<128x384xf32>
    %exp3A_842 = math.exp %select_n3A_841 : vector<128x384xf32>
    %reduce_sum3A_843 = arith.constant dense<0.000000e+00> : vector<128xf32>
    %reduce_sum3A_844 = vector.multi_reduction <add>, %exp3A_842, %reduce_sum3A_843 [1] : vector<128x384xf32> to vector<128xf32>
    %broadcast_in_dim3A_845 = vector.shape_cast %reduce_sum3A_844 : vector<128xf32> to vector<128x1xf32>
    %slice3A_846 = vector.extract_strided_slice %slice3A_704 {offsets = [0, 384], sizes = [384, 64], strides = [1, 1]} : vector<384x512xbf16> to vector<384x64xbf16>
    %convert_element_type3A_847 = arith.truncf %exp3A_842 : vector<128x384xf32> to vector<128x384xbf16>
    %dot_general3A_848 = arith.constant dense<0.000000e+00> : vector<128x64xf32>
    %dot_general3A_849 = tpu.matmul %convert_element_type3A_847, %slice3A_846, %dot_general3A_848 {dimension_numbers = #tpu.dot_dimension_numbers<[1], [0], [0], [1], [0, 0, 1, 1], [], []>, transpose_lhs_hint = false} : vector<128x384xbf16>, vector<384x64xbf16>, vector<128x64xf32> -> vector<128x64xf32>
    %div3A_850 = vector.broadcast %broadcast_in_dim3A_845 : vector<128x1xf32> to vector<128x64xf32>
    %div3A_851 = arith.divf %dot_general3A_849, %div3A_850 : vector<128x64xf32>
    %slice3A_852 = vector.extract_strided_slice %slice3A_702 {offsets = [0, 448], sizes = [128, 64], strides = [1, 1]} : vector<128x512xbf16> to vector<128x64xbf16>
    %slice3A_853 = vector.extract_strided_slice %slice3A_703 {offsets = [0, 448], sizes = [384, 64], strides = [1, 1]} : vector<384x512xbf16> to vector<384x64xbf16>
    %dot_general3A_854 = arith.constant dense<0.000000e+00> : vector<128x384xf32>
    %dot_general3A_855 = tpu.matmul %slice3A_852, %slice3A_853, %dot_general3A_854 {dimension_numbers = #tpu.dot_dimension_numbers<[1], [1], [0], [0], [0, 0, 1, 0], [], []>, transpose_lhs_hint = false} : vector<128x64xbf16>, vector<384x64xbf16>, vector<128x384xf32> -> vector<128x384xf32>
    %jit3A_856 = arith.constant -3.40282347E+38 : f32
    %broadcast_in_dim3A_857 = vector.shape_cast %or3A_718 : vector<1x384xi1> to vector<1x384xi1>
    %broadcast_in_dim3A_858 = vector.broadcast %broadcast_in_dim3A_857 : vector<1x384xi1> to vector<128x384xi1>
    %broadcast_in_dim3A_859 = vector.broadcast %jit3A_856 : f32 to vector<128x384xf32>
    %select_n3A_860 = arith.select %broadcast_in_dim3A_858, %broadcast_in_dim3A_859, %dot_general3A_855 : vector<128x384xi1>, vector<128x384xf32>
    %exp3A_861 = math.exp %select_n3A_860 : vector<128x384xf32>
    %reduce_sum3A_862 = arith.constant dense<0.000000e+00> : vector<128xf32>
    %reduce_sum3A_863 = vector.multi_reduction <add>, %exp3A_861, %reduce_sum3A_862 [1] : vector<128x384xf32> to vector<128xf32>
    %broadcast_in_dim3A_864 = vector.shape_cast %reduce_sum3A_863 : vector<128xf32> to vector<128x1xf32>
    %slice3A_865 = vector.extract_strided_slice %slice3A_704 {offsets = [0, 448], sizes = [384, 64], strides = [1, 1]} : vector<384x512xbf16> to vector<384x64xbf16>
    %convert_element_type3A_866 = arith.truncf %exp3A_861 : vector<128x384xf32> to vector<128x384xbf16>
    %dot_general3A_867 = arith.constant dense<0.000000e+00> : vector<128x64xf32>
    %dot_general3A_868 = tpu.matmul %convert_element_type3A_866, %slice3A_865, %dot_general3A_867 {dimension_numbers = #tpu.dot_dimension_numbers<[1], [0], [0], [1], [0, 0, 1, 1], [], []>, transpose_lhs_hint = false} : vector<128x384xbf16>, vector<384x64xbf16>, vector<128x64xf32> -> vector<128x64xf32>
    %div3A_869 = vector.broadcast %broadcast_in_dim3A_864 : vector<128x1xf32> to vector<128x64xf32>
    %div3A_870 = arith.divf %dot_general3A_868, %div3A_869 : vector<128x64xf32>
    %concatenate3A_871 = tpu.concatenate %div3A_737, %div3A_756, %div3A_775, %div3A_794, %div3A_813, %div3A_832, %div3A_851, %div3A_870 in 1 : vector<128x64xf32>, vector<128x64xf32>, vector<128x64xf32>, vector<128x64xf32>, vector<128x64xf32>, vector<128x64xf32>, vector<128x64xf32>, vector<128x64xf32> -> vector<128x512xf32>
    %slice3A_872 = vector.extract_strided_slice %convert_element_type3A_33 {offsets = [640, 0], sizes = [128, 512], strides = [1, 1]} : vector<1024x512xbf16> to vector<128x512xbf16>
    %slice3A_873 = vector.extract_strided_slice %concatenate3A {offsets = [640, 0], sizes = [384, 512], strides = [1, 1]} : vector<1280x512xbf16> to vector<384x512xbf16>
    %slice3A_874 = vector.extract_strided_slice %concatenate3A_29 {offsets = [640, 0], sizes = [384, 512], strides = [1, 1]} : vector<1280x512xbf16> to vector<384x512xbf16>
    %mul3A_875 = arith.constant 1024 : i32
    %mul3A_876 = arith.muli %arg1, %mul3A_875 : i32
    %add3A_877 = arith.constant 512 : i32
    %add3A_878 = arith.addi %mul3A_876, %add3A_877 : i32
    %iota3A_879 = tpu.iota {dimensions = array<i32: 1>} : vector<1x384xi32>
    %add3A_880 = vector.broadcast %add3A_878 : i32 to vector<1x384xi32>
    %add3A_881 = arith.addi %add3A_880, %iota3A_879 : vector<1x384xi32>
    %lt3A_882 = arith.constant 0 : i32
    %lt3A_883 = vector.broadcast %lt3A_882 : i32 to vector<1x384xi32>
    %lt3A_884 = arith.cmpi slt, %add3A_881, %lt3A_883 : vector<1x384xi32>
    %ge3A_885 = arith.constant 4096 : i32
    %ge3A_886 = vector.broadcast %ge3A_885 : i32 to vector<1x384xi32>
    %ge3A_887 = arith.cmpi sge, %add3A_881, %ge3A_886 : vector<1x384xi32>
    %or3A_888 = arith.ori %lt3A_884, %ge3A_887 : vector<1x384xi1>
    %slice3A_889 = vector.extract_strided_slice %slice3A_872 {offsets = [0, 0], sizes = [128, 64], strides = [1, 1]} : vector<128x512xbf16> to vector<128x64xbf16>
    %slice3A_890 = vector.extract_strided_slice %slice3A_873 {offsets = [0, 0], sizes = [384, 64], strides = [1, 1]} : vector<384x512xbf16> to vector<384x64xbf16>
    %dot_general3A_891 = arith.constant dense<0.000000e+00> : vector<128x384xf32>
    %dot_general3A_892 = tpu.matmul %slice3A_889, %slice3A_890, %dot_general3A_891 {dimension_numbers = #tpu.dot_dimension_numbers<[1], [1], [0], [0], [0, 0, 1, 0], [], []>, transpose_lhs_hint = false} : vector<128x64xbf16>, vector<384x64xbf16>, vector<128x384xf32> -> vector<128x384xf32>
    %jit3A_893 = arith.constant -3.40282347E+38 : f32
    %broadcast_in_dim3A_894 = vector.shape_cast %or3A_888 : vector<1x384xi1> to vector<1x384xi1>
    %broadcast_in_dim3A_895 = vector.broadcast %broadcast_in_dim3A_894 : vector<1x384xi1> to vector<128x384xi1>
    %broadcast_in_dim3A_896 = vector.broadcast %jit3A_893 : f32 to vector<128x384xf32>
    %select_n3A_897 = arith.select %broadcast_in_dim3A_895, %broadcast_in_dim3A_896, %dot_general3A_892 : vector<128x384xi1>, vector<128x384xf32>
    %exp3A_898 = math.exp %select_n3A_897 : vector<128x384xf32>
    %reduce_sum3A_899 = arith.constant dense<0.000000e+00> : vector<128xf32>
    %reduce_sum3A_900 = vector.multi_reduction <add>, %exp3A_898, %reduce_sum3A_899 [1] : vector<128x384xf32> to vector<128xf32>
    %broadcast_in_dim3A_901 = vector.shape_cast %reduce_sum3A_900 : vector<128xf32> to vector<128x1xf32>
    %slice3A_902 = vector.extract_strided_slice %slice3A_874 {offsets = [0, 0], sizes = [384, 64], strides = [1, 1]} : vector<384x512xbf16> to vector<384x64xbf16>
    %convert_element_type3A_903 = arith.truncf %exp3A_898 : vector<128x384xf32> to vector<128x384xbf16>
    %dot_general3A_904 = arith.constant dense<0.000000e+00> : vector<128x64xf32>
    %dot_general3A_905 = tpu.matmul %convert_element_type3A_903, %slice3A_902, %dot_general3A_904 {dimension_numbers = #tpu.dot_dimension_numbers<[1], [0], [0], [1], [0, 0, 1, 1], [], []>, transpose_lhs_hint = false} : vector<128x384xbf16>, vector<384x64xbf16>, vector<128x64xf32> -> vector<128x64xf32>
    %div3A_906 = vector.broadcast %broadcast_in_dim3A_901 : vector<128x1xf32> to vector<128x64xf32>
    %div3A_907 = arith.divf %dot_general3A_905, %div3A_906 : vector<128x64xf32>
    %slice3A_908 = vector.extract_strided_slice %slice3A_872 {offsets = [0, 64], sizes = [128, 64], strides = [1, 1]} : vector<128x512xbf16> to vector<128x64xbf16>
    %slice3A_909 = vector.extract_strided_slice %slice3A_873 {offsets = [0, 64], sizes = [384, 64], strides = [1, 1]} : vector<384x512xbf16> to vector<384x64xbf16>
    %dot_general3A_910 = arith.constant dense<0.000000e+00> : vector<128x384xf32>
    %dot_general3A_911 = tpu.matmul %slice3A_908, %slice3A_909, %dot_general3A_910 {dimension_numbers = #tpu.dot_dimension_numbers<[1], [1], [0], [0], [0, 0, 1, 0], [], []>, transpose_lhs_hint = false} : vector<128x64xbf16>, vector<384x64xbf16>, vector<128x384xf32> -> vector<128x384xf32>
    %jit3A_912 = arith.constant -3.40282347E+38 : f32
    %broadcast_in_dim3A_913 = vector.shape_cast %or3A_888 : vector<1x384xi1> to vector<1x384xi1>
    %broadcast_in_dim3A_914 = vector.broadcast %broadcast_in_dim3A_913 : vector<1x384xi1> to vector<128x384xi1>
    %broadcast_in_dim3A_915 = vector.broadcast %jit3A_912 : f32 to vector<128x384xf32>
    %select_n3A_916 = arith.select %broadcast_in_dim3A_914, %broadcast_in_dim3A_915, %dot_general3A_911 : vector<128x384xi1>, vector<128x384xf32>
    %exp3A_917 = math.exp %select_n3A_916 : vector<128x384xf32>
    %reduce_sum3A_918 = arith.constant dense<0.000000e+00> : vector<128xf32>
    %reduce_sum3A_919 = vector.multi_reduction <add>, %exp3A_917, %reduce_sum3A_918 [1] : vector<128x384xf32> to vector<128xf32>
    %broadcast_in_dim3A_920 = vector.shape_cast %reduce_sum3A_919 : vector<128xf32> to vector<128x1xf32>
    %slice3A_921 = vector.extract_strided_slice %slice3A_874 {offsets = [0, 64], sizes = [384, 64], strides = [1, 1]} : vector<384x512xbf16> to vector<384x64xbf16>
    %convert_element_type3A_922 = arith.truncf %exp3A_917 : vector<128x384xf32> to vector<128x384xbf16>
    %dot_general3A_923 = arith.constant dense<0.000000e+00> : vector<128x64xf32>
    %dot_general3A_924 = tpu.matmul %convert_element_type3A_922, %slice3A_921, %dot_general3A_923 {dimension_numbers = #tpu.dot_dimension_numbers<[1], [0], [0], [1], [0, 0, 1, 1], [], []>, transpose_lhs_hint = false} : vector<128x384xbf16>, vector<384x64xbf16>, vector<128x64xf32> -> vector<128x64xf32>
    %div3A_925 = vector.broadcast %broadcast_in_dim3A_920 : vector<128x1xf32> to vector<128x64xf32>
    %div3A_926 = arith.divf %dot_general3A_924, %div3A_925 : vector<128x64xf32>
    %slice3A_927 = vector.extract_strided_slice %slice3A_872 {offsets = [0, 128], sizes = [128, 64], strides = [1, 1]} : vector<128x512xbf16> to vector<128x64xbf16>
    %slice3A_928 = vector.extract_strided_slice %slice3A_873 {offsets = [0, 128], sizes = [384, 64], strides = [1, 1]} : vector<384x512xbf16> to vector<384x64xbf16>
    %dot_general3A_929 = arith.constant dense<0.000000e+00> : vector<128x384xf32>
    %dot_general3A_930 = tpu.matmul %slice3A_927, %slice3A_928, %dot_general3A_929 {dimension_numbers = #tpu.dot_dimension_numbers<[1], [1], [0], [0], [0, 0, 1, 0], [], []>, transpose_lhs_hint = false} : vector<128x64xbf16>, vector<384x64xbf16>, vector<128x384xf32> -> vector<128x384xf32>
    %jit3A_931 = arith.constant -3.40282347E+38 : f32
    %broadcast_in_dim3A_932 = vector.shape_cast %or3A_888 : vector<1x384xi1> to vector<1x384xi1>
    %broadcast_in_dim3A_933 = vector.broadcast %broadcast_in_dim3A_932 : vector<1x384xi1> to vector<128x384xi1>
    %broadcast_in_dim3A_934 = vector.broadcast %jit3A_931 : f32 to vector<128x384xf32>
    %select_n3A_935 = arith.select %broadcast_in_dim3A_933, %broadcast_in_dim3A_934, %dot_general3A_930 : vector<128x384xi1>, vector<128x384xf32>
    %exp3A_936 = math.exp %select_n3A_935 : vector<128x384xf32>
    %reduce_sum3A_937 = arith.constant dense<0.000000e+00> : vector<128xf32>
    %reduce_sum3A_938 = vector.multi_reduction <add>, %exp3A_936, %reduce_sum3A_937 [1] : vector<128x384xf32> to vector<128xf32>
    %broadcast_in_dim3A_939 = vector.shape_cast %reduce_sum3A_938 : vector<128xf32> to vector<128x1xf32>
    %slice3A_940 = vector.extract_strided_slice %slice3A_874 {offsets = [0, 128], sizes = [384, 64], strides = [1, 1]} : vector<384x512xbf16> to vector<384x64xbf16>
    %convert_element_type3A_941 = arith.truncf %exp3A_936 : vector<128x384xf32> to vector<128x384xbf16>
    %dot_general3A_942 = arith.constant dense<0.000000e+00> : vector<128x64xf32>
    %dot_general3A_943 = tpu.matmul %convert_element_type3A_941, %slice3A_940, %dot_general3A_942 {dimension_numbers = #tpu.dot_dimension_numbers<[1], [0], [0], [1], [0, 0, 1, 1], [], []>, transpose_lhs_hint = false} : vector<128x384xbf16>, vector<384x64xbf16>, vector<128x64xf32> -> vector<128x64xf32>
    %div3A_944 = vector.broadcast %broadcast_in_dim3A_939 : vector<128x1xf32> to vector<128x64xf32>
    %div3A_945 = arith.divf %dot_general3A_943, %div3A_944 : vector<128x64xf32>
    %slice3A_946 = vector.extract_strided_slice %slice3A_872 {offsets = [0, 192], sizes = [128, 64], strides = [1, 1]} : vector<128x512xbf16> to vector<128x64xbf16>
    %slice3A_947 = vector.extract_strided_slice %slice3A_873 {offsets = [0, 192], sizes = [384, 64], strides = [1, 1]} : vector<384x512xbf16> to vector<384x64xbf16>
    %dot_general3A_948 = arith.constant dense<0.000000e+00> : vector<128x384xf32>
    %dot_general3A_949 = tpu.matmul %slice3A_946, %slice3A_947, %dot_general3A_948 {dimension_numbers = #tpu.dot_dimension_numbers<[1], [1], [0], [0], [0, 0, 1, 0], [], []>, transpose_lhs_hint = false} : vector<128x64xbf16>, vector<384x64xbf16>, vector<128x384xf32> -> vector<128x384xf32>
    %jit3A_950 = arith.constant -3.40282347E+38 : f32
    %broadcast_in_dim3A_951 = vector.shape_cast %or3A_888 : vector<1x384xi1> to vector<1x384xi1>
    %broadcast_in_dim3A_952 = vector.broadcast %broadcast_in_dim3A_951 : vector<1x384xi1> to vector<128x384xi1>
    %broadcast_in_dim3A_953 = vector.broadcast %jit3A_950 : f32 to vector<128x384xf32>
    %select_n3A_954 = arith.select %broadcast_in_dim3A_952, %broadcast_in_dim3A_953, %dot_general3A_949 : vector<128x384xi1>, vector<128x384xf32>
    %exp3A_955 = math.exp %select_n3A_954 : vector<128x384xf32>
    %reduce_sum3A_956 = arith.constant dense<0.000000e+00> : vector<128xf32>
    %reduce_sum3A_957 = vector.multi_reduction <add>, %exp3A_955, %reduce_sum3A_956 [1] : vector<128x384xf32> to vector<128xf32>
    %broadcast_in_dim3A_958 = vector.shape_cast %reduce_sum3A_957 : vector<128xf32> to vector<128x1xf32>
    %slice3A_959 = vector.extract_strided_slice %slice3A_874 {offsets = [0, 192], sizes = [384, 64], strides = [1, 1]} : vector<384x512xbf16> to vector<384x64xbf16>
    %convert_element_type3A_960 = arith.truncf %exp3A_955 : vector<128x384xf32> to vector<128x384xbf16>
    %dot_general3A_961 = arith.constant dense<0.000000e+00> : vector<128x64xf32>
    %dot_general3A_962 = tpu.matmul %convert_element_type3A_960, %slice3A_959, %dot_general3A_961 {dimension_numbers = #tpu.dot_dimension_numbers<[1], [0], [0], [1], [0, 0, 1, 1], [], []>, transpose_lhs_hint = false} : vector<128x384xbf16>, vector<384x64xbf16>, vector<128x64xf32> -> vector<128x64xf32>
    %div3A_963 = vector.broadcast %broadcast_in_dim3A_958 : vector<128x1xf32> to vector<128x64xf32>
    %div3A_964 = arith.divf %dot_general3A_962, %div3A_963 : vector<128x64xf32>
    %slice3A_965 = vector.extract_strided_slice %slice3A_872 {offsets = [0, 256], sizes = [128, 64], strides = [1, 1]} : vector<128x512xbf16> to vector<128x64xbf16>
    %slice3A_966 = vector.extract_strided_slice %slice3A_873 {offsets = [0, 256], sizes = [384, 64], strides = [1, 1]} : vector<384x512xbf16> to vector<384x64xbf16>
    %dot_general3A_967 = arith.constant dense<0.000000e+00> : vector<128x384xf32>
    %dot_general3A_968 = tpu.matmul %slice3A_965, %slice3A_966, %dot_general3A_967 {dimension_numbers = #tpu.dot_dimension_numbers<[1], [1], [0], [0], [0, 0, 1, 0], [], []>, transpose_lhs_hint = false} : vector<128x64xbf16>, vector<384x64xbf16>, vector<128x384xf32> -> vector<128x384xf32>
    %jit3A_969 = arith.constant -3.40282347E+38 : f32
    %broadcast_in_dim3A_970 = vector.shape_cast %or3A_888 : vector<1x384xi1> to vector<1x384xi1>
    %broadcast_in_dim3A_971 = vector.broadcast %broadcast_in_dim3A_970 : vector<1x384xi1> to vector<128x384xi1>
    %broadcast_in_dim3A_972 = vector.broadcast %jit3A_969 : f32 to vector<128x384xf32>
    %select_n3A_973 = arith.select %broadcast_in_dim3A_971, %broadcast_in_dim3A_972, %dot_general3A_968 : vector<128x384xi1>, vector<128x384xf32>
    %exp3A_974 = math.exp %select_n3A_973 : vector<128x384xf32>
    %reduce_sum3A_975 = arith.constant dense<0.000000e+00> : vector<128xf32>
    %reduce_sum3A_976 = vector.multi_reduction <add>, %exp3A_974, %reduce_sum3A_975 [1] : vector<128x384xf32> to vector<128xf32>
    %broadcast_in_dim3A_977 = vector.shape_cast %reduce_sum3A_976 : vector<128xf32> to vector<128x1xf32>
    %slice3A_978 = vector.extract_strided_slice %slice3A_874 {offsets = [0, 256], sizes = [384, 64], strides = [1, 1]} : vector<384x512xbf16> to vector<384x64xbf16>
    %convert_element_type3A_979 = arith.truncf %exp3A_974 : vector<128x384xf32> to vector<128x384xbf16>
    %dot_general3A_980 = arith.constant dense<0.000000e+00> : vector<128x64xf32>
    %dot_general3A_981 = tpu.matmul %convert_element_type3A_979, %slice3A_978, %dot_general3A_980 {dimension_numbers = #tpu.dot_dimension_numbers<[1], [0], [0], [1], [0, 0, 1, 1], [], []>, transpose_lhs_hint = false} : vector<128x384xbf16>, vector<384x64xbf16>, vector<128x64xf32> -> vector<128x64xf32>
    %div3A_982 = vector.broadcast %broadcast_in_dim3A_977 : vector<128x1xf32> to vector<128x64xf32>
    %div3A_983 = arith.divf %dot_general3A_981, %div3A_982 : vector<128x64xf32>
    %slice3A_984 = vector.extract_strided_slice %slice3A_872 {offsets = [0, 320], sizes = [128, 64], strides = [1, 1]} : vector<128x512xbf16> to vector<128x64xbf16>
    %slice3A_985 = vector.extract_strided_slice %slice3A_873 {offsets = [0, 320], sizes = [384, 64], strides = [1, 1]} : vector<384x512xbf16> to vector<384x64xbf16>
    %dot_general3A_986 = arith.constant dense<0.000000e+00> : vector<128x384xf32>
    %dot_general3A_987 = tpu.matmul %slice3A_984, %slice3A_985, %dot_general3A_986 {dimension_numbers = #tpu.dot_dimension_numbers<[1], [1], [0], [0], [0, 0, 1, 0], [], []>, transpose_lhs_hint = false} : vector<128x64xbf16>, vector<384x64xbf16>, vector<128x384xf32> -> vector<128x384xf32>
    %jit3A_988 = arith.constant -3.40282347E+38 : f32
    %broadcast_in_dim3A_989 = vector.shape_cast %or3A_888 : vector<1x384xi1> to vector<1x384xi1>
    %broadcast_in_dim3A_990 = vector.broadcast %broadcast_in_dim3A_989 : vector<1x384xi1> to vector<128x384xi1>
    %broadcast_in_dim3A_991 = vector.broadcast %jit3A_988 : f32 to vector<128x384xf32>
    %select_n3A_992 = arith.select %broadcast_in_dim3A_990, %broadcast_in_dim3A_991, %dot_general3A_987 : vector<128x384xi1>, vector<128x384xf32>
    %exp3A_993 = math.exp %select_n3A_992 : vector<128x384xf32>
    %reduce_sum3A_994 = arith.constant dense<0.000000e+00> : vector<128xf32>
    %reduce_sum3A_995 = vector.multi_reduction <add>, %exp3A_993, %reduce_sum3A_994 [1] : vector<128x384xf32> to vector<128xf32>
    %broadcast_in_dim3A_996 = vector.shape_cast %reduce_sum3A_995 : vector<128xf32> to vector<128x1xf32>
    %slice3A_997 = vector.extract_strided_slice %slice3A_874 {offsets = [0, 320], sizes = [384, 64], strides = [1, 1]} : vector<384x512xbf16> to vector<384x64xbf16>
    %convert_element_type3A_998 = arith.truncf %exp3A_993 : vector<128x384xf32> to vector<128x384xbf16>
    %dot_general3A_999 = arith.constant dense<0.000000e+00> : vector<128x64xf32>
    %dot_general3A_1000 = tpu.matmul %convert_element_type3A_998, %slice3A_997, %dot_general3A_999 {dimension_numbers = #tpu.dot_dimension_numbers<[1], [0], [0], [1], [0, 0, 1, 1], [], []>, transpose_lhs_hint = false} : vector<128x384xbf16>, vector<384x64xbf16>, vector<128x64xf32> -> vector<128x64xf32>
    %div3A_1001 = vector.broadcast %broadcast_in_dim3A_996 : vector<128x1xf32> to vector<128x64xf32>
    %div3A_1002 = arith.divf %dot_general3A_1000, %div3A_1001 : vector<128x64xf32>
    %slice3A_1003 = vector.extract_strided_slice %slice3A_872 {offsets = [0, 384], sizes = [128, 64], strides = [1, 1]} : vector<128x512xbf16> to vector<128x64xbf16>
    %slice3A_1004 = vector.extract_strided_slice %slice3A_873 {offsets = [0, 384], sizes = [384, 64], strides = [1, 1]} : vector<384x512xbf16> to vector<384x64xbf16>
    %dot_general3A_1005 = arith.constant dense<0.000000e+00> : vector<128x384xf32>
    %dot_general3A_1006 = tpu.matmul %slice3A_1003, %slice3A_1004, %dot_general3A_1005 {dimension_numbers = #tpu.dot_dimension_numbers<[1], [1], [0], [0], [0, 0, 1, 0], [], []>, transpose_lhs_hint = false} : vector<128x64xbf16>, vector<384x64xbf16>, vector<128x384xf32> -> vector<128x384xf32>
    %jit3A_1007 = arith.constant -3.40282347E+38 : f32
    %broadcast_in_dim3A_1008 = vector.shape_cast %or3A_888 : vector<1x384xi1> to vector<1x384xi1>
    %broadcast_in_dim3A_1009 = vector.broadcast %broadcast_in_dim3A_1008 : vector<1x384xi1> to vector<128x384xi1>
    %broadcast_in_dim3A_1010 = vector.broadcast %jit3A_1007 : f32 to vector<128x384xf32>
    %select_n3A_1011 = arith.select %broadcast_in_dim3A_1009, %broadcast_in_dim3A_1010, %dot_general3A_1006 : vector<128x384xi1>, vector<128x384xf32>
    %exp3A_1012 = math.exp %select_n3A_1011 : vector<128x384xf32>
    %reduce_sum3A_1013 = arith.constant dense<0.000000e+00> : vector<128xf32>
    %reduce_sum3A_1014 = vector.multi_reduction <add>, %exp3A_1012, %reduce_sum3A_1013 [1] : vector<128x384xf32> to vector<128xf32>
    %broadcast_in_dim3A_1015 = vector.shape_cast %reduce_sum3A_1014 : vector<128xf32> to vector<128x1xf32>
    %slice3A_1016 = vector.extract_strided_slice %slice3A_874 {offsets = [0, 384], sizes = [384, 64], strides = [1, 1]} : vector<384x512xbf16> to vector<384x64xbf16>
    %convert_element_type3A_1017 = arith.truncf %exp3A_1012 : vector<128x384xf32> to vector<128x384xbf16>
    %dot_general3A_1018 = arith.constant dense<0.000000e+00> : vector<128x64xf32>
    %dot_general3A_1019 = tpu.matmul %convert_element_type3A_1017, %slice3A_1016, %dot_general3A_1018 {dimension_numbers = #tpu.dot_dimension_numbers<[1], [0], [0], [1], [0, 0, 1, 1], [], []>, transpose_lhs_hint = false} : vector<128x384xbf16>, vector<384x64xbf16>, vector<128x64xf32> -> vector<128x64xf32>
    %div3A_1020 = vector.broadcast %broadcast_in_dim3A_1015 : vector<128x1xf32> to vector<128x64xf32>
    %div3A_1021 = arith.divf %dot_general3A_1019, %div3A_1020 : vector<128x64xf32>
    %slice3A_1022 = vector.extract_strided_slice %slice3A_872 {offsets = [0, 448], sizes = [128, 64], strides = [1, 1]} : vector<128x512xbf16> to vector<128x64xbf16>
    %slice3A_1023 = vector.extract_strided_slice %slice3A_873 {offsets = [0, 448], sizes = [384, 64], strides = [1, 1]} : vector<384x512xbf16> to vector<384x64xbf16>
    %dot_general3A_1024 = arith.constant dense<0.000000e+00> : vector<128x384xf32>
    %dot_general3A_1025 = tpu.matmul %slice3A_1022, %slice3A_1023, %dot_general3A_1024 {dimension_numbers = #tpu.dot_dimension_numbers<[1], [1], [0], [0], [0, 0, 1, 0], [], []>, transpose_lhs_hint = false} : vector<128x64xbf16>, vector<384x64xbf16>, vector<128x384xf32> -> vector<128x384xf32>
    %jit3A_1026 = arith.constant -3.40282347E+38 : f32
    %broadcast_in_dim3A_1027 = vector.shape_cast %or3A_888 : vector<1x384xi1> to vector<1x384xi1>
    %broadcast_in_dim3A_1028 = vector.broadcast %broadcast_in_dim3A_1027 : vector<1x384xi1> to vector<128x384xi1>
    %broadcast_in_dim3A_1029 = vector.broadcast %jit3A_1026 : f32 to vector<128x384xf32>
    %select_n3A_1030 = arith.select %broadcast_in_dim3A_1028, %broadcast_in_dim3A_1029, %dot_general3A_1025 : vector<128x384xi1>, vector<128x384xf32>
    %exp3A_1031 = math.exp %select_n3A_1030 : vector<128x384xf32>
    %reduce_sum3A_1032 = arith.constant dense<0.000000e+00> : vector<128xf32>
    %reduce_sum3A_1033 = vector.multi_reduction <add>, %exp3A_1031, %reduce_sum3A_1032 [1] : vector<128x384xf32> to vector<128xf32>
    %broadcast_in_dim3A_1034 = vector.shape_cast %reduce_sum3A_1033 : vector<128xf32> to vector<128x1xf32>
    %slice3A_1035 = vector.extract_strided_slice %slice3A_874 {offsets = [0, 448], sizes = [384, 64], strides = [1, 1]} : vector<384x512xbf16> to vector<384x64xbf16>
    %convert_element_type3A_1036 = arith.truncf %exp3A_1031 : vector<128x384xf32> to vector<128x384xbf16>
    %dot_general3A_1037 = arith.constant dense<0.000000e+00> : vector<128x64xf32>
    %dot_general3A_1038 = tpu.matmul %convert_element_type3A_1036, %slice3A_1035, %dot_general3A_1037 {dimension_numbers = #tpu.dot_dimension_numbers<[1], [0], [0], [1], [0, 0, 1, 1], [], []>, transpose_lhs_hint = false} : vector<128x384xbf16>, vector<384x64xbf16>, vector<128x64xf32> -> vector<128x64xf32>
    %div3A_1039 = vector.broadcast %broadcast_in_dim3A_1034 : vector<128x1xf32> to vector<128x64xf32>
    %div3A_1040 = arith.divf %dot_general3A_1038, %div3A_1039 : vector<128x64xf32>
    %concatenate3A_1041 = tpu.concatenate %div3A_907, %div3A_926, %div3A_945, %div3A_964, %div3A_983, %div3A_1002, %div3A_1021, %div3A_1040 in 1 : vector<128x64xf32>, vector<128x64xf32>, vector<128x64xf32>, vector<128x64xf32>, vector<128x64xf32>, vector<128x64xf32>, vector<128x64xf32>, vector<128x64xf32> -> vector<128x512xf32>
    %slice3A_1042 = vector.extract_strided_slice %convert_element_type3A_33 {offsets = [768, 0], sizes = [128, 512], strides = [1, 1]} : vector<1024x512xbf16> to vector<128x512xbf16>
    %slice3A_1043 = vector.extract_strided_slice %concatenate3A {offsets = [768, 0], sizes = [384, 512], strides = [1, 1]} : vector<1280x512xbf16> to vector<384x512xbf16>
    %slice3A_1044 = vector.extract_strided_slice %concatenate3A_29 {offsets = [768, 0], sizes = [384, 512], strides = [1, 1]} : vector<1280x512xbf16> to vector<384x512xbf16>
    %mul3A_1045 = arith.constant 1024 : i32
    %mul3A_1046 = arith.muli %arg1, %mul3A_1045 : i32
    %add3A_1047 = arith.constant 640 : i32
    %add3A_1048 = arith.addi %mul3A_1046, %add3A_1047 : i32
    %iota3A_1049 = tpu.iota {dimensions = array<i32: 1>} : vector<1x384xi32>
    %add3A_1050 = vector.broadcast %add3A_1048 : i32 to vector<1x384xi32>
    %add3A_1051 = arith.addi %add3A_1050, %iota3A_1049 : vector<1x384xi32>
    %lt3A_1052 = arith.constant 0 : i32
    %lt3A_1053 = vector.broadcast %lt3A_1052 : i32 to vector<1x384xi32>
    %lt3A_1054 = arith.cmpi slt, %add3A_1051, %lt3A_1053 : vector<1x384xi32>
    %ge3A_1055 = arith.constant 4096 : i32
    %ge3A_1056 = vector.broadcast %ge3A_1055 : i32 to vector<1x384xi32>
    %ge3A_1057 = arith.cmpi sge, %add3A_1051, %ge3A_1056 : vector<1x384xi32>
    %or3A_1058 = arith.ori %lt3A_1054, %ge3A_1057 : vector<1x384xi1>
    %slice3A_1059 = vector.extract_strided_slice %slice3A_1042 {offsets = [0, 0], sizes = [128, 64], strides = [1, 1]} : vector<128x512xbf16> to vector<128x64xbf16>
    %slice3A_1060 = vector.extract_strided_slice %slice3A_1043 {offsets = [0, 0], sizes = [384, 64], strides = [1, 1]} : vector<384x512xbf16> to vector<384x64xbf16>
    %dot_general3A_1061 = arith.constant dense<0.000000e+00> : vector<128x384xf32>
    %dot_general3A_1062 = tpu.matmul %slice3A_1059, %slice3A_1060, %dot_general3A_1061 {dimension_numbers = #tpu.dot_dimension_numbers<[1], [1], [0], [0], [0, 0, 1, 0], [], []>, transpose_lhs_hint = false} : vector<128x64xbf16>, vector<384x64xbf16>, vector<128x384xf32> -> vector<128x384xf32>
    %jit3A_1063 = arith.constant -3.40282347E+38 : f32
    %broadcast_in_dim3A_1064 = vector.shape_cast %or3A_1058 : vector<1x384xi1> to vector<1x384xi1>
    %broadcast_in_dim3A_1065 = vector.broadcast %broadcast_in_dim3A_1064 : vector<1x384xi1> to vector<128x384xi1>
    %broadcast_in_dim3A_1066 = vector.broadcast %jit3A_1063 : f32 to vector<128x384xf32>
    %select_n3A_1067 = arith.select %broadcast_in_dim3A_1065, %broadcast_in_dim3A_1066, %dot_general3A_1062 : vector<128x384xi1>, vector<128x384xf32>
    %exp3A_1068 = math.exp %select_n3A_1067 : vector<128x384xf32>
    %reduce_sum3A_1069 = arith.constant dense<0.000000e+00> : vector<128xf32>
    %reduce_sum3A_1070 = vector.multi_reduction <add>, %exp3A_1068, %reduce_sum3A_1069 [1] : vector<128x384xf32> to vector<128xf32>
    %broadcast_in_dim3A_1071 = vector.shape_cast %reduce_sum3A_1070 : vector<128xf32> to vector<128x1xf32>
    %slice3A_1072 = vector.extract_strided_slice %slice3A_1044 {offsets = [0, 0], sizes = [384, 64], strides = [1, 1]} : vector<384x512xbf16> to vector<384x64xbf16>
    %convert_element_type3A_1073 = arith.truncf %exp3A_1068 : vector<128x384xf32> to vector<128x384xbf16>
    %dot_general3A_1074 = arith.constant dense<0.000000e+00> : vector<128x64xf32>
    %dot_general3A_1075 = tpu.matmul %convert_element_type3A_1073, %slice3A_1072, %dot_general3A_1074 {dimension_numbers = #tpu.dot_dimension_numbers<[1], [0], [0], [1], [0, 0, 1, 1], [], []>, transpose_lhs_hint = false} : vector<128x384xbf16>, vector<384x64xbf16>, vector<128x64xf32> -> vector<128x64xf32>
    %div3A_1076 = vector.broadcast %broadcast_in_dim3A_1071 : vector<128x1xf32> to vector<128x64xf32>
    %div3A_1077 = arith.divf %dot_general3A_1075, %div3A_1076 : vector<128x64xf32>
    %slice3A_1078 = vector.extract_strided_slice %slice3A_1042 {offsets = [0, 64], sizes = [128, 64], strides = [1, 1]} : vector<128x512xbf16> to vector<128x64xbf16>
    %slice3A_1079 = vector.extract_strided_slice %slice3A_1043 {offsets = [0, 64], sizes = [384, 64], strides = [1, 1]} : vector<384x512xbf16> to vector<384x64xbf16>
    %dot_general3A_1080 = arith.constant dense<0.000000e+00> : vector<128x384xf32>
    %dot_general3A_1081 = tpu.matmul %slice3A_1078, %slice3A_1079, %dot_general3A_1080 {dimension_numbers = #tpu.dot_dimension_numbers<[1], [1], [0], [0], [0, 0, 1, 0], [], []>, transpose_lhs_hint = false} : vector<128x64xbf16>, vector<384x64xbf16>, vector<128x384xf32> -> vector<128x384xf32>
    %jit3A_1082 = arith.constant -3.40282347E+38 : f32
    %broadcast_in_dim3A_1083 = vector.shape_cast %or3A_1058 : vector<1x384xi1> to vector<1x384xi1>
    %broadcast_in_dim3A_1084 = vector.broadcast %broadcast_in_dim3A_1083 : vector<1x384xi1> to vector<128x384xi1>
    %broadcast_in_dim3A_1085 = vector.broadcast %jit3A_1082 : f32 to vector<128x384xf32>
    %select_n3A_1086 = arith.select %broadcast_in_dim3A_1084, %broadcast_in_dim3A_1085, %dot_general3A_1081 : vector<128x384xi1>, vector<128x384xf32>
    %exp3A_1087 = math.exp %select_n3A_1086 : vector<128x384xf32>
    %reduce_sum3A_1088 = arith.constant dense<0.000000e+00> : vector<128xf32>
    %reduce_sum3A_1089 = vector.multi_reduction <add>, %exp3A_1087, %reduce_sum3A_1088 [1] : vector<128x384xf32> to vector<128xf32>
    %broadcast_in_dim3A_1090 = vector.shape_cast %reduce_sum3A_1089 : vector<128xf32> to vector<128x1xf32>
    %slice3A_1091 = vector.extract_strided_slice %slice3A_1044 {offsets = [0, 64], sizes = [384, 64], strides = [1, 1]} : vector<384x512xbf16> to vector<384x64xbf16>
    %convert_element_type3A_1092 = arith.truncf %exp3A_1087 : vector<128x384xf32> to vector<128x384xbf16>
    %dot_general3A_1093 = arith.constant dense<0.000000e+00> : vector<128x64xf32>
    %dot_general3A_1094 = tpu.matmul %convert_element_type3A_1092, %slice3A_1091, %dot_general3A_1093 {dimension_numbers = #tpu.dot_dimension_numbers<[1], [0], [0], [1], [0, 0, 1, 1], [], []>, transpose_lhs_hint = false} : vector<128x384xbf16>, vector<384x64xbf16>, vector<128x64xf32> -> vector<128x64xf32>
    %div3A_1095 = vector.broadcast %broadcast_in_dim3A_1090 : vector<128x1xf32> to vector<128x64xf32>
    %div3A_1096 = arith.divf %dot_general3A_1094, %div3A_1095 : vector<128x64xf32>
    %slice3A_1097 = vector.extract_strided_slice %slice3A_1042 {offsets = [0, 128], sizes = [128, 64], strides = [1, 1]} : vector<128x512xbf16> to vector<128x64xbf16>
    %slice3A_1098 = vector.extract_strided_slice %slice3A_1043 {offsets = [0, 128], sizes = [384, 64], strides = [1, 1]} : vector<384x512xbf16> to vector<384x64xbf16>
    %dot_general3A_1099 = arith.constant dense<0.000000e+00> : vector<128x384xf32>
    %dot_general3A_1100 = tpu.matmul %slice3A_1097, %slice3A_1098, %dot_general3A_1099 {dimension_numbers = #tpu.dot_dimension_numbers<[1], [1], [0], [0], [0, 0, 1, 0], [], []>, transpose_lhs_hint = false} : vector<128x64xbf16>, vector<384x64xbf16>, vector<128x384xf32> -> vector<128x384xf32>
    %jit3A_1101 = arith.constant -3.40282347E+38 : f32
    %broadcast_in_dim3A_1102 = vector.shape_cast %or3A_1058 : vector<1x384xi1> to vector<1x384xi1>
    %broadcast_in_dim3A_1103 = vector.broadcast %broadcast_in_dim3A_1102 : vector<1x384xi1> to vector<128x384xi1>
    %broadcast_in_dim3A_1104 = vector.broadcast %jit3A_1101 : f32 to vector<128x384xf32>
    %select_n3A_1105 = arith.select %broadcast_in_dim3A_1103, %broadcast_in_dim3A_1104, %dot_general3A_1100 : vector<128x384xi1>, vector<128x384xf32>
    %exp3A_1106 = math.exp %select_n3A_1105 : vector<128x384xf32>
    %reduce_sum3A_1107 = arith.constant dense<0.000000e+00> : vector<128xf32>
    %reduce_sum3A_1108 = vector.multi_reduction <add>, %exp3A_1106, %reduce_sum3A_1107 [1] : vector<128x384xf32> to vector<128xf32>
    %broadcast_in_dim3A_1109 = vector.shape_cast %reduce_sum3A_1108 : vector<128xf32> to vector<128x1xf32>
    %slice3A_1110 = vector.extract_strided_slice %slice3A_1044 {offsets = [0, 128], sizes = [384, 64], strides = [1, 1]} : vector<384x512xbf16> to vector<384x64xbf16>
    %convert_element_type3A_1111 = arith.truncf %exp3A_1106 : vector<128x384xf32> to vector<128x384xbf16>
    %dot_general3A_1112 = arith.constant dense<0.000000e+00> : vector<128x64xf32>
    %dot_general3A_1113 = tpu.matmul %convert_element_type3A_1111, %slice3A_1110, %dot_general3A_1112 {dimension_numbers = #tpu.dot_dimension_numbers<[1], [0], [0], [1], [0, 0, 1, 1], [], []>, transpose_lhs_hint = false} : vector<128x384xbf16>, vector<384x64xbf16>, vector<128x64xf32> -> vector<128x64xf32>
    %div3A_1114 = vector.broadcast %broadcast_in_dim3A_1109 : vector<128x1xf32> to vector<128x64xf32>
    %div3A_1115 = arith.divf %dot_general3A_1113, %div3A_1114 : vector<128x64xf32>
    %slice3A_1116 = vector.extract_strided_slice %slice3A_1042 {offsets = [0, 192], sizes = [128, 64], strides = [1, 1]} : vector<128x512xbf16> to vector<128x64xbf16>
    %slice3A_1117 = vector.extract_strided_slice %slice3A_1043 {offsets = [0, 192], sizes = [384, 64], strides = [1, 1]} : vector<384x512xbf16> to vector<384x64xbf16>
    %dot_general3A_1118 = arith.constant dense<0.000000e+00> : vector<128x384xf32>
    %dot_general3A_1119 = tpu.matmul %slice3A_1116, %slice3A_1117, %dot_general3A_1118 {dimension_numbers = #tpu.dot_dimension_numbers<[1], [1], [0], [0], [0, 0, 1, 0], [], []>, transpose_lhs_hint = false} : vector<128x64xbf16>, vector<384x64xbf16>, vector<128x384xf32> -> vector<128x384xf32>
    %jit3A_1120 = arith.constant -3.40282347E+38 : f32
    %broadcast_in_dim3A_1121 = vector.shape_cast %or3A_1058 : vector<1x384xi1> to vector<1x384xi1>
    %broadcast_in_dim3A_1122 = vector.broadcast %broadcast_in_dim3A_1121 : vector<1x384xi1> to vector<128x384xi1>
    %broadcast_in_dim3A_1123 = vector.broadcast %jit3A_1120 : f32 to vector<128x384xf32>
    %select_n3A_1124 = arith.select %broadcast_in_dim3A_1122, %broadcast_in_dim3A_1123, %dot_general3A_1119 : vector<128x384xi1>, vector<128x384xf32>
    %exp3A_1125 = math.exp %select_n3A_1124 : vector<128x384xf32>
    %reduce_sum3A_1126 = arith.constant dense<0.000000e+00> : vector<128xf32>
    %reduce_sum3A_1127 = vector.multi_reduction <add>, %exp3A_1125, %reduce_sum3A_1126 [1] : vector<128x384xf32> to vector<128xf32>
    %broadcast_in_dim3A_1128 = vector.shape_cast %reduce_sum3A_1127 : vector<128xf32> to vector<128x1xf32>
    %slice3A_1129 = vector.extract_strided_slice %slice3A_1044 {offsets = [0, 192], sizes = [384, 64], strides = [1, 1]} : vector<384x512xbf16> to vector<384x64xbf16>
    %convert_element_type3A_1130 = arith.truncf %exp3A_1125 : vector<128x384xf32> to vector<128x384xbf16>
    %dot_general3A_1131 = arith.constant dense<0.000000e+00> : vector<128x64xf32>
    %dot_general3A_1132 = tpu.matmul %convert_element_type3A_1130, %slice3A_1129, %dot_general3A_1131 {dimension_numbers = #tpu.dot_dimension_numbers<[1], [0], [0], [1], [0, 0, 1, 1], [], []>, transpose_lhs_hint = false} : vector<128x384xbf16>, vector<384x64xbf16>, vector<128x64xf32> -> vector<128x64xf32>
    %div3A_1133 = vector.broadcast %broadcast_in_dim3A_1128 : vector<128x1xf32> to vector<128x64xf32>
    %div3A_1134 = arith.divf %dot_general3A_1132, %div3A_1133 : vector<128x64xf32>
    %slice3A_1135 = vector.extract_strided_slice %slice3A_1042 {offsets = [0, 256], sizes = [128, 64], strides = [1, 1]} : vector<128x512xbf16> to vector<128x64xbf16>
    %slice3A_1136 = vector.extract_strided_slice %slice3A_1043 {offsets = [0, 256], sizes = [384, 64], strides = [1, 1]} : vector<384x512xbf16> to vector<384x64xbf16>
    %dot_general3A_1137 = arith.constant dense<0.000000e+00> : vector<128x384xf32>
    %dot_general3A_1138 = tpu.matmul %slice3A_1135, %slice3A_1136, %dot_general3A_1137 {dimension_numbers = #tpu.dot_dimension_numbers<[1], [1], [0], [0], [0, 0, 1, 0], [], []>, transpose_lhs_hint = false} : vector<128x64xbf16>, vector<384x64xbf16>, vector<128x384xf32> -> vector<128x384xf32>
    %jit3A_1139 = arith.constant -3.40282347E+38 : f32
    %broadcast_in_dim3A_1140 = vector.shape_cast %or3A_1058 : vector<1x384xi1> to vector<1x384xi1>
    %broadcast_in_dim3A_1141 = vector.broadcast %broadcast_in_dim3A_1140 : vector<1x384xi1> to vector<128x384xi1>
    %broadcast_in_dim3A_1142 = vector.broadcast %jit3A_1139 : f32 to vector<128x384xf32>
    %select_n3A_1143 = arith.select %broadcast_in_dim3A_1141, %broadcast_in_dim3A_1142, %dot_general3A_1138 : vector<128x384xi1>, vector<128x384xf32>
    %exp3A_1144 = math.exp %select_n3A_1143 : vector<128x384xf32>
    %reduce_sum3A_1145 = arith.constant dense<0.000000e+00> : vector<128xf32>
    %reduce_sum3A_1146 = vector.multi_reduction <add>, %exp3A_1144, %reduce_sum3A_1145 [1] : vector<128x384xf32> to vector<128xf32>
    %broadcast_in_dim3A_1147 = vector.shape_cast %reduce_sum3A_1146 : vector<128xf32> to vector<128x1xf32>
    %slice3A_1148 = vector.extract_strided_slice %slice3A_1044 {offsets = [0, 256], sizes = [384, 64], strides = [1, 1]} : vector<384x512xbf16> to vector<384x64xbf16>
    %convert_element_type3A_1149 = arith.truncf %exp3A_1144 : vector<128x384xf32> to vector<128x384xbf16>
    %dot_general3A_1150 = arith.constant dense<0.000000e+00> : vector<128x64xf32>
    %dot_general3A_1151 = tpu.matmul %convert_element_type3A_1149, %slice3A_1148, %dot_general3A_1150 {dimension_numbers = #tpu.dot_dimension_numbers<[1], [0], [0], [1], [0, 0, 1, 1], [], []>, transpose_lhs_hint = false} : vector<128x384xbf16>, vector<384x64xbf16>, vector<128x64xf32> -> vector<128x64xf32>
    %div3A_1152 = vector.broadcast %broadcast_in_dim3A_1147 : vector<128x1xf32> to vector<128x64xf32>
    %div3A_1153 = arith.divf %dot_general3A_1151, %div3A_1152 : vector<128x64xf32>
    %slice3A_1154 = vector.extract_strided_slice %slice3A_1042 {offsets = [0, 320], sizes = [128, 64], strides = [1, 1]} : vector<128x512xbf16> to vector<128x64xbf16>
    %slice3A_1155 = vector.extract_strided_slice %slice3A_1043 {offsets = [0, 320], sizes = [384, 64], strides = [1, 1]} : vector<384x512xbf16> to vector<384x64xbf16>
    %dot_general3A_1156 = arith.constant dense<0.000000e+00> : vector<128x384xf32>
    %dot_general3A_1157 = tpu.matmul %slice3A_1154, %slice3A_1155, %dot_general3A_1156 {dimension_numbers = #tpu.dot_dimension_numbers<[1], [1], [0], [0], [0, 0, 1, 0], [], []>, transpose_lhs_hint = false} : vector<128x64xbf16>, vector<384x64xbf16>, vector<128x384xf32> -> vector<128x384xf32>
    %jit3A_1158 = arith.constant -3.40282347E+38 : f32
    %broadcast_in_dim3A_1159 = vector.shape_cast %or3A_1058 : vector<1x384xi1> to vector<1x384xi1>
    %broadcast_in_dim3A_1160 = vector.broadcast %broadcast_in_dim3A_1159 : vector<1x384xi1> to vector<128x384xi1>
    %broadcast_in_dim3A_1161 = vector.broadcast %jit3A_1158 : f32 to vector<128x384xf32>
    %select_n3A_1162 = arith.select %broadcast_in_dim3A_1160, %broadcast_in_dim3A_1161, %dot_general3A_1157 : vector<128x384xi1>, vector<128x384xf32>
    %exp3A_1163 = math.exp %select_n3A_1162 : vector<128x384xf32>
    %reduce_sum3A_1164 = arith.constant dense<0.000000e+00> : vector<128xf32>
    %reduce_sum3A_1165 = vector.multi_reduction <add>, %exp3A_1163, %reduce_sum3A_1164 [1] : vector<128x384xf32> to vector<128xf32>
    %broadcast_in_dim3A_1166 = vector.shape_cast %reduce_sum3A_1165 : vector<128xf32> to vector<128x1xf32>
    %slice3A_1167 = vector.extract_strided_slice %slice3A_1044 {offsets = [0, 320], sizes = [384, 64], strides = [1, 1]} : vector<384x512xbf16> to vector<384x64xbf16>
    %convert_element_type3A_1168 = arith.truncf %exp3A_1163 : vector<128x384xf32> to vector<128x384xbf16>
    %dot_general3A_1169 = arith.constant dense<0.000000e+00> : vector<128x64xf32>
    %dot_general3A_1170 = tpu.matmul %convert_element_type3A_1168, %slice3A_1167, %dot_general3A_1169 {dimension_numbers = #tpu.dot_dimension_numbers<[1], [0], [0], [1], [0, 0, 1, 1], [], []>, transpose_lhs_hint = false} : vector<128x384xbf16>, vector<384x64xbf16>, vector<128x64xf32> -> vector<128x64xf32>
    %div3A_1171 = vector.broadcast %broadcast_in_dim3A_1166 : vector<128x1xf32> to vector<128x64xf32>
    %div3A_1172 = arith.divf %dot_general3A_1170, %div3A_1171 : vector<128x64xf32>
    %slice3A_1173 = vector.extract_strided_slice %slice3A_1042 {offsets = [0, 384], sizes = [128, 64], strides = [1, 1]} : vector<128x512xbf16> to vector<128x64xbf16>
    %slice3A_1174 = vector.extract_strided_slice %slice3A_1043 {offsets = [0, 384], sizes = [384, 64], strides = [1, 1]} : vector<384x512xbf16> to vector<384x64xbf16>
    %dot_general3A_1175 = arith.constant dense<0.000000e+00> : vector<128x384xf32>
    %dot_general3A_1176 = tpu.matmul %slice3A_1173, %slice3A_1174, %dot_general3A_1175 {dimension_numbers = #tpu.dot_dimension_numbers<[1], [1], [0], [0], [0, 0, 1, 0], [], []>, transpose_lhs_hint = false} : vector<128x64xbf16>, vector<384x64xbf16>, vector<128x384xf32> -> vector<128x384xf32>
    %jit3A_1177 = arith.constant -3.40282347E+38 : f32
    %broadcast_in_dim3A_1178 = vector.shape_cast %or3A_1058 : vector<1x384xi1> to vector<1x384xi1>
    %broadcast_in_dim3A_1179 = vector.broadcast %broadcast_in_dim3A_1178 : vector<1x384xi1> to vector<128x384xi1>
    %broadcast_in_dim3A_1180 = vector.broadcast %jit3A_1177 : f32 to vector<128x384xf32>
    %select_n3A_1181 = arith.select %broadcast_in_dim3A_1179, %broadcast_in_dim3A_1180, %dot_general3A_1176 : vector<128x384xi1>, vector<128x384xf32>
    %exp3A_1182 = math.exp %select_n3A_1181 : vector<128x384xf32>
    %reduce_sum3A_1183 = arith.constant dense<0.000000e+00> : vector<128xf32>
    %reduce_sum3A_1184 = vector.multi_reduction <add>, %exp3A_1182, %reduce_sum3A_1183 [1] : vector<128x384xf32> to vector<128xf32>
    %broadcast_in_dim3A_1185 = vector.shape_cast %reduce_sum3A_1184 : vector<128xf32> to vector<128x1xf32>
    %slice3A_1186 = vector.extract_strided_slice %slice3A_1044 {offsets = [0, 384], sizes = [384, 64], strides = [1, 1]} : vector<384x512xbf16> to vector<384x64xbf16>
    %convert_element_type3A_1187 = arith.truncf %exp3A_1182 : vector<128x384xf32> to vector<128x384xbf16>
    %dot_general3A_1188 = arith.constant dense<0.000000e+00> : vector<128x64xf32>
    %dot_general3A_1189 = tpu.matmul %convert_element_type3A_1187, %slice3A_1186, %dot_general3A_1188 {dimension_numbers = #tpu.dot_dimension_numbers<[1], [0], [0], [1], [0, 0, 1, 1], [], []>, transpose_lhs_hint = false} : vector<128x384xbf16>, vector<384x64xbf16>, vector<128x64xf32> -> vector<128x64xf32>
    %div3A_1190 = vector.broadcast %broadcast_in_dim3A_1185 : vector<128x1xf32> to vector<128x64xf32>
    %div3A_1191 = arith.divf %dot_general3A_1189, %div3A_1190 : vector<128x64xf32>
    %slice3A_1192 = vector.extract_strided_slice %slice3A_1042 {offsets = [0, 448], sizes = [128, 64], strides = [1, 1]} : vector<128x512xbf16> to vector<128x64xbf16>
    %slice3A_1193 = vector.extract_strided_slice %slice3A_1043 {offsets = [0, 448], sizes = [384, 64], strides = [1, 1]} : vector<384x512xbf16> to vector<384x64xbf16>
    %dot_general3A_1194 = arith.constant dense<0.000000e+00> : vector<128x384xf32>
    %dot_general3A_1195 = tpu.matmul %slice3A_1192, %slice3A_1193, %dot_general3A_1194 {dimension_numbers = #tpu.dot_dimension_numbers<[1], [1], [0], [0], [0, 0, 1, 0], [], []>, transpose_lhs_hint = false} : vector<128x64xbf16>, vector<384x64xbf16>, vector<128x384xf32> -> vector<128x384xf32>
    %jit3A_1196 = arith.constant -3.40282347E+38 : f32
    %broadcast_in_dim3A_1197 = vector.shape_cast %or3A_1058 : vector<1x384xi1> to vector<1x384xi1>
    %broadcast_in_dim3A_1198 = vector.broadcast %broadcast_in_dim3A_1197 : vector<1x384xi1> to vector<128x384xi1>
    %broadcast_in_dim3A_1199 = vector.broadcast %jit3A_1196 : f32 to vector<128x384xf32>
    %select_n3A_1200 = arith.select %broadcast_in_dim3A_1198, %broadcast_in_dim3A_1199, %dot_general3A_1195 : vector<128x384xi1>, vector<128x384xf32>
    %exp3A_1201 = math.exp %select_n3A_1200 : vector<128x384xf32>
    %reduce_sum3A_1202 = arith.constant dense<0.000000e+00> : vector<128xf32>
    %reduce_sum3A_1203 = vector.multi_reduction <add>, %exp3A_1201, %reduce_sum3A_1202 [1] : vector<128x384xf32> to vector<128xf32>
    %broadcast_in_dim3A_1204 = vector.shape_cast %reduce_sum3A_1203 : vector<128xf32> to vector<128x1xf32>
    %slice3A_1205 = vector.extract_strided_slice %slice3A_1044 {offsets = [0, 448], sizes = [384, 64], strides = [1, 1]} : vector<384x512xbf16> to vector<384x64xbf16>
    %convert_element_type3A_1206 = arith.truncf %exp3A_1201 : vector<128x384xf32> to vector<128x384xbf16>
    %dot_general3A_1207 = arith.constant dense<0.000000e+00> : vector<128x64xf32>
    %dot_general3A_1208 = tpu.matmul %convert_element_type3A_1206, %slice3A_1205, %dot_general3A_1207 {dimension_numbers = #tpu.dot_dimension_numbers<[1], [0], [0], [1], [0, 0, 1, 1], [], []>, transpose_lhs_hint = false} : vector<128x384xbf16>, vector<384x64xbf16>, vector<128x64xf32> -> vector<128x64xf32>
    %div3A_1209 = vector.broadcast %broadcast_in_dim3A_1204 : vector<128x1xf32> to vector<128x64xf32>
    %div3A_1210 = arith.divf %dot_general3A_1208, %div3A_1209 : vector<128x64xf32>
    %concatenate3A_1211 = tpu.concatenate %div3A_1077, %div3A_1096, %div3A_1115, %div3A_1134, %div3A_1153, %div3A_1172, %div3A_1191, %div3A_1210 in 1 : vector<128x64xf32>, vector<128x64xf32>, vector<128x64xf32>, vector<128x64xf32>, vector<128x64xf32>, vector<128x64xf32>, vector<128x64xf32>, vector<128x64xf32> -> vector<128x512xf32>
    %slice3A_1212 = vector.extract_strided_slice %convert_element_type3A_33 {offsets = [896, 0], sizes = [128, 512], strides = [1, 1]} : vector<1024x512xbf16> to vector<128x512xbf16>
    %slice3A_1213 = vector.extract_strided_slice %concatenate3A {offsets = [896, 0], sizes = [384, 512], strides = [1, 1]} : vector<1280x512xbf16> to vector<384x512xbf16>
    %slice3A_1214 = vector.extract_strided_slice %concatenate3A_29 {offsets = [896, 0], sizes = [384, 512], strides = [1, 1]} : vector<1280x512xbf16> to vector<384x512xbf16>
    %mul3A_1215 = arith.constant 1024 : i32
    %mul3A_1216 = arith.muli %arg1, %mul3A_1215 : i32
    %add3A_1217 = arith.constant 768 : i32
    %add3A_1218 = arith.addi %mul3A_1216, %add3A_1217 : i32
    %iota3A_1219 = tpu.iota {dimensions = array<i32: 1>} : vector<1x384xi32>
    %add3A_1220 = vector.broadcast %add3A_1218 : i32 to vector<1x384xi32>
    %add3A_1221 = arith.addi %add3A_1220, %iota3A_1219 : vector<1x384xi32>
    %lt3A_1222 = arith.constant 0 : i32
    %lt3A_1223 = vector.broadcast %lt3A_1222 : i32 to vector<1x384xi32>
    %lt3A_1224 = arith.cmpi slt, %add3A_1221, %lt3A_1223 : vector<1x384xi32>
    %ge3A_1225 = arith.constant 4096 : i32
    %ge3A_1226 = vector.broadcast %ge3A_1225 : i32 to vector<1x384xi32>
    %ge3A_1227 = arith.cmpi sge, %add3A_1221, %ge3A_1226 : vector<1x384xi32>
    %or3A_1228 = arith.ori %lt3A_1224, %ge3A_1227 : vector<1x384xi1>
    %slice3A_1229 = vector.extract_strided_slice %slice3A_1212 {offsets = [0, 0], sizes = [128, 64], strides = [1, 1]} : vector<128x512xbf16> to vector<128x64xbf16>
    %slice3A_1230 = vector.extract_strided_slice %slice3A_1213 {offsets = [0, 0], sizes = [384, 64], strides = [1, 1]} : vector<384x512xbf16> to vector<384x64xbf16>
    %dot_general3A_1231 = arith.constant dense<0.000000e+00> : vector<128x384xf32>
    %dot_general3A_1232 = tpu.matmul %slice3A_1229, %slice3A_1230, %dot_general3A_1231 {dimension_numbers = #tpu.dot_dimension_numbers<[1], [1], [0], [0], [0, 0, 1, 0], [], []>, transpose_lhs_hint = false} : vector<128x64xbf16>, vector<384x64xbf16>, vector<128x384xf32> -> vector<128x384xf32>
    %jit3A_1233 = arith.constant -3.40282347E+38 : f32
    %broadcast_in_dim3A_1234 = vector.shape_cast %or3A_1228 : vector<1x384xi1> to vector<1x384xi1>
    %broadcast_in_dim3A_1235 = vector.broadcast %broadcast_in_dim3A_1234 : vector<1x384xi1> to vector<128x384xi1>
    %broadcast_in_dim3A_1236 = vector.broadcast %jit3A_1233 : f32 to vector<128x384xf32>
    %select_n3A_1237 = arith.select %broadcast_in_dim3A_1235, %broadcast_in_dim3A_1236, %dot_general3A_1232 : vector<128x384xi1>, vector<128x384xf32>
    %exp3A_1238 = math.exp %select_n3A_1237 : vector<128x384xf32>
    %reduce_sum3A_1239 = arith.constant dense<0.000000e+00> : vector<128xf32>
    %reduce_sum3A_1240 = vector.multi_reduction <add>, %exp3A_1238, %reduce_sum3A_1239 [1] : vector<128x384xf32> to vector<128xf32>
    %broadcast_in_dim3A_1241 = vector.shape_cast %reduce_sum3A_1240 : vector<128xf32> to vector<128x1xf32>
    %slice3A_1242 = vector.extract_strided_slice %slice3A_1214 {offsets = [0, 0], sizes = [384, 64], strides = [1, 1]} : vector<384x512xbf16> to vector<384x64xbf16>
    %convert_element_type3A_1243 = arith.truncf %exp3A_1238 : vector<128x384xf32> to vector<128x384xbf16>
    %dot_general3A_1244 = arith.constant dense<0.000000e+00> : vector<128x64xf32>
    %dot_general3A_1245 = tpu.matmul %convert_element_type3A_1243, %slice3A_1242, %dot_general3A_1244 {dimension_numbers = #tpu.dot_dimension_numbers<[1], [0], [0], [1], [0, 0, 1, 1], [], []>, transpose_lhs_hint = false} : vector<128x384xbf16>, vector<384x64xbf16>, vector<128x64xf32> -> vector<128x64xf32>
    %div3A_1246 = vector.broadcast %broadcast_in_dim3A_1241 : vector<128x1xf32> to vector<128x64xf32>
    %div3A_1247 = arith.divf %dot_general3A_1245, %div3A_1246 : vector<128x64xf32>
    %slice3A_1248 = vector.extract_strided_slice %slice3A_1212 {offsets = [0, 64], sizes = [128, 64], strides = [1, 1]} : vector<128x512xbf16> to vector<128x64xbf16>
    %slice3A_1249 = vector.extract_strided_slice %slice3A_1213 {offsets = [0, 64], sizes = [384, 64], strides = [1, 1]} : vector<384x512xbf16> to vector<384x64xbf16>
    %dot_general3A_1250 = arith.constant dense<0.000000e+00> : vector<128x384xf32>
    %dot_general3A_1251 = tpu.matmul %slice3A_1248, %slice3A_1249, %dot_general3A_1250 {dimension_numbers = #tpu.dot_dimension_numbers<[1], [1], [0], [0], [0, 0, 1, 0], [], []>, transpose_lhs_hint = false} : vector<128x64xbf16>, vector<384x64xbf16>, vector<128x384xf32> -> vector<128x384xf32>
    %jit3A_1252 = arith.constant -3.40282347E+38 : f32
    %broadcast_in_dim3A_1253 = vector.shape_cast %or3A_1228 : vector<1x384xi1> to vector<1x384xi1>
    %broadcast_in_dim3A_1254 = vector.broadcast %broadcast_in_dim3A_1253 : vector<1x384xi1> to vector<128x384xi1>
    %broadcast_in_dim3A_1255 = vector.broadcast %jit3A_1252 : f32 to vector<128x384xf32>
    %select_n3A_1256 = arith.select %broadcast_in_dim3A_1254, %broadcast_in_dim3A_1255, %dot_general3A_1251 : vector<128x384xi1>, vector<128x384xf32>
    %exp3A_1257 = math.exp %select_n3A_1256 : vector<128x384xf32>
    %reduce_sum3A_1258 = arith.constant dense<0.000000e+00> : vector<128xf32>
    %reduce_sum3A_1259 = vector.multi_reduction <add>, %exp3A_1257, %reduce_sum3A_1258 [1] : vector<128x384xf32> to vector<128xf32>
    %broadcast_in_dim3A_1260 = vector.shape_cast %reduce_sum3A_1259 : vector<128xf32> to vector<128x1xf32>
    %slice3A_1261 = vector.extract_strided_slice %slice3A_1214 {offsets = [0, 64], sizes = [384, 64], strides = [1, 1]} : vector<384x512xbf16> to vector<384x64xbf16>
    %convert_element_type3A_1262 = arith.truncf %exp3A_1257 : vector<128x384xf32> to vector<128x384xbf16>
    %dot_general3A_1263 = arith.constant dense<0.000000e+00> : vector<128x64xf32>
    %dot_general3A_1264 = tpu.matmul %convert_element_type3A_1262, %slice3A_1261, %dot_general3A_1263 {dimension_numbers = #tpu.dot_dimension_numbers<[1], [0], [0], [1], [0, 0, 1, 1], [], []>, transpose_lhs_hint = false} : vector<128x384xbf16>, vector<384x64xbf16>, vector<128x64xf32> -> vector<128x64xf32>
    %div3A_1265 = vector.broadcast %broadcast_in_dim3A_1260 : vector<128x1xf32> to vector<128x64xf32>
    %div3A_1266 = arith.divf %dot_general3A_1264, %div3A_1265 : vector<128x64xf32>
    %slice3A_1267 = vector.extract_strided_slice %slice3A_1212 {offsets = [0, 128], sizes = [128, 64], strides = [1, 1]} : vector<128x512xbf16> to vector<128x64xbf16>
    %slice3A_1268 = vector.extract_strided_slice %slice3A_1213 {offsets = [0, 128], sizes = [384, 64], strides = [1, 1]} : vector<384x512xbf16> to vector<384x64xbf16>
    %dot_general3A_1269 = arith.constant dense<0.000000e+00> : vector<128x384xf32>
    %dot_general3A_1270 = tpu.matmul %slice3A_1267, %slice3A_1268, %dot_general3A_1269 {dimension_numbers = #tpu.dot_dimension_numbers<[1], [1], [0], [0], [0, 0, 1, 0], [], []>, transpose_lhs_hint = false} : vector<128x64xbf16>, vector<384x64xbf16>, vector<128x384xf32> -> vector<128x384xf32>
    %jit3A_1271 = arith.constant -3.40282347E+38 : f32
    %broadcast_in_dim3A_1272 = vector.shape_cast %or3A_1228 : vector<1x384xi1> to vector<1x384xi1>
    %broadcast_in_dim3A_1273 = vector.broadcast %broadcast_in_dim3A_1272 : vector<1x384xi1> to vector<128x384xi1>
    %broadcast_in_dim3A_1274 = vector.broadcast %jit3A_1271 : f32 to vector<128x384xf32>
    %select_n3A_1275 = arith.select %broadcast_in_dim3A_1273, %broadcast_in_dim3A_1274, %dot_general3A_1270 : vector<128x384xi1>, vector<128x384xf32>
    %exp3A_1276 = math.exp %select_n3A_1275 : vector<128x384xf32>
    %reduce_sum3A_1277 = arith.constant dense<0.000000e+00> : vector<128xf32>
    %reduce_sum3A_1278 = vector.multi_reduction <add>, %exp3A_1276, %reduce_sum3A_1277 [1] : vector<128x384xf32> to vector<128xf32>
    %broadcast_in_dim3A_1279 = vector.shape_cast %reduce_sum3A_1278 : vector<128xf32> to vector<128x1xf32>
    %slice3A_1280 = vector.extract_strided_slice %slice3A_1214 {offsets = [0, 128], sizes = [384, 64], strides = [1, 1]} : vector<384x512xbf16> to vector<384x64xbf16>
    %convert_element_type3A_1281 = arith.truncf %exp3A_1276 : vector<128x384xf32> to vector<128x384xbf16>
    %dot_general3A_1282 = arith.constant dense<0.000000e+00> : vector<128x64xf32>
    %dot_general3A_1283 = tpu.matmul %convert_element_type3A_1281, %slice3A_1280, %dot_general3A_1282 {dimension_numbers = #tpu.dot_dimension_numbers<[1], [0], [0], [1], [0, 0, 1, 1], [], []>, transpose_lhs_hint = false} : vector<128x384xbf16>, vector<384x64xbf16>, vector<128x64xf32> -> vector<128x64xf32>
    %div3A_1284 = vector.broadcast %broadcast_in_dim3A_1279 : vector<128x1xf32> to vector<128x64xf32>
    %div3A_1285 = arith.divf %dot_general3A_1283, %div3A_1284 : vector<128x64xf32>
    %slice3A_1286 = vector.extract_strided_slice %slice3A_1212 {offsets = [0, 192], sizes = [128, 64], strides = [1, 1]} : vector<128x512xbf16> to vector<128x64xbf16>
    %slice3A_1287 = vector.extract_strided_slice %slice3A_1213 {offsets = [0, 192], sizes = [384, 64], strides = [1, 1]} : vector<384x512xbf16> to vector<384x64xbf16>
    %dot_general3A_1288 = arith.constant dense<0.000000e+00> : vector<128x384xf32>
    %dot_general3A_1289 = tpu.matmul %slice3A_1286, %slice3A_1287, %dot_general3A_1288 {dimension_numbers = #tpu.dot_dimension_numbers<[1], [1], [0], [0], [0, 0, 1, 0], [], []>, transpose_lhs_hint = false} : vector<128x64xbf16>, vector<384x64xbf16>, vector<128x384xf32> -> vector<128x384xf32>
    %jit3A_1290 = arith.constant -3.40282347E+38 : f32
    %broadcast_in_dim3A_1291 = vector.shape_cast %or3A_1228 : vector<1x384xi1> to vector<1x384xi1>
    %broadcast_in_dim3A_1292 = vector.broadcast %broadcast_in_dim3A_1291 : vector<1x384xi1> to vector<128x384xi1>
    %broadcast_in_dim3A_1293 = vector.broadcast %jit3A_1290 : f32 to vector<128x384xf32>
    %select_n3A_1294 = arith.select %broadcast_in_dim3A_1292, %broadcast_in_dim3A_1293, %dot_general3A_1289 : vector<128x384xi1>, vector<128x384xf32>
    %exp3A_1295 = math.exp %select_n3A_1294 : vector<128x384xf32>
    %reduce_sum3A_1296 = arith.constant dense<0.000000e+00> : vector<128xf32>
    %reduce_sum3A_1297 = vector.multi_reduction <add>, %exp3A_1295, %reduce_sum3A_1296 [1] : vector<128x384xf32> to vector<128xf32>
    %broadcast_in_dim3A_1298 = vector.shape_cast %reduce_sum3A_1297 : vector<128xf32> to vector<128x1xf32>
    %slice3A_1299 = vector.extract_strided_slice %slice3A_1214 {offsets = [0, 192], sizes = [384, 64], strides = [1, 1]} : vector<384x512xbf16> to vector<384x64xbf16>
    %convert_element_type3A_1300 = arith.truncf %exp3A_1295 : vector<128x384xf32> to vector<128x384xbf16>
    %dot_general3A_1301 = arith.constant dense<0.000000e+00> : vector<128x64xf32>
    %dot_general3A_1302 = tpu.matmul %convert_element_type3A_1300, %slice3A_1299, %dot_general3A_1301 {dimension_numbers = #tpu.dot_dimension_numbers<[1], [0], [0], [1], [0, 0, 1, 1], [], []>, transpose_lhs_hint = false} : vector<128x384xbf16>, vector<384x64xbf16>, vector<128x64xf32> -> vector<128x64xf32>
    %div3A_1303 = vector.broadcast %broadcast_in_dim3A_1298 : vector<128x1xf32> to vector<128x64xf32>
    %div3A_1304 = arith.divf %dot_general3A_1302, %div3A_1303 : vector<128x64xf32>
    %slice3A_1305 = vector.extract_strided_slice %slice3A_1212 {offsets = [0, 256], sizes = [128, 64], strides = [1, 1]} : vector<128x512xbf16> to vector<128x64xbf16>
    %slice3A_1306 = vector.extract_strided_slice %slice3A_1213 {offsets = [0, 256], sizes = [384, 64], strides = [1, 1]} : vector<384x512xbf16> to vector<384x64xbf16>
    %dot_general3A_1307 = arith.constant dense<0.000000e+00> : vector<128x384xf32>
    %dot_general3A_1308 = tpu.matmul %slice3A_1305, %slice3A_1306, %dot_general3A_1307 {dimension_numbers = #tpu.dot_dimension_numbers<[1], [1], [0], [0], [0, 0, 1, 0], [], []>, transpose_lhs_hint = false} : vector<128x64xbf16>, vector<384x64xbf16>, vector<128x384xf32> -> vector<128x384xf32>
    %jit3A_1309 = arith.constant -3.40282347E+38 : f32
    %broadcast_in_dim3A_1310 = vector.shape_cast %or3A_1228 : vector<1x384xi1> to vector<1x384xi1>
    %broadcast_in_dim3A_1311 = vector.broadcast %broadcast_in_dim3A_1310 : vector<1x384xi1> to vector<128x384xi1>
    %broadcast_in_dim3A_1312 = vector.broadcast %jit3A_1309 : f32 to vector<128x384xf32>
    %select_n3A_1313 = arith.select %broadcast_in_dim3A_1311, %broadcast_in_dim3A_1312, %dot_general3A_1308 : vector<128x384xi1>, vector<128x384xf32>
    %exp3A_1314 = math.exp %select_n3A_1313 : vector<128x384xf32>
    %reduce_sum3A_1315 = arith.constant dense<0.000000e+00> : vector<128xf32>
    %reduce_sum3A_1316 = vector.multi_reduction <add>, %exp3A_1314, %reduce_sum3A_1315 [1] : vector<128x384xf32> to vector<128xf32>
    %broadcast_in_dim3A_1317 = vector.shape_cast %reduce_sum3A_1316 : vector<128xf32> to vector<128x1xf32>
    %slice3A_1318 = vector.extract_strided_slice %slice3A_1214 {offsets = [0, 256], sizes = [384, 64], strides = [1, 1]} : vector<384x512xbf16> to vector<384x64xbf16>
    %convert_element_type3A_1319 = arith.truncf %exp3A_1314 : vector<128x384xf32> to vector<128x384xbf16>
    %dot_general3A_1320 = arith.constant dense<0.000000e+00> : vector<128x64xf32>
    %dot_general3A_1321 = tpu.matmul %convert_element_type3A_1319, %slice3A_1318, %dot_general3A_1320 {dimension_numbers = #tpu.dot_dimension_numbers<[1], [0], [0], [1], [0, 0, 1, 1], [], []>, transpose_lhs_hint = false} : vector<128x384xbf16>, vector<384x64xbf16>, vector<128x64xf32> -> vector<128x64xf32>
    %div3A_1322 = vector.broadcast %broadcast_in_dim3A_1317 : vector<128x1xf32> to vector<128x64xf32>
    %div3A_1323 = arith.divf %dot_general3A_1321, %div3A_1322 : vector<128x64xf32>
    %slice3A_1324 = vector.extract_strided_slice %slice3A_1212 {offsets = [0, 320], sizes = [128, 64], strides = [1, 1]} : vector<128x512xbf16> to vector<128x64xbf16>
    %slice3A_1325 = vector.extract_strided_slice %slice3A_1213 {offsets = [0, 320], sizes = [384, 64], strides = [1, 1]} : vector<384x512xbf16> to vector<384x64xbf16>
    %dot_general3A_1326 = arith.constant dense<0.000000e+00> : vector<128x384xf32>
    %dot_general3A_1327 = tpu.matmul %slice3A_1324, %slice3A_1325, %dot_general3A_1326 {dimension_numbers = #tpu.dot_dimension_numbers<[1], [1], [0], [0], [0, 0, 1, 0], [], []>, transpose_lhs_hint = false} : vector<128x64xbf16>, vector<384x64xbf16>, vector<128x384xf32> -> vector<128x384xf32>
    %jit3A_1328 = arith.constant -3.40282347E+38 : f32
    %broadcast_in_dim3A_1329 = vector.shape_cast %or3A_1228 : vector<1x384xi1> to vector<1x384xi1>
    %broadcast_in_dim3A_1330 = vector.broadcast %broadcast_in_dim3A_1329 : vector<1x384xi1> to vector<128x384xi1>
    %broadcast_in_dim3A_1331 = vector.broadcast %jit3A_1328 : f32 to vector<128x384xf32>
    %select_n3A_1332 = arith.select %broadcast_in_dim3A_1330, %broadcast_in_dim3A_1331, %dot_general3A_1327 : vector<128x384xi1>, vector<128x384xf32>
    %exp3A_1333 = math.exp %select_n3A_1332 : vector<128x384xf32>
    %reduce_sum3A_1334 = arith.constant dense<0.000000e+00> : vector<128xf32>
    %reduce_sum3A_1335 = vector.multi_reduction <add>, %exp3A_1333, %reduce_sum3A_1334 [1] : vector<128x384xf32> to vector<128xf32>
    %broadcast_in_dim3A_1336 = vector.shape_cast %reduce_sum3A_1335 : vector<128xf32> to vector<128x1xf32>
    %slice3A_1337 = vector.extract_strided_slice %slice3A_1214 {offsets = [0, 320], sizes = [384, 64], strides = [1, 1]} : vector<384x512xbf16> to vector<384x64xbf16>
    %convert_element_type3A_1338 = arith.truncf %exp3A_1333 : vector<128x384xf32> to vector<128x384xbf16>
    %dot_general3A_1339 = arith.constant dense<0.000000e+00> : vector<128x64xf32>
    %dot_general3A_1340 = tpu.matmul %convert_element_type3A_1338, %slice3A_1337, %dot_general3A_1339 {dimension_numbers = #tpu.dot_dimension_numbers<[1], [0], [0], [1], [0, 0, 1, 1], [], []>, transpose_lhs_hint = false} : vector<128x384xbf16>, vector<384x64xbf16>, vector<128x64xf32> -> vector<128x64xf32>
    %div3A_1341 = vector.broadcast %broadcast_in_dim3A_1336 : vector<128x1xf32> to vector<128x64xf32>
    %div3A_1342 = arith.divf %dot_general3A_1340, %div3A_1341 : vector<128x64xf32>
    %slice3A_1343 = vector.extract_strided_slice %slice3A_1212 {offsets = [0, 384], sizes = [128, 64], strides = [1, 1]} : vector<128x512xbf16> to vector<128x64xbf16>
    %slice3A_1344 = vector.extract_strided_slice %slice3A_1213 {offsets = [0, 384], sizes = [384, 64], strides = [1, 1]} : vector<384x512xbf16> to vector<384x64xbf16>
    %dot_general3A_1345 = arith.constant dense<0.000000e+00> : vector<128x384xf32>
    %dot_general3A_1346 = tpu.matmul %slice3A_1343, %slice3A_1344, %dot_general3A_1345 {dimension_numbers = #tpu.dot_dimension_numbers<[1], [1], [0], [0], [0, 0, 1, 0], [], []>, transpose_lhs_hint = false} : vector<128x64xbf16>, vector<384x64xbf16>, vector<128x384xf32> -> vector<128x384xf32>
    %jit3A_1347 = arith.constant -3.40282347E+38 : f32
    %broadcast_in_dim3A_1348 = vector.shape_cast %or3A_1228 : vector<1x384xi1> to vector<1x384xi1>
    %broadcast_in_dim3A_1349 = vector.broadcast %broadcast_in_dim3A_1348 : vector<1x384xi1> to vector<128x384xi1>
    %broadcast_in_dim3A_1350 = vector.broadcast %jit3A_1347 : f32 to vector<128x384xf32>
    %select_n3A_1351 = arith.select %broadcast_in_dim3A_1349, %broadcast_in_dim3A_1350, %dot_general3A_1346 : vector<128x384xi1>, vector<128x384xf32>
    %exp3A_1352 = math.exp %select_n3A_1351 : vector<128x384xf32>
    %reduce_sum3A_1353 = arith.constant dense<0.000000e+00> : vector<128xf32>
    %reduce_sum3A_1354 = vector.multi_reduction <add>, %exp3A_1352, %reduce_sum3A_1353 [1] : vector<128x384xf32> to vector<128xf32>
    %broadcast_in_dim3A_1355 = vector.shape_cast %reduce_sum3A_1354 : vector<128xf32> to vector<128x1xf32>
    %slice3A_1356 = vector.extract_strided_slice %slice3A_1214 {offsets = [0, 384], sizes = [384, 64], strides = [1, 1]} : vector<384x512xbf16> to vector<384x64xbf16>
    %convert_element_type3A_1357 = arith.truncf %exp3A_1352 : vector<128x384xf32> to vector<128x384xbf16>
    %dot_general3A_1358 = arith.constant dense<0.000000e+00> : vector<128x64xf32>
    %dot_general3A_1359 = tpu.matmul %convert_element_type3A_1357, %slice3A_1356, %dot_general3A_1358 {dimension_numbers = #tpu.dot_dimension_numbers<[1], [0], [0], [1], [0, 0, 1, 1], [], []>, transpose_lhs_hint = false} : vector<128x384xbf16>, vector<384x64xbf16>, vector<128x64xf32> -> vector<128x64xf32>
    %div3A_1360 = vector.broadcast %broadcast_in_dim3A_1355 : vector<128x1xf32> to vector<128x64xf32>
    %div3A_1361 = arith.divf %dot_general3A_1359, %div3A_1360 : vector<128x64xf32>
    %slice3A_1362 = vector.extract_strided_slice %slice3A_1212 {offsets = [0, 448], sizes = [128, 64], strides = [1, 1]} : vector<128x512xbf16> to vector<128x64xbf16>
    %slice3A_1363 = vector.extract_strided_slice %slice3A_1213 {offsets = [0, 448], sizes = [384, 64], strides = [1, 1]} : vector<384x512xbf16> to vector<384x64xbf16>
    %dot_general3A_1364 = arith.constant dense<0.000000e+00> : vector<128x384xf32>
    %dot_general3A_1365 = tpu.matmul %slice3A_1362, %slice3A_1363, %dot_general3A_1364 {dimension_numbers = #tpu.dot_dimension_numbers<[1], [1], [0], [0], [0, 0, 1, 0], [], []>, transpose_lhs_hint = false} : vector<128x64xbf16>, vector<384x64xbf16>, vector<128x384xf32> -> vector<128x384xf32>
    %jit3A_1366 = arith.constant -3.40282347E+38 : f32
    %broadcast_in_dim3A_1367 = vector.shape_cast %or3A_1228 : vector<1x384xi1> to vector<1x384xi1>
    %broadcast_in_dim3A_1368 = vector.broadcast %broadcast_in_dim3A_1367 : vector<1x384xi1> to vector<128x384xi1>
    %broadcast_in_dim3A_1369 = vector.broadcast %jit3A_1366 : f32 to vector<128x384xf32>
    %select_n3A_1370 = arith.select %broadcast_in_dim3A_1368, %broadcast_in_dim3A_1369, %dot_general3A_1365 : vector<128x384xi1>, vector<128x384xf32>
    %exp3A_1371 = math.exp %select_n3A_1370 : vector<128x384xf32>
    %reduce_sum3A_1372 = arith.constant dense<0.000000e+00> : vector<128xf32>
    %reduce_sum3A_1373 = vector.multi_reduction <add>, %exp3A_1371, %reduce_sum3A_1372 [1] : vector<128x384xf32> to vector<128xf32>
    %broadcast_in_dim3A_1374 = vector.shape_cast %reduce_sum3A_1373 : vector<128xf32> to vector<128x1xf32>
    %slice3A_1375 = vector.extract_strided_slice %slice3A_1214 {offsets = [0, 448], sizes = [384, 64], strides = [1, 1]} : vector<384x512xbf16> to vector<384x64xbf16>
    %convert_element_type3A_1376 = arith.truncf %exp3A_1371 : vector<128x384xf32> to vector<128x384xbf16>
    %dot_general3A_1377 = arith.constant dense<0.000000e+00> : vector<128x64xf32>
    %dot_general3A_1378 = tpu.matmul %convert_element_type3A_1376, %slice3A_1375, %dot_general3A_1377 {dimension_numbers = #tpu.dot_dimension_numbers<[1], [0], [0], [1], [0, 0, 1, 1], [], []>, transpose_lhs_hint = false} : vector<128x384xbf16>, vector<384x64xbf16>, vector<128x64xf32> -> vector<128x64xf32>
    %div3A_1379 = vector.broadcast %broadcast_in_dim3A_1374 : vector<128x1xf32> to vector<128x64xf32>
    %div3A_1380 = arith.divf %dot_general3A_1378, %div3A_1379 : vector<128x64xf32>
    %concatenate3A_1381 = tpu.concatenate %div3A_1247, %div3A_1266, %div3A_1285, %div3A_1304, %div3A_1323, %div3A_1342, %div3A_1361, %div3A_1380 in 1 : vector<128x64xf32>, vector<128x64xf32>, vector<128x64xf32>, vector<128x64xf32>, vector<128x64xf32>, vector<128x64xf32>, vector<128x64xf32>, vector<128x64xf32> -> vector<128x512xf32>
    %concatenate3A_1382 = tpu.concatenate %concatenate3A_191, %concatenate3A_361, %concatenate3A_531, %concatenate3A_701, %concatenate3A_871, %concatenate3A_1041, %concatenate3A_1211, %concatenate3A_1381 in 0 : vector<128x512xf32>, vector<128x512xf32>, vector<128x512xf32>, vector<128x512xf32>, vector<128x512xf32>, vector<128x512xf32>, vector<128x512xf32>, vector<128x512xf32> -> vector<1024x512xf32>
    %get3A_1383 = arith.constant 0 : index
    %get3A_1384 = arith.constant 0 : index
    %get3A_1385 = vector.load %arg5[%get3A_1383, %get3A_1384] : memref<1024x512xf32, #tpu.memory_space<vmem>>, vector<1024x512xf32>
    %convert_element_type3A_1386 = arith.truncf %concatenate3A_1382 : vector<1024x512xf32> to vector<1024x512xbf16>
    %convert_element_type3A_1387 = arith.truncf %get3A_1385 : vector<1024x512xf32> to vector<1024x512xbf16>
    %dot_general3A_1388 = arith.constant dense<0.000000e+00> : vector<1024x1024xf32>
    %dot_general3A_1389 = tpu.matmul %convert_element_type3A_1386, %convert_element_type3A_1387, %dot_general3A_1388 {dimension_numbers = #tpu.dot_dimension_numbers<[1], [1], [0], [0], [0, 0, 1, 0], [], []>, transpose_lhs_hint = false} : vector<1024x512xbf16>, vector<1024x512xbf16>, vector<1024x1024xf32> -> vector<1024x1024xf32>
    %convert_element_type3A_1390 = arith.truncf %dot_general3A_1389 : vector<1024x1024xf32> to vector<1024x1024xbf16>
    %swap3A = arith.constant 0 : index
    %swap3A_1391 = arith.constant 0 : index
    %swap3A_1392 = arith.constant 0 : index
    %swap3A_1393 = vector.load %arg6[%swap3A, %swap3A_1391, %swap3A_1392] : memref<1x1024x1024xbf16, #tpu.memory_space<vmem>>, vector<1x1024x1024xbf16>
    %swap3A_1394 = vector.shape_cast %swap3A_1393 : vector<1x1024x1024xbf16> to vector<1024x1024xbf16>
    %swap3A_1395 = vector.shape_cast %convert_element_type3A_1390 : vector<1024x1024xbf16> to vector<1x1024x1024xbf16>
    tpu.vector_store %arg6[%swap3A, %swap3A_1391, %swap3A_1392], %swap3A_1395 {strides = array<i32>} : memref<1x1024x1024xbf16, #tpu.memory_space<vmem>>, vector<1x1024x1024xbf16>,
    return
  }
  func.func @transform_0(%arg0: i32, %arg1: i32) -> (i32, i32, i32) {
    %c0_i32 = arith.constant 0 : i32
    %c0_i32_0 = arith.constant 0 : i32
    return %arg0, %arg1, %c0_i32 : i32, i32, i32
  }
  func.func @transform_1(%arg0: i32, %arg1: i32) -> (i32, i32, i32) {
    %sub3A = arith.constant 1 : i32
    %sub3A_0 = arith.subi %arg1, %sub3A : i32
    %max3A = arith.constant 0 : i32
    %max3A_1 = arith.maxsi %sub3A_0, %max3A : i32
    %c0_i32 = arith.constant 0 : i32
    %c0_i32_2 = arith.constant 0 : i32
    return %arg0, %max3A_1, %c0_i32 : i32, i32, i32
  }
  func.func @transform_2(%arg0: i32, %arg1: i32) -> (i32, i32, i32) {
    %add3A = arith.constant 1 : i32
    %add3A_0 = arith.addi %arg1, %add3A : i32
    %min3A = arith.constant 3 : i32
    %min3A_1 = arith.minsi %add3A_0, %min3A : i32
    %c0_i32 = arith.constant 0 : i32
    %c0_i32_2 = arith.constant 0 : i32
    return %arg0, %min3A_1, %c0_i32 : i32, i32, i32
  }
  func.func @transform_3(%arg0: i32, %arg1: i32) -> (i32, i32) {
    %c0_i32 = arith.constant 0 : i32
    %c0_i32_0 = arith.constant 0 : i32
    %c0_i32_1 = arith.constant 0 : i32
    return %c0_i32, %c0_i32_0 : i32, i32
  }
  func.func @transform_4(%arg0: i32, %arg1: i32) -> (i32, i32, i32) {
    %c0_i32 = arith.constant 0 : i32
    %c0_i32_0 = arith.constant 0 : i32
    return %arg0, %arg1, %c0_i32 : i32, i32, i32
  }
}

module attributes {stable_mosaic.version = 14 : i64} {
  func.func @_combine_body(%arg0: i32, %arg1: i32, %arg2: memref<1x512x1024xbf16, #tpu.memory_space<vmem>>, %arg3: memref<1x512x1024xf32, #tpu.memory_space<vmem>>, %arg4: memref<1x512x1xf32, #tpu.memory_space<vmem>>, %arg5: memref<1x1024xf32, #tpu.memory_space<vmem>>, %arg6: memref<1x512x1024xf32, #tpu.memory_space<vmem>>) attributes {dimension_semantics = [#tpu.dimension_semantics<arbitrary>, #tpu.dimension_semantics<arbitrary>], iteration_bounds = array<i64: 2, 8>, scalar_prefetch = 0 : i64, scratch_operands = 0 : i64, tpu.core_type = #tpu.core_type<tc>, window_params = [{transform_indices = @transform_0, window_bounds = array<i64: 1, 512, 1024>}, {transform_indices = @transform_1, window_bounds = array<i64: 1, 512, 1024>}, {transform_indices = @transform_2, window_bounds = array<i64: 1, 512, 1>}, {pipeline_mode = #tpu.pipeline_mode<synchronous>, transform_indices = @transform_3, window_bounds = array<i64: 1, 1024>}, {transform_indices = @transform_4, window_bounds = array<i64: 1, 512, 1024>}]} {
    %get3A = arith.constant 0 : index
    %get3A_0 = arith.constant 0 : index
    %get3A_1 = arith.constant 0 : index
    %get3A_2 = vector.load %arg4[%get3A, %get3A_0, %get3A_1] : memref<1x512x1xf32, #tpu.memory_space<vmem>>, vector<1x512x1xf32>
    %get3A_3 = vector.shape_cast %get3A_2 : vector<1x512x1xf32> to vector<512x1xf32>
    %gt3A = arith.constant 0.000000e+00 : f32
    %gt3A_4 = vector.broadcast %gt3A : f32 to vector<512x1xf32>
    %gt3A_5 = arith.cmpf ogt, %get3A_3, %gt3A_4 : vector<512x1xf32>
    %get3A_6 = arith.constant 0 : index
    %get3A_7 = arith.constant 0 : index
    %get3A_8 = arith.constant 0 : index
    %get3A_9 = vector.load %arg2[%get3A_6, %get3A_7, %get3A_8] : memref<1x512x1024xbf16, #tpu.memory_space<vmem>>, vector<1x512x1024xbf16>
    %get3A_10 = vector.shape_cast %get3A_9 : vector<1x512x1024xbf16> to vector<512x1024xbf16>
    %convert_element_type3A = arith.extf %get3A_10 : vector<512x1024xbf16> to vector<512x1024xf32>
    %get3A_11 = arith.constant 0 : index
    %get3A_12 = arith.constant 0 : index
    %get3A_13 = arith.constant 0 : index
    %get3A_14 = vector.load %arg3[%get3A_11, %get3A_12, %get3A_13] : memref<1x512x1024xf32, #tpu.memory_space<vmem>>, vector<1x512x1024xf32>
    %get3A_15 = vector.shape_cast %get3A_14 : vector<1x512x1024xf32> to vector<512x1024xf32>
    %get3A_16 = arith.constant 0 : index
    %get3A_17 = arith.constant 0 : index
    %get3A_18 = vector.load %arg5[%get3A_16, %get3A_17] : memref<1x1024xf32, #tpu.memory_space<vmem>>, vector<1x1024xf32>
    %broadcast_in_dim3A = vector.shape_cast %gt3A_5 : vector<512x1xi1> to vector<512x1xi1>
    %broadcast_in_dim3A_19 = vector.broadcast %broadcast_in_dim3A : vector<512x1xi1> to vector<512x1024xi1>
    %broadcast_in_dim3A_20 = vector.shape_cast %get3A_18 : vector<1x1024xf32> to vector<1x1024xf32>
    %broadcast_in_dim3A_21 = vector.broadcast %broadcast_in_dim3A_20 : vector<1x1024xf32> to vector<512x1024xf32>
    %select_n3A = arith.select %broadcast_in_dim3A_19, %get3A_15, %broadcast_in_dim3A_21 : vector<512x1024xi1>, vector<512x1024xf32>
    %add3A = arith.addf %convert_element_type3A, %select_n3A : vector<512x1024xf32>
    %swap3A = arith.constant 0 : index
    %swap3A_22 = arith.constant 0 : index
    %swap3A_23 = arith.constant 0 : index
    %swap3A_24 = vector.load %arg6[%swap3A, %swap3A_22, %swap3A_23] : memref<1x512x1024xf32, #tpu.memory_space<vmem>>, vector<1x512x1024xf32>
    %swap3A_25 = vector.shape_cast %swap3A_24 : vector<1x512x1024xf32> to vector<512x1024xf32>
    %swap3A_26 = vector.shape_cast %add3A : vector<512x1024xf32> to vector<1x512x1024xf32>
    tpu.vector_store %arg6[%swap3A, %swap3A_22, %swap3A_23], %swap3A_26 {strides = array<i32>} : memref<1x512x1024xf32, #tpu.memory_space<vmem>>, vector<1x512x1024xf32>,
    return
  }
  func.func @transform_0(%arg0: i32, %arg1: i32) -> (i32, i32, i32) {
    %c0_i32 = arith.constant 0 : i32
    %c0_i32_0 = arith.constant 0 : i32
    return %arg0, %arg1, %c0_i32 : i32, i32, i32
  }
  func.func @transform_1(%arg0: i32, %arg1: i32) -> (i32, i32, i32) {
    %c0_i32 = arith.constant 0 : i32
    %c0_i32_0 = arith.constant 0 : i32
    return %arg0, %arg1, %c0_i32 : i32, i32, i32
  }
  func.func @transform_2(%arg0: i32, %arg1: i32) -> (i32, i32, i32) {
    %c0_i32 = arith.constant 0 : i32
    %c0_i32_0 = arith.constant 0 : i32
    return %arg0, %arg1, %c0_i32 : i32, i32, i32
  }
  func.func @transform_3(%arg0: i32, %arg1: i32) -> (i32, i32) {
    %c0_i32 = arith.constant 0 : i32
    %c0_i32_0 = arith.constant 0 : i32
    %c0_i32_1 = arith.constant 0 : i32
    return %c0_i32, %c0_i32_0 : i32, i32
  }
  func.func @transform_4(%arg0: i32, %arg1: i32) -> (i32, i32, i32) {
    %c0_i32 = arith.constant 0 : i32
    %c0_i32_0 = arith.constant 0 : i32
    return %arg0, %arg1, %c0_i32 : i32, i32, i32
  }
}

</mosaic_0001>

<sc_bundles>
// kernel: kernel.12.cloned.1.call-start
scs
__scs_entry_jumppad:
0x0: {  	(pc) =	sbr.rel $0x88, $3  }
0x1: {  	(tag) =	ssettag $0x0;
	lr =	simm.s32 $0x1  }
0x2: {  	[smem:$0x3F94] =	sst lr;
	_ =	strace $0xD0000000  }
0x3: {  	_ = 	snop  }
0x4: {  	_ = 	snop  }
0x5: {  	_ = 	snop  }
0x6: {  	_ = 	snop  }
0x7: {  	_ = 	snop  }
__scs_overlays_trampoline_lowered:
0x8: {  	[smem:$0x3FA3] =	sst s0  }
0x9: {  	[smem:$0x3FA4] =	sst s1  }
0xa: {  	[smem:$0x3FA5] =	sst s2  }
0xb: {  	[smem:$0x3FA6] =	sst s3  }
0xc: {  	[smem:$0x3FA7] =	sst s4  }
0xd: {  	[smem:$0x3FA8] =	sst s5  }
0xe: {  	[smem:$0x3FA9] =	sst s6  }
0xf: {  	[smem:$0x3FAA] =	sst s7  }
0x10: {  	[smem:$0x3FAB] =	sst s8  }
0x11: {  	[smem:$0x3FAC] =	sst s9;
	s0 =	simm.s32 @!p0 $0x0  }
0x12: {  	s1 =	sld [smem:$0x3F92];
	s0 =	simm.s32 @p0 $0x1  }
0x13: {  	[smem:$0x3FAD] =	sst s0;
	s0 =	simm.s32 @!p1 $0x0  }
0x14: {  	s2 =	sld [smem:$0x3F91];
	s0 =	simm.s32 @p1 $0x1  }
0x15: {  	[smem:$0x3FAE] =	sst s0;
	s0 =	simm.s32 @!p2 $0x0  }
0x16: {  	s3 =	sld [smem:$0x3FDB];
	s0 =	simm.s32 @p2 $0x1  }
0x17: {  	s4 =	simm.s32 $0x1BF5;
	[smem:$0x3FB0] =	sst s0  }
0x18: {  	s0 =	sld [smem:$0x3F93];
	_ =	swait.ge [sflag:s4], $0x0  }
0x19: {  	s7 =	sld [smem:$0x3F94]  }
0x1a: {  	s8 =	sadd.s32 $0xFFFFE003, lr  }
0x1b: {  	s9 =	sadd.s32 $0xFFFFFEF7, lr;
	s5 =	simm.s32 $0xFFFFFFFF;
	p2 =	slt.u32 s8, $0xFFFFF086  }
0x1c: {  	p1 =	slt.u32 s9, $0xF7A;
	s5 =	simm.s32 @!p2 $0x0  }
0x1d: {  	s5 =	simm.s32 @p1 $0x1;
	p0 =	seq.s32 s7, s2  }
0x1e: {  	s7 =	smul.u32 @!p0 $0xF7A, s2;
	p2 =	seq.s32 @!p0 s5, $0x0  }
0x1f: {  	s9 =	smul.u32 $0xF7A, s1;
	s8 =	simm.s32 @!p0 $0x1BF5;
	p2 =	por !p2, p0  }
0x20: {  	[sflag:s8] =	ssyncset.s32 @!p0 $0xFFFFF086;
	s6 =	sadd.s32 @!p0 s3, s7;
	s7 =	simm.s32 @!p0 $0x108  }
0x21: {  	s3 =	sadd.s32 s3, s9;
	s6 =	sadd.s32 @!p0 $0x88, s6;
	s7 =	simm.s32 @p2 $0x1082  }
0x22: {  	[simem:s7], [sflag:s8] =	dma.local @!p0 [hbm:s6], $0xF7A  }
0x23: {  	s9 =	sor.u32 $0xD0000000, s2;
	s6 =	simm.s32 $0x108;
	_ =	swait.ge @!p0 [sflag:s8], $0x0  }
0x24: {  	s3 =	sadd.s32 $0x88, s3;
	s6 =	simm.s32 @!p1 $0x1082;
	[sflag:s4] =	ssyncset.s32 $0xFFFFF086  }
0x25: {  	[simem:s6], [sflag:s4] =	dma.local [hbm:s3], $0xF7A  }
0x26: {  	[smem:$0x3F94] =	sst s1;
	(tag) =	ssettag s2;
	_ =	strace s9  }
0x27: {  	s1 =	sld [smem:$0x3FA4]  }
0x28: {  	s2 =	sld [smem:$0x3FA5]  }
0x29: {  	s4 =	sld [smem:$0x3FA7]  }
0x2a: {  	p0 =	seq.s32 s5, $0x0;
	s5 =	sld [smem:$0x3FA8]  }
0x2b: {  	s6 =	sld [smem:$0x3FA9]  }
0x2c: {  	s7 =	sld [smem:$0x3FAA]  }
0x2d: {  	s3 =	simm.s32 $0x108;
	s8 =	sld [smem:$0x3FAB]  }
0x2e: {  	s3 =	simm.s32 @!p0 $0x1082;
	s9 =	sld [smem:$0x3FAC]  }
0x2f: {  	lr =	sadd.s32 s0, s3;
	s0 =	sld [smem:$0x3FA3]  }
0x30: {  	s3 =	sld [smem:$0x3FA6]  }
0x31: {  	[smem:$0x3FAF] =	sst s10  }
0x32: {  	s10 =	sld [smem:$0x3FAD];
	_ =	sdelay $0x3  }
0x33: {  	p0 =	seq.s32 s10, $0x1;
	s10 =	sld [smem:$0x3FAF];
	_ =	sdelay $0x3  }
0x34: {  	[smem:$0x3FAF] =	sst s10  }
0x35: {  	s10 =	sld [smem:$0x3FAE];
	_ =	sdelay $0x3  }
0x36: {  	p1 =	seq.s32 s10, $0x1;
	s10 =	sld [smem:$0x3FAF];
	_ =	sdelay $0x3  }
0x37: {  	[smem:$0x3FAF] =	sst s10  }
0x38: {  	s10 =	sld [smem:$0x3FB0]  }
0x39: {  	_ = 	snop;
	(pc) =	sbr.ind lr, $3  }
0x3a: {  	_ = 	snop  }
0x3b: {  	_ = 	snop  }
0x3c: {  	p2 =	seq.s32 s10, $0x1;
	s10 =	sld [smem:$0x3FAF]  }
0x3d: {  	_ =	shalt  }
0x3e: {  	_ =	shalt  }
0x3f: {  	_ =	shalt  }
0x40: {  	_ =	shalt  }
0x41: {  	_ =	shalt  }
0x42: {  	_ =	shalt  }
0x43: {  	_ =	shalt  }
0x44: {  	_ =	shalt  }
0x45: {  	_ =	shalt  }
0x46: {  	_ =	shalt  }
0x47: {  	_ =	shalt  }
0x48: {  	_ =	shalt  }
0x49: {  	_ =	shalt  }
0x4a: {  	_ =	shalt  }
0x4b: {  	_ =	shalt  }
0x4c: {  	_ =	shalt  }
0x4d: {  	_ =	shalt  }
0x4e: {  	_ =	shalt  }
0x4f: {  	_ =	shalt  }
0x50: {  	_ =	shalt  }
0x51: {  	_ =	shalt  }
0x52: {  	_ =	shalt  }
0x53: {  	_ =	shalt  }
0x54: {  	_ =	shalt  }
0x55: {  	_ =	shalt  }
0x56: {  	_ =	shalt  }
0x57: {  	_ =	shalt  }
0x58: {  	_ =	shalt  }
0x59: {  	_ =	shalt  }
0x5a: {  	_ =	shalt  }
0x5b: {  	_ =	shalt  }
0x5c: {  	_ =	shalt  }
0x5d: {  	_ =	shalt  }
0x5e: {  	_ =	shalt  }
0x5f: {  	_ =	shalt  }
0x60: {  	_ =	shalt  }
0x61: {  	_ =	shalt  }
0x62: {  	_ =	shalt  }
0x63: {  	_ =	shalt  }
0x64: {  	_ =	shalt  }
0x65: {  	_ =	shalt  }
0x66: {  	_ =	shalt  }
0x67: {  	_ =	shalt  }
0x68: {  	_ =	shalt  }
0x69: {  	_ =	shalt  }
0x6a: {  	_ =	shalt  }
0x6b: {  	_ =	shalt  }
0x6c: {  	_ =	shalt  }
0x6d: {  	_ =	shalt  }
0x6e: {  	_ =	shalt  }
0x6f: {  	_ =	shalt  }
0x70: {  	_ =	shalt  }
0x71: {  	_ =	shalt  }
0x72: {  	_ =	shalt  }
0x73: {  	_ =	shalt  }
0x74: {  	_ =	shalt  }
0x75: {  	_ =	shalt  }
0x76: {  	_ =	shalt  }
0x77: {  	_ =	shalt  }
0x78: {  	_ =	shalt  }
0x79: {  	_ =	shalt  }
0x7a: {  	_ =	shalt  }
0x7b: {  	_ =	shalt  }
0x7c: {  	_ =	shalt  }
0x7d: {  	_ =	shalt  }
0x7e: {  	_ =	shalt  }
0x7f: {  	_ =	shalt  }
0x80: {  	_ =	shalt  }
0x81: {  	_ =	shalt  }
0x82: {  	_ =	shalt  }
0x83: {  	_ =	shalt  }
0x84: {  	_ =	shalt  }
0x85: {  	_ =	shalt  }
0x86: {  	_ =	shalt  }
0x87: {  	_ =	shalt  }
.Lfunc_end0:
.L_simem_size_0:
called_computation_lowered:
.L_overlay_start_0:
0x88: {  	s2 =	sld [smem:$0x3FD9]  }
0x89: {  	s3 =	sld [smem:$0x3FFE];
	_ =	sdelay $0x1  }
0x8a: {  	s1 =	srdreg.scid  }
0x8b: {  	s0 =	sand.u32 $0x1, s1  }
0x8c: {  	s17 =	sshll.u32 s0, $0xA;
	s2 =	sadd.s32 s3, s2  }
0x8d: {  	s2 =	sadd.s32 s2, s17  }
0x8e: {  	[smem:$0x3FBB] =	sst s2  }
0x8f: {  	_ = 	snop  }
0x90: {  	s2 =	sld [smem:$0x3FC9];
	(tm) =	ssettm $0x1  }
0x91: {  	s18 =	sld [smem:$0x3FFB];
	_ =	sdelay $0x3  }
0x92: {  	_ =	strace s18  }
0x93: {  	s3 =	sld [smem:$0x3FFC];
	_ =	sdelay $0x3  }
0x94: {  	_ =	strace s3  }
0x95: {  	s3 =	sld [smem:$0x3FFD];
	_ =	sdelay $0x3  }
0x96: {  	_ =	strace s3  }
0x97: {  	_ =	strace $0x8FFFFFFF  }
0x98: {  	s19 =	sld [smem:$0x3FDB];
	_ =	sdelay $0x1  }
0x99: {  	s4 =	simm.s32 $_scs_section_size  }
0x9a: {  	s5 =	simm.s32 $_size__tile_overlayer_lowered;
	s6 =	simm.s32 $_tile_overlayer_lowered  }
0x9b: {  	s22 =	simm.s32 $0x1BFF;
	s21 =	sshll.u32 s6, $0x1;
	s3 =	sadd.s32 s4, s19  }
0x9c: {  	s7 =	simm.s32 $0x0;
	s20 =	sshll.u32 s5, $0x1;
	s5 =	sadd.s32 s21, s3  }
0x9d: {  	[timem:s7], [sflag:s22] =	dma.local [hbm:s5], s20  }
0x9e: {  	_ =	swait.ge [sflag:s22], s20  }
0x9f: {  	s4 =	ssub.s32 $0x0, s20;
	[sflag:s22] =	ssyncset.done $0x0  }
0xa0: {  	[sflag:s22] =	ssyncadd.s32 s4;
	_ =	sdelay $0x1  }
0xa1: {  	s23 =	simm.s32 $0x1B8B  }
0xa2: {  	_ =	swait.ge [sflag:s23], $0x1  }
0xa3: {  	[sflag:s23] =	ssyncset.done $0x0  }
0xa4: {  	s25 =	simm.s32 $0x1B8E;
	s24 =	sld [smem:$0x3FFE];
	[sflag:s23] =	ssyncadd.s32 $0xFFFFFFFF  }
0xa5: {  	s26 =	simm.s32 $execute0_lowered;
	[smem:$0x3FD2] =	sst s25  }
0xa6: {  	s5 =	sshll.u32 s26, $0x1;
	_ =	strace $0x80000046;
	[dreg:$0x1] =	wrdreg $0xFFFFFFFF  }
0xa7: {  	s28 =	simm.s32 $_size_execute0_lowered;
	s3 =	sadd.s32 s3, s5;
	[dreg:$0x0] =	wrdreg $0x0  }
0xa8: {  	s5 =	sshll.u32 s28, $0x1;
	[dreg:$0x2] =	wrdreg s3  }
0xa9: {  	[dreg:$0x3] =	wrdreg s5  }
0xaa: {  	[dreg:$0x4] =	wrdreg $0xC0  }
0xab: {  	_ =	task [dreg:s7], $0x5FFFF  }
0xac: {  	[dreg:$0x1] =	wrdreg $0xFFFFFFFF  }
0xad: {  	[dreg:$0x0] =	wrdreg $0x60  }
0xae: {  	[dreg:$0x2] =	wrdreg s2  }
0xaf: {  	[dreg:$0x3] =	wrdreg s24  }
0xb0: {  	[dreg:$0x4] =	wrdreg $0x9  }
0xb1: {  	_ =	task.clear_ibuf [dreg:s7], $0x5FFFF;
	_ =	strace $0x90000046  }
0xb2: {  	s29 =	simm.s32 $0x9;
	_ =	strace $0x80000048  }
0xb3: {  	_ =	swait.ge [sflag:s29], $0x1  }
0xb4: {  	[sflag:s29] =	ssyncadd.s32 $0xFFFFFFFF  }
0xb5: {  	_ =	strace $0x90000048  }
0xb6: {  	_ =	sfence  }
0xb7: {  	s30 =	sld [smem:$0x0];
	_ =	sdelay $0x2  }
0xb8: {  	s31 =	sshll.u32 s1, $0xD;
	s1 =	sshrl.u32 s1, $0x2  }
0xb9: {  	s3 =	sand.u32 $0x4000, s31;
	s1 =	sadd.s32 s1, s30  }
0xba: {  	s0 =	sor.u32 s3, s0;
	s1 =	sshll.u32 s1, $0x11  }
0xbb: {  	s0 =	sor.u32 s1, s0  }
0xbc: {  	s0 =	sadd.s32 $0x8F2B, s0  }
0xbd: {  	[sflag:s0] =	ssyncadd.remote.s32 $0x1  }
0xbe: {  	_ =	sfence.sel $0xFFFF  }
0xbf: {  	[dreg:$0x0] =	wrdreg $0xFFFFFFFF;
	(pc) =	sbr.abs _section_cstart, $3  }
0xc0: {  	[dreg:$0x1] =	wrdreg $0xFFFFFFFF  }
0xc1: {  	_ =	task.clear_ibuf [dreg:s7], $0x2FFFF;
	_ =	strace $0x9FFFFFFF  }
0xc2: {  	(tm) =	ssettm $0x7FFFFFFF  }
0xc3: {  	_ =	shalt  }
tec
execute0_lowered:
.L_overlay_start_1:
0x0: {  	(tag) =	ssettag $0x1  }
0x1: {  	s2 =	rddreg [dreg:$0x0]  }
0x2: {  	s0 =	rddreg [dreg:$0x1]  }
0x3: {  	s1 =	srdreg.scid;
	s4 =	stileid.u32;
	s3 =	simm.s32 $0x0  }
0x4: {  	s18 =	simm.s32 $0x1;
	s20 =	simm.s32 $0x880;
	s21 =	simm.s32 $0x1080  }
0x5: {  	s22 =	simm.s32 $0x1880;
	s23 =	simm.s32 $0x2080;
	s24 =	simm.s32 $0x2880  }
0x6: {  	s28 =	simm.s32 $0x4080;
	s29 =	simm.s32 $0x4880;
	s30 =	simm.s32 $0x5080  }
0x7: {  	s31 =	simm.s32 $0x5880;
	s10 =	simm.s32 $0x7080;
	s11 =	simm.s32 $0x7880  }
0x8: {  	s12 =	simm.s32 $0x8080;
	s13 =	simm.s32 $0x8880;
	s14 =	simm.s32 $0x9080  }
0x9: {  	s15 =	simm.s32 $0x9880;
	s16 =	simm.s32 $0xA080;
	s17 =	simm.s32 $0xA880  }
0xa: {  	s1 =	sand.u32 $0x1, s1;
	s4 =	sshll.u32 s4, $0x8;
	[smem:$0x7FF] =	sst s3  }
0xb: {  	s6 =	sadd.s32 $0x1800, s0;
	s5 =	sshll.u32 s1, $0x7;
	s1 =	ssub.s32 $0x2, s1  }
0xc: {  	s0 =	sadd.s32 $0x1A00, s0;
	s5 =	sor.u32 s5, s4;
	s7 =	sshrl.u32 s1, $0x1  }
0xd: {  	_ =	strace $0x80000047;
	s4 =	sshrl.u32 s5, $0x3;
	s1 =	ssub.s32 s1, s7  }
0xe: {  	s25 =	sshll.u32 s5, $0x7;
	s8 =	sor.u32 $0x40, s5;
	s5 =	sadd.s32 $0x200, s2  }
0xf: {  	s4 =	sadd.s32 s6, s4;
	s7 =	sadd.s32 s0, s25;
	s9 =	sshrl.u32 s8, $0x3  }
0x10: {  	s8 =	sshll.u32 s8, $0x7;
	s25 =	simm.s32 $0x3080;
	[dreg:$0x3] =	wrdreg s4  }
0x11: {  	s4 =	sadd.s32 $0x100, s2;
	[dreg:$0x4] =	wrdreg s7;
	s26 =	sadd.s32 s6, s9  }
0x12: {  	v2 =	vlaneseq.u32;
	s6 =	sadd.s32 $0x300, s2;
	s0 =	sadd.s32 s0, s8;
	s7 =	smax.u32 s1, $0x1  }
0x13: {  	vm0 =	vmmov $0xffff;
	v1 =	vshrl.u32 v2, $0x3;
	s8 =	simm.s32 $0x2;
	s9 =	simm.s32 $0xB080;
	[dreg:$0x5] =	wrdreg s26  }
0x14: {  	v0 =	vand.u32 $0x7, v2;
	v2 =	vor.u32 $0x8, v2;
	v1 =	vmul.u32 $0x8, v1;
	[dreg:$0x6] =	wrdreg s0;
	s0 =	simm.s32 $0x80;
	s26 =	simm.s32 $0x3880  }
.LBB2_1:
0x15: {  	s19 =	rddreg [dreg:$0x3]  }
0x16: {  	[tilespmem:s3], [sflag:$0x2] =	stream.linear.gather [hbm4b:s19+s3], $0x40, $0x38;
	[tilespmem:$0x10080] =	vst v63  }
0x17: {  	_ =	swait.ge [sflag:s8], $0x40  }
0x18: {  	[sflag:s8] =	ssyncset.done $0x0  }
0x19: {  	[sflag:s8] =	ssyncadd.s32 $0xFFFFFFC0  }
0x1a: {  	v3 =	vld [tilespmem:$0x0];
	_ =	sdelay $0x4  }
0x1b: {  	v4 =	vshll.u32 v3, $0x3  }
0x1c: {  	v3 =	vand.u32 $0x7, v3;
	v4 =	vand.u32 $0xFFFFFFC0, v4  }
0x1d: {  	v3 =	vor.u32 v3, v4  }
0x1e: {  	v4 =	vperm.xlane v3, v0;
	_ =	sdelay $0x1  }
0x1f: {  	v4 =	vadd.s32 v1, v4;
	_ =	sdelay $0x4  }
0x20: {  	[tilespmem:s0], [sflag:$0x1] =	stream.indirect_vreg.gather [hbm4b:s2+s3], $0x80, v4, vm0, $0xb8;
	[tilespmem:$0x10080] =	vst v63  }
0x21: {  	v3 =	vperm.xlane v3, v2  }
0x22: {  	[tilespmem:s20], [sflag:$0x1] =	stream.indirect_vreg.gather [hbm4b:s4+s3], $0x80, v4, vm0, $0xb8;
	[tilespmem:$0x10080] =	vst v63  }
0x23: {  	v3 =	vadd.s32 v1, v3  }
0x24: {  	[tilespmem:s21], [sflag:$0x1] =	stream.indirect_vreg.gather [hbm4b:s5+s3], $0x80, v4, vm0, $0xb8;
	[tilespmem:$0x10080] =	vst v63  }
0x25: {  	_ = 	snop  }
0x26: {  	[tilespmem:s22], [sflag:$0x1] =	stream.indirect_vreg.gather [hbm4b:s6+s3], $0x80, v4, vm0, $0xb8;
	[tilespmem:$0x10080] =	vst v63  }
0x27: {  	_ = 	snop  }
0x28: {  	[tilespmem:s23], [sflag:$0x1] =	stream.indirect_vreg.gather [hbm4b:s2+s3], $0x80, v3, vm0, $0xb8;
	[tilespmem:$0x10080] =	vst v63  }
0x29: {  	_ = 	snop  }
0x2a: {  	[tilespmem:s24], [sflag:$0x1] =	stream.indirect_vreg.gather [hbm4b:s4+s3], $0x80, v3, vm0, $0xb8;
	[tilespmem:$0x10080] =	vst v63  }
0x2b: {  	_ = 	snop  }
0x2c: {  	[tilespmem:s25], [sflag:$0x1] =	stream.indirect_vreg.gather [hbm4b:s5+s3], $0x80, v3, vm0, $0xb8;
	[tilespmem:$0x10080] =	vst v63  }
0x2d: {  	_ = 	snop  }
0x2e: {  	[tilespmem:s26], [sflag:$0x1] =	stream.indirect_vreg.gather [hbm4b:s6+s3], $0x80, v3, vm0, $0xb8;
	[tilespmem:$0x10080] =	vst v63  }
0x2f: {  	v3 =	vld [tilespmem:$0x10];
	_ =	sdelay $0x4  }
0x30: {  	v57 =	vshll.u32 v3, $0x3  }
0x31: {  	v3 =	vand.u32 $0x7, v3;
	v4 =	vand.u32 $0xFFFFFFC0, v57  }
0x32: {  	v3 =	vor.u32 v3, v4  }
0x33: {  	v4 =	vperm.xlane v3, v0;
	_ =	sdelay $0x1  }
0x34: {  	v4 =	vadd.s32 v1, v4;
	_ =	sdelay $0x4  }
0x35: {  	[tilespmem:s28], [sflag:$0x1] =	stream.indirect_vreg.gather [hbm4b:s2+s3], $0x80, v4, vm0, $0xb8;
	[tilespmem:$0x10080] =	vst v63  }
0x36: {  	v3 =	vperm.xlane v3, v2  }
0x37: {  	[tilespmem:s29], [sflag:$0x1] =	stream.indirect_vreg.gather [hbm4b:s4+s3], $0x80, v4, vm0, $0xb8;
	[tilespmem:$0x10080] =	vst v63  }
0x38: {  	v3 =	vadd.s32 v1, v3  }
0x39: {  	[tilespmem:s30], [sflag:$0x1] =	stream.indirect_vreg.gather [hbm4b:s5+s3], $0x80, v4, vm0, $0xb8;
	[tilespmem:$0x10080] =	vst v63  }
0x3a: {  	_ = 	snop  }
0x3b: {  	[tilespmem:s31], [sflag:$0x1] =	stream.indirect_vreg.gather [hbm4b:s6+s3], $0x80, v4, vm0, $0xb8;
	[tilespmem:$0x10080] =	vst v63  }
0x3c: {  	s1 =	simm.s32 $0x6080  }
0x3d: {  	[tilespmem:s1], [sflag:$0x1] =	stream.indirect_vreg.gather [hbm4b:s2+s3], $0x80, v3, vm0, $0xb8;
	[tilespmem:$0x10080] =	vst v63  }
0x3e: {  	s1 =	simm.s32 $0x6880  }
0x3f: {  	[tilespmem:s1], [sflag:$0x1] =	stream.indirect_vreg.gather [hbm4b:s4+s3], $0x80, v3, vm0, $0xb8;
	[tilespmem:$0x10080] =	vst v63  }
0x40: {  	_ = 	snop  }
0x41: {  	[tilespmem:s10], [sflag:$0x1] =	stream.indirect_vreg.gather [hbm4b:s5+s3], $0x80, v3, vm0, $0xb8;
	[tilespmem:$0x10080] =	vst v63  }
0x42: {  	_ = 	snop  }
0x43: {  	[tilespmem:s11], [sflag:$0x1] =	stream.indirect_vreg.gather [hbm4b:s6+s3], $0x80, v3, vm0, $0xb8;
	[tilespmem:$0x10080] =	vst v63  }
0x44: {  	v3 =	vld [tilespmem:$0x20];
	_ =	sdelay $0x4  }
0x45: {  	v58 =	vshll.u32 v3, $0x3  }
0x46: {  	v3 =	vand.u32 $0x7, v3;
	v4 =	vand.u32 $0xFFFFFFC0, v58  }
0x47: {  	v3 =	vor.u32 v3, v4  }
0x48: {  	v4 =	vperm.xlane v3, v0;
	_ =	sdelay $0x1  }
0x49: {  	v4 =	vadd.s32 v1, v4;
	_ =	sdelay $0x4  }
0x4a: {  	[tilespmem:s12], [sflag:$0x1] =	stream.indirect_vreg.gather [hbm4b:s2+s3], $0x80, v4, vm0, $0xb8;
	[tilespmem:$0x10080] =	vst v63  }
0x4b: {  	v3 =	vperm.xlane v3, v2  }
0x4c: {  	[tilespmem:s13], [sflag:$0x1] =	stream.indirect_vreg.gather [hbm4b:s4+s3], $0x80, v4, vm0, $0xb8;
	[tilespmem:$0x10080] =	vst v63  }
0x4d: {  	v3 =	vadd.s32 v1, v3  }
0x4e: {  	[tilespmem:s14], [sflag:$0x1] =	stream.indirect_vreg.gather [hbm4b:s5+s3], $0x80, v4, vm0, $0xb8;
	[tilespmem:$0x10080] =	vst v63  }
0x4f: {  	_ = 	snop  }
0x50: {  	[tilespmem:s15], [sflag:$0x1] =	stream.indirect_vreg.gather [hbm4b:s6+s3], $0x80, v4, vm0, $0xb8;
	[tilespmem:$0x10080] =	vst v63  }
0x51: {  	_ = 	snop  }
0x52: {  	[tilespmem:s16], [sflag:$0x1] =	stream.indirect_vreg.gather [hbm4b:s2+s3], $0x80, v3, vm0, $0xb8;
	[tilespmem:$0x10080] =	vst v63  }
0x53: {  	_ = 	snop  }
0x54: {  	[tilespmem:s17], [sflag:$0x1] =	stream.indirect_vreg.gather [hbm4b:s4+s3], $0x80, v3, vm0, $0xb8;
	[tilespmem:$0x10080] =	vst v63  }
0x55: {  	_ = 	snop  }
0x56: {  	[tilespmem:s9], [sflag:$0x1] =	stream.indirect_vreg.gather [hbm4b:s5+s3], $0x80, v3, vm0, $0xb8;
	[tilespmem:$0x10080] =	vst v63  }
0x57: {  	s19 =	simm.s32 $0xB880  }
0x58: {  	[tilespmem:s19], [sflag:$0x1] =	stream.indirect_vreg.gather [hbm4b:s6+s3], $0x80, v3, vm0, $0xb8;
	[tilespmem:$0x10080] =	vst v63  }
0x59: {  	v3 =	vld [tilespmem:$0x30];
	_ =	sdelay $0x4  }
0x5a: {  	v59 =	vshll.u32 v3, $0x3  }
0x5b: {  	v3 =	vand.u32 $0x7, v3;
	v4 =	vand.u32 $0xFFFFFFC0, v59  }
0x5c: {  	v3 =	vor.u32 v3, v4  }
0x5d: {  	v4 =	vperm.xlane v3, v0;
	_ =	sdelay $0x1  }
0x5e: {  	v4 =	vadd.s32 v1, v4;
	_ =	sdelay $0x3  }
0x5f: {  	s19 =	simm.s32 $0xC080  }
0x60: {  	[tilespmem:s19], [sflag:$0x1] =	stream.indirect_vreg.gather [hbm4b:s2+s3], $0x80, v4, vm0, $0xb8;
	[tilespmem:$0x10080] =	vst v63  }
0x61: {  	v3 =	vperm.xlane v3, v2;
	s19 =	simm.s32 $0xC880  }
0x62: {  	[tilespmem:s19], [sflag:$0x1] =	stream.indirect_vreg.gather [hbm4b:s4+s3], $0x80, v4, vm0, $0xb8;
	[tilespmem:$0x10080] =	vst v63  }
0x63: {  	v3 =	vadd.s32 v1, v3;
	s19 =	simm.s32 $0xD080  }
0x64: {  	[tilespmem:s19], [sflag:$0x1] =	stream.indirect_vreg.gather [hbm4b:s5+s3], $0x80, v4, vm0, $0xb8;
	[tilespmem:$0x10080] =	vst v63  }
0x65: {  	s19 =	simm.s32 $0xD880  }
0x66: {  	[tilespmem:s19], [sflag:$0x1] =	stream.indirect_vreg.gather [hbm4b:s6+s3], $0x80, v4, vm0, $0xb8;
	[tilespmem:$0x10080] =	vst v63  }
0x67: {  	s19 =	simm.s32 $0xE080  }
0x68: {  	[tilespmem:s19], [sflag:$0x1] =	stream.indirect_vreg.gather [hbm4b:s2+s3], $0x80, v3, vm0, $0xb8;
	[tilespmem:$0x10080] =	vst v63  }
0x69: {  	s19 =	simm.s32 $0xE880  }
0x6a: {  	[tilespmem:s19], [sflag:$0x1] =	stream.indirect_vreg.gather [hbm4b:s4+s3], $0x80, v3, vm0, $0xb8;
	[tilespmem:$0x10080] =	vst v63  }
0x6b: {  	s19 =	simm.s32 $0xF080  }
0x6c: {  	[tilespmem:s19], [sflag:$0x1] =	stream.indirect_vreg.gather [hbm4b:s5+s3], $0x80, v3, vm0, $0xb8;
	[tilespmem:$0x10080] =	vst v63  }
0x6d: {  	s19 =	simm.s32 $0xF880  }
0x6e: {  	[tilespmem:s19], [sflag:$0x1] =	stream.indirect_vreg.gather [hbm4b:s6+s3], $0x80, v3, vm0, $0xb8;
	[tilespmem:$0x10080] =	vst v63  }
0x6f: {  	_ =	swait.ge [sflag:s18], $0x10000  }
0x70: {  	[sflag:s18] =	ssyncset.done $0x0  }
0x71: {  	s19 =	rddreg [dreg:$0x4];
	[sflag:s18] =	ssyncadd.s32 $0xFFFF0000  }
0x72: {  	[hbm4b:s19+s3] =	stream.linear.scatter [tilespmem:s0], [sflag:$0x2], $0x10000, $0x38;
	[tilespmem:$0x10080] =	vst v63  }
0x73: {  	_ =	swait.ge [sflag:s8], $0x10000  }
0x74: {  	[sflag:s8] =	ssyncset.done $0x0  }
0x75: {  	s19 =	rddreg [dreg:$0x5];
	[sflag:s8] =	ssyncadd.s32 $0xFFFF0000  }
0x76: {  	[tilespmem:s3], [sflag:$0x2] =	stream.linear.gather [hbm4b:s19+s3], $0x40, $0x38;
	[tilespmem:$0x10080] =	vst v63  }
0x77: {  	_ =	swait.ge [sflag:s8], $0x40  }
0x78: {  	[sflag:s8] =	ssyncset.done $0x0  }
0x79: {  	[sflag:s8] =	ssyncadd.s32 $0xFFFFFFC0  }
0x7a: {  	v3 =	vld [tilespmem:$0x0];
	_ =	sdelay $0x4  }
0x7b: {  	v60 =	vshll.u32 v3, $0x3  }
0x7c: {  	v3 =	vand.u32 $0x7, v3;
	v4 =	vand.u32 $0xFFFFFFC0, v60  }
0x7d: {  	v3 =	vor.u32 v3, v4  }
0x7e: {  	v4 =	vperm.xlane v3, v0;
	_ =	sdelay $0x1  }
0x7f: {  	v4 =	vadd.s32 v1, v4;
	_ =	sdelay $0x4  }
0x80: {  	[tilespmem:s0], [sflag:$0x1] =	stream.indirect_vreg.gather [hbm4b:s2+s3], $0x80, v4, vm0, $0xb8;
	[tilespmem:$0x10080] =	vst v63  }
0x81: {  	v3 =	vperm.xlane v3, v2  }
0x82: {  	[tilespmem:s20], [sflag:$0x1] =	stream.indirect_vreg.gather [hbm4b:s4+s3], $0x80, v4, vm0, $0xb8;
	[tilespmem:$0x10080] =	vst v63  }
0x83: {  	v3 =	vadd.s32 v1, v3  }
0x84: {  	[tilespmem:s21], [sflag:$0x1] =	stream.indirect_vreg.gather [hbm4b:s5+s3], $0x80, v4, vm0, $0xb8;
	[tilespmem:$0x10080] =	vst v63  }
0x85: {  	_ = 	snop  }
0x86: {  	[tilespmem:s22], [sflag:$0x1] =	stream.indirect_vreg.gather [hbm4b:s6+s3], $0x80, v4, vm0, $0xb8;
	[tilespmem:$0x10080] =	vst v63  }
0x87: {  	_ = 	snop  }
0x88: {  	[tilespmem:s23], [sflag:$0x1] =	stream.indirect_vreg.gather [hbm4b:s2+s3], $0x80, v3, vm0, $0xb8;
	[tilespmem:$0x10080] =	vst v63  }
0x89: {  	_ = 	snop  }
0x8a: {  	[tilespmem:s24], [sflag:$0x1] =	stream.indirect_vreg.gather [hbm4b:s4+s3], $0x80, v3, vm0, $0xb8;
	[tilespmem:$0x10080] =	vst v63  }
0x8b: {  	_ = 	snop  }
0x8c: {  	[tilespmem:s25], [sflag:$0x1] =	stream.indirect_vreg.gather [hbm4b:s5+s3], $0x80, v3, vm0, $0xb8;
	[tilespmem:$0x10080] =	vst v63  }
0x8d: {  	_ = 	snop  }
0x8e: {  	[tilespmem:s26], [sflag:$0x1] =	stream.indirect_vreg.gather [hbm4b:s6+s3], $0x80, v3, vm0, $0xb8;
	[tilespmem:$0x10080] =	vst v63  }
0x8f: {  	v3 =	vld [tilespmem:$0x10];
	_ =	sdelay $0x4  }
0x90: {  	v61 =	vshll.u32 v3, $0x3  }
0x91: {  	v3 =	vand.u32 $0x7, v3;
	v4 =	vand.u32 $0xFFFFFFC0, v61  }
0x92: {  	v3 =	vor.u32 v3, v4  }
0x93: {  	v4 =	vperm.xlane v3, v0;
	_ =	sdelay $0x1  }
0x94: {  	v4 =	vadd.s32 v1, v4;
	_ =	sdelay $0x4  }
0x95: {  	[tilespmem:s28], [sflag:$0x1] =	stream.indirect_vreg.gather [hbm4b:s2+s3], $0x80, v4, vm0, $0xb8;
	[tilespmem:$0x10080] =	vst v63  }
0x96: {  	v3 =	vperm.xlane v3, v2  }
0x97: {  	[tilespmem:s29], [sflag:$0x1] =	stream.indirect_vreg.gather [hbm4b:s4+s3], $0x80, v4, vm0, $0xb8;
	[tilespmem:$0x10080] =	vst v63  }
0x98: {  	v3 =	vadd.s32 v1, v3  }
0x99: {  	[tilespmem:s30], [sflag:$0x1] =	stream.indirect_vreg.gather [hbm4b:s5+s3], $0x80, v4, vm0, $0xb8;
	[tilespmem:$0x10080] =	vst v63  }
0x9a: {  	_ = 	snop  }
0x9b: {  	[tilespmem:s31], [sflag:$0x1] =	stream.indirect_vreg.gather [hbm4b:s6+s3], $0x80, v4, vm0, $0xb8;
	[tilespmem:$0x10080] =	vst v63  }
0x9c: {  	s19 =	simm.s32 $0x6080  }
0x9d: {  	[tilespmem:s19], [sflag:$0x1] =	stream.indirect_vreg.gather [hbm4b:s2+s3], $0x80, v3, vm0, $0xb8;
	[tilespmem:$0x10080] =	vst v63  }
0x9e: {  	_ = 	snop  }
0x9f: {  	[tilespmem:s1], [sflag:$0x1] =	stream.indirect_vreg.gather [hbm4b:s4+s3], $0x80, v3, vm0, $0xb8;
	[tilespmem:$0x10080] =	vst v63  }
0xa0: {  	_ = 	snop  }
0xa1: {  	[tilespmem:s10], [sflag:$0x1] =	stream.indirect_vreg.gather [hbm4b:s5+s3], $0x80, v3, vm0, $0xb8;
	[tilespmem:$0x10080] =	vst v63  }
0xa2: {  	_ = 	snop  }
0xa3: {  	[tilespmem:s11], [sflag:$0x1] =	stream.indirect_vreg.gather [hbm4b:s6+s3], $0x80, v3, vm0, $0xb8;
	[tilespmem:$0x10080] =	vst v63  }
0xa4: {  	v3 =	vld [tilespmem:$0x20];
	_ =	sdelay $0x4  }
0xa5: {  	v62 =	vshll.u32 v3, $0x3  }
0xa6: {  	v3 =	vand.u32 $0x7, v3;
	v4 =	vand.u32 $0xFFFFFFC0, v62  }
0xa7: {  	v3 =	vor.u32 v3, v4  }
0xa8: {  	v4 =	vperm.xlane v3, v0;
	_ =	sdelay $0x1  }
0xa9: {  	v4 =	vadd.s32 v1, v4;
	_ =	sdelay $0x4  }
0xaa: {  	[tilespmem:s12], [sflag:$0x1] =	stream.indirect_vreg.gather [hbm4b:s2+s3], $0x80, v4, vm0, $0xb8;
	[tilespmem:$0x10080] =	vst v63  }
0xab: {  	v3 =	vperm.xlane v3, v2  }
0xac: {  	[tilespmem:s13], [sflag:$0x1] =	stream.indirect_vreg.gather [hbm4b:s4+s3], $0x80, v4, vm0, $0xb8;
	[tilespmem:$0x10080] =	vst v63  }
0xad: {  	v3 =	vadd.s32 v1, v3  }
0xae: {  	[tilespmem:s14], [sflag:$0x1] =	stream.indirect_vreg.gather [hbm4b:s5+s3], $0x80, v4, vm0, $0xb8;
	[tilespmem:$0x10080] =	vst v63  }
0xaf: {  	_ = 	snop  }
0xb0: {  	[tilespmem:s15], [sflag:$0x1] =	stream.indirect_vreg.gather [hbm4b:s6+s3], $0x80, v4, vm0, $0xb8;
	[tilespmem:$0x10080] =	vst v63  }
0xb1: {  	_ = 	snop  }
0xb2: {  	[tilespmem:s16], [sflag:$0x1] =	stream.indirect_vreg.gather [hbm4b:s2+s3], $0x80, v3, vm0, $0xb8;
	[tilespmem:$0x10080] =	vst v63  }
0xb3: {  	_ = 	snop  }
0xb4: {  	[tilespmem:s17], [sflag:$0x1] =	stream.indirect_vreg.gather [hbm4b:s4+s3], $0x80, v3, vm0, $0xb8;
	[tilespmem:$0x10080] =	vst v63  }
0xb5: {  	_ = 	snop  }
0xb6: {  	[tilespmem:s9], [sflag:$0x1] =	stream.indirect_vreg.gather [hbm4b:s5+s3], $0x80, v3, vm0, $0xb8;
	[tilespmem:$0x10080] =	vst v63  }
0xb7: {  	s19 =	simm.s32 $0xB880  }
0xb8: {  	[tilespmem:s19], [sflag:$0x1] =	stream.indirect_vreg.gather [hbm4b:s6+s3], $0x80, v3, vm0, $0xb8;
	[tilespmem:$0x10080] =	vst v63  }
0xb9: {  	v3 =	vld [tilespmem:$0x30];
	_ =	sdelay $0x4  }
0xba: {  	v63 =	vshll.u32 v3, $0x3  }
0xbb: {  	v3 =	vand.u32 $0x7, v3;
	v4 =	vand.u32 $0xFFFFFFC0, v63  }
0xbc: {  	v3 =	vor.u32 v3, v4  }
0xbd: {  	v4 =	vperm.xlane v3, v0;
	_ =	sdelay $0x1  }
0xbe: {  	v4 =	vadd.s32 v1, v4;
	_ =	sdelay $0x3  }
0xbf: {  	s19 =	simm.s32 $0xC080  }
0xc0: {  	[tilespmem:s19], [sflag:$0x1] =	stream.indirect_vreg.gather [hbm4b:s2+s3], $0x80, v4, vm0, $0xb8;
	[tilespmem:$0x10080] =	vst v63  }
0xc1: {  	v3 =	vperm.xlane v3, v2;
	s19 =	simm.s32 $0xC880  }
0xc2: {  	[tilespmem:s19], [sflag:$0x1] =	stream.indirect_vreg.gather [hbm4b:s4+s3], $0x80, v4, vm0, $0xb8;
	[tilespmem:$0x10080] =	vst v63  }
0xc3: {  	v3 =	vadd.s32 v1, v3;
	s19 =	simm.s32 $0xD080  }
0xc4: {  	[tilespmem:s19], [sflag:$0x1] =	stream.indirect_vreg.gather [hbm4b:s5+s3], $0x80, v4, vm0, $0xb8;
	[tilespmem:$0x10080] =	vst v63  }
0xc5: {  	s19 =	simm.s32 $0xD880  }
0xc6: {  	[tilespmem:s19], [sflag:$0x1] =	stream.indirect_vreg.gather [hbm4b:s6+s3], $0x80, v4, vm0, $0xb8;
	[tilespmem:$0x10080] =	vst v63  }
0xc7: {  	s19 =	simm.s32 $0xE080  }
0xc8: {  	[tilespmem:s19], [sflag:$0x1] =	stream.indirect_vreg.gather [hbm4b:s2+s3], $0x80, v3, vm0, $0xb8;
	[tilespmem:$0x10080] =	vst v63  }
0xc9: {  	s19 =	simm.s32 $0xE880  }
0xca: {  	[tilespmem:s19], [sflag:$0x1] =	stream.indirect_vreg.gather [hbm4b:s4+s3], $0x80, v3, vm0, $0xb8;
	[tilespmem:$0x10080] =	vst v63  }
0xcb: {  	s19 =	simm.s32 $0xF080  }
0xcc: {  	[tilespmem:s19], [sflag:$0x1] =	stream.indirect_vreg.gather [hbm4b:s5+s3], $0x80, v3, vm0, $0xb8;
	[tilespmem:$0x10080] =	vst v63  }
0xcd: {  	s19 =	simm.s32 $0xF880  }
0xce: {  	[tilespmem:s19], [sflag:$0x1] =	stream.indirect_vreg.gather [hbm4b:s6+s3], $0x80, v3, vm0, $0xb8;
	[tilespmem:$0x10080] =	vst v63  }
0xcf: {  	_ =	swait.ge [sflag:s18], $0x10000  }
0xd0: {  	p0 =	sne.s32 s7, $0x1;
	[sflag:s18] =	ssyncset.done $0x0  }
.Ltmp0:
0xd1: {  	s1 =	rddreg [dreg:$0x6];
	[sflag:s18] =	ssyncadd.s32 $0xFFFF0000;
	(pc) =	sbr.rel @p0 .LBB2_1-.Ltmp0, $4  }
0xd2: {  	[hbm4b:s1+s3] =	stream.linear.scatter [tilespmem:s0], [sflag:$0x2], $0x10000, $0x38;
	[tilespmem:$0x10080] =	vst v63  }
0xd3: {  	_ =	swait.ge [sflag:s8], $0x10000  }
0xd4: {  	[sflag:s8] =	ssyncset.done $0x0  }
0xd5: {  	s7 =	sadd.s32 $0xFFFFFFFF, s7;
	[sflag:s8] =	ssyncadd.s32 $0xFFFF0000  }
0xd6: {  	_ =	sfence.sel $0x180000  }
0xd7: {  	[bflag:$0x0] =	sbarrier.arrive $0xFFFF  }
0xd8: {  	_ =	strace $0x90000047  }
0xd9: {  	s0 =	stileid.u32;
	[bflag:$0x2] =	sbarrier.arrive $0xFFFF  }
0xda: {  	p0 =	sne.s32 s0, $0x0;
	s0 =	rddreg [dreg:$0x2]  }
0xdb: {  	s0 =	sadd.s32 @!p0 $0x100000, s0  }
0xdc: {  	[sflag:s0] =	ssyncadd.tile.s32 @!p0 $0x1;
	_ =	shalt  }
.Lfunc_end2:
_tile_overlayer_lowered:
.L_overlay_start_2:
0xdd: {  	(tag) =	ssettag $0x2  }
0xde: {  	s0 =	rddreg [dreg:$0x0];
	s2 =	stileid.u32  }
0xdf: {  	s1 =	rddreg [dreg:$0x1];
	p0 =	sne.s32 s2, $0x0  }
0xe0: {  	s3 =	rddreg [dreg:$0x2];
	[bflag:$0x3] =	sbarrier.arrive $0xFFFF;
	s2 =	simm.s32 @!p0 $0x1C02  }
0xe1: {  	[timem:s3], [sflag:s2] =	dma.local @!p0 [hbm:s0], s1  }
0xe2: {  	s0 =	simm.s32 @!p0 $0x2  }
0xe3: {  	_ =	swait.ge @!p0 [sflag:s0], s1  }
0xe4: {  	s1 =	ssub.s32 @!p0 $0x0, s1;
	[sflag:s0] =	ssyncset.done @!p0 $0x0  }
0xe5: {  	[sflag:s0] =	ssyncadd.s32 @!p0 s1  }
0xe6: {  	[bflag:$0x3] =	sbarrier.arrive $0xFFFF  }
0xe7: {  	_ =	shalt  }

// kernel: kernel.15.cloned.1.call-start
scs
__scs_entry_jumppad:
0x0: {  	(pc) =	sbr.rel $0x88, $3  }
0x1: {  	(tag) =	ssettag $0x0;
	lr =	simm.s32 $0x1  }
0x2: {  	[smem:$0x3F94] =	sst lr;
	_ =	strace $0xD0000000  }
0x3: {  	_ = 	snop  }
0x4: {  	_ = 	snop  }
0x5: {  	_ = 	snop  }
0x6: {  	_ = 	snop  }
0x7: {  	_ = 	snop  }
__scs_overlays_trampoline_lowered:
0x8: {  	[smem:$0x3FA3] =	sst s0  }
0x9: {  	[smem:$0x3FA4] =	sst s1  }
0xa: {  	[smem:$0x3FA5] =	sst s2  }
0xb: {  	[smem:$0x3FA6] =	sst s3  }
0xc: {  	[smem:$0x3FA7] =	sst s4  }
0xd: {  	[smem:$0x3FA8] =	sst s5  }
0xe: {  	[smem:$0x3FA9] =	sst s6  }
0xf: {  	[smem:$0x3FAA] =	sst s7  }
0x10: {  	[smem:$0x3FAB] =	sst s8  }
0x11: {  	[smem:$0x3FAC] =	sst s9;
	s0 =	simm.s32 @!p0 $0x0  }
0x12: {  	s1 =	sld [smem:$0x3F92];
	s0 =	simm.s32 @p0 $0x1  }
0x13: {  	[smem:$0x3FAD] =	sst s0;
	s0 =	simm.s32 @!p1 $0x0  }
0x14: {  	s2 =	sld [smem:$0x3F91];
	s0 =	simm.s32 @p1 $0x1  }
0x15: {  	[smem:$0x3FAE] =	sst s0;
	s0 =	simm.s32 @!p2 $0x0  }
0x16: {  	s3 =	sld [smem:$0x3FDB];
	s0 =	simm.s32 @p2 $0x1  }
0x17: {  	s4 =	simm.s32 $0x1BF5;
	[smem:$0x3FB0] =	sst s0  }
0x18: {  	s0 =	sld [smem:$0x3F93];
	_ =	swait.ge [sflag:s4], $0x0  }
0x19: {  	s7 =	sld [smem:$0x3F94]  }
0x1a: {  	s8 =	sadd.s32 $0xFFFFE003, lr  }
0x1b: {  	s9 =	sadd.s32 $0xFFFFFEF7, lr;
	s5 =	simm.s32 $0xFFFFFFFF;
	p2 =	slt.u32 s8, $0xFFFFF086  }
0x1c: {  	p1 =	slt.u32 s9, $0xF7A;
	s5 =	simm.s32 @!p2 $0x0  }
0x1d: {  	s5 =	simm.s32 @p1 $0x1;
	p0 =	seq.s32 s7, s2  }
0x1e: {  	s7 =	smul.u32 @!p0 $0xF7A, s2;
	p2 =	seq.s32 @!p0 s5, $0x0  }
0x1f: {  	s9 =	smul.u32 $0xF7A, s1;
	s8 =	simm.s32 @!p0 $0x1BF5;
	p2 =	por !p2, p0  }
0x20: {  	[sflag:s8] =	ssyncset.s32 @!p0 $0xFFFFF086;
	s6 =	sadd.s32 @!p0 s3, s7;
	s7 =	simm.s32 @!p0 $0x108  }
0x21: {  	s3 =	sadd.s32 s3, s9;
	s6 =	sadd.s32 @!p0 $0x88, s6;
	s7 =	simm.s32 @p2 $0x1082  }
0x22: {  	[simem:s7], [sflag:s8] =	dma.local @!p0 [hbm:s6], $0xF7A  }
0x23: {  	s9 =	sor.u32 $0xD0000000, s2;
	s6 =	simm.s32 $0x108;
	_ =	swait.ge @!p0 [sflag:s8], $0x0  }
0x24: {  	s3 =	sadd.s32 $0x88, s3;
	s6 =	simm.s32 @!p1 $0x1082;
	[sflag:s4] =	ssyncset.s32 $0xFFFFF086  }
0x25: {  	[simem:s6], [sflag:s4] =	dma.local [hbm:s3], $0xF7A  }
0x26: {  	[smem:$0x3F94] =	sst s1;
	(tag) =	ssettag s2;
	_ =	strace s9  }
0x27: {  	s1 =	sld [smem:$0x3FA4]  }
0x28: {  	s2 =	sld [smem:$0x3FA5]  }
0x29: {  	s4 =	sld [smem:$0x3FA7]  }
0x2a: {  	p0 =	seq.s32 s5, $0x0;
	s5 =	sld [smem:$0x3FA8]  }
0x2b: {  	s6 =	sld [smem:$0x3FA9]  }
0x2c: {  	s7 =	sld [smem:$0x3FAA]  }
0x2d: {  	s3 =	simm.s32 $0x108;
	s8 =	sld [smem:$0x3FAB]  }
0x2e: {  	s3 =	simm.s32 @!p0 $0x1082;
	s9 =	sld [smem:$0x3FAC]  }
0x2f: {  	lr =	sadd.s32 s0, s3;
	s0 =	sld [smem:$0x3FA3]  }
0x30: {  	s3 =	sld [smem:$0x3FA6]  }
0x31: {  	[smem:$0x3FAF] =	sst s10  }
0x32: {  	s10 =	sld [smem:$0x3FAD];
	_ =	sdelay $0x3  }
0x33: {  	p0 =	seq.s32 s10, $0x1;
	s10 =	sld [smem:$0x3FAF];
	_ =	sdelay $0x3  }
0x34: {  	[smem:$0x3FAF] =	sst s10  }
0x35: {  	s10 =	sld [smem:$0x3FAE];
	_ =	sdelay $0x3  }
0x36: {  	p1 =	seq.s32 s10, $0x1;
	s10 =	sld [smem:$0x3FAF];
	_ =	sdelay $0x3  }
0x37: {  	[smem:$0x3FAF] =	sst s10  }
0x38: {  	s10 =	sld [smem:$0x3FB0]  }
0x39: {  	_ = 	snop;
	(pc) =	sbr.ind lr, $3  }
0x3a: {  	_ = 	snop  }
0x3b: {  	_ = 	snop  }
0x3c: {  	p2 =	seq.s32 s10, $0x1;
	s10 =	sld [smem:$0x3FAF]  }
0x3d: {  	_ =	shalt  }
0x3e: {  	_ =	shalt  }
0x3f: {  	_ =	shalt  }
0x40: {  	_ =	shalt  }
0x41: {  	_ =	shalt  }
0x42: {  	_ =	shalt  }
0x43: {  	_ =	shalt  }
0x44: {  	_ =	shalt  }
0x45: {  	_ =	shalt  }
0x46: {  	_ =	shalt  }
0x47: {  	_ =	shalt  }
0x48: {  	_ =	shalt  }
0x49: {  	_ =	shalt  }
0x4a: {  	_ =	shalt  }
0x4b: {  	_ =	shalt  }
0x4c: {  	_ =	shalt  }
0x4d: {  	_ =	shalt  }
0x4e: {  	_ =	shalt  }
0x4f: {  	_ =	shalt  }
0x50: {  	_ =	shalt  }
0x51: {  	_ =	shalt  }
0x52: {  	_ =	shalt  }
0x53: {  	_ =	shalt  }
0x54: {  	_ =	shalt  }
0x55: {  	_ =	shalt  }
0x56: {  	_ =	shalt  }
0x57: {  	_ =	shalt  }
0x58: {  	_ =	shalt  }
0x59: {  	_ =	shalt  }
0x5a: {  	_ =	shalt  }
0x5b: {  	_ =	shalt  }
0x5c: {  	_ =	shalt  }
0x5d: {  	_ =	shalt  }
0x5e: {  	_ =	shalt  }
0x5f: {  	_ =	shalt  }
0x60: {  	_ =	shalt  }
0x61: {  	_ =	shalt  }
0x62: {  	_ =	shalt  }
0x63: {  	_ =	shalt  }
0x64: {  	_ =	shalt  }
0x65: {  	_ =	shalt  }
0x66: {  	_ =	shalt  }
0x67: {  	_ =	shalt  }
0x68: {  	_ =	shalt  }
0x69: {  	_ =	shalt  }
0x6a: {  	_ =	shalt  }
0x6b: {  	_ =	shalt  }
0x6c: {  	_ =	shalt  }
0x6d: {  	_ =	shalt  }
0x6e: {  	_ =	shalt  }
0x6f: {  	_ =	shalt  }
0x70: {  	_ =	shalt  }
0x71: {  	_ =	shalt  }
0x72: {  	_ =	shalt  }
0x73: {  	_ =	shalt  }
0x74: {  	_ =	shalt  }
0x75: {  	_ =	shalt  }
0x76: {  	_ =	shalt  }
0x77: {  	_ =	shalt  }
0x78: {  	_ =	shalt  }
0x79: {  	_ =	shalt  }
0x7a: {  	_ =	shalt  }
0x7b: {  	_ =	shalt  }
0x7c: {  	_ =	shalt  }
0x7d: {  	_ =	shalt  }
0x7e: {  	_ =	shalt  }
0x7f: {  	_ =	shalt  }
0x80: {  	_ =	shalt  }
0x81: {  	_ =	shalt  }
0x82: {  	_ =	shalt  }
0x83: {  	_ =	shalt  }
0x84: {  	_ =	shalt  }
0x85: {  	_ =	shalt  }
0x86: {  	_ =	shalt  }
0x87: {  	_ =	shalt  }
.Lfunc_end0:
.L_simem_size_0:
called_computation.1_lowered:
.L_overlay_start_0:
0x88: {  	s2 =	sld [smem:$0x3FD9]  }
0x89: {  	s3 =	sld [smem:$0x3FFE];
	_ =	sdelay $0x1  }
0x8a: {  	s1 =	srdreg.scid  }
0x8b: {  	s0 =	sand.u32 $0x1, s1  }
0x8c: {  	s16 =	sshll.u32 s0, $0xA;
	s2 =	sadd.s32 s3, s2  }
0x8d: {  	s2 =	sadd.s32 s2, s16  }
0x8e: {  	[smem:$0x3FBB] =	sst s2  }
0x8f: {  	_ = 	snop  }
0x90: {  	(tm) =	ssettm $0x1  }
0x91: {  	s17 =	sld [smem:$0x3FFB];
	_ =	sdelay $0x3  }
0x92: {  	_ =	strace s17  }
0x93: {  	s2 =	sld [smem:$0x3FFC];
	_ =	sdelay $0x3  }
0x94: {  	_ =	strace s2  }
0x95: {  	s2 =	sld [smem:$0x3FFD];
	_ =	sdelay $0x3  }
0x96: {  	_ =	strace s2  }
0x97: {  	_ =	strace $0x8FFFFFFF  }
0x98: {  	s18 =	sld [smem:$0x3FDB];
	_ =	sdelay $0x1  }
0x99: {  	s19 =	simm.s32 $_scs_section_size  }
0x9a: {  	s4 =	simm.s32 $_size__tile_overlayer_lowered;
	s5 =	simm.s32 $_tile_overlayer_lowered  }
0x9b: {  	s22 =	simm.s32 $0x1BFF;
	s21 =	sshll.u32 s5, $0x1;
	s2 =	sadd.s32 s19, s18  }
0x9c: {  	s6 =	simm.s32 $0x0;
	s20 =	sshll.u32 s4, $0x1;
	s4 =	sadd.s32 s21, s2  }
0x9d: {  	[timem:s6], [sflag:s22] =	dma.local [hbm:s4], s20  }
0x9e: {  	_ =	swait.ge [sflag:s22], s20  }
0x9f: {  	s3 =	ssub.s32 $0x0, s20;
	[sflag:s22] =	ssyncset.done $0x0  }
0xa0: {  	[sflag:s22] =	ssyncadd.s32 s3;
	_ =	sdelay $0x1  }
0xa1: {  	s23 =	simm.s32 $0x1B8B  }
0xa2: {  	_ =	swait.ge [sflag:s23], $0x1  }
0xa3: {  	[sflag:s23] =	ssyncset.done $0x0  }
0xa4: {  	s25 =	simm.s32 $0x1B8E;
	s24 =	sld [smem:$0x3FFE];
	[sflag:s23] =	ssyncadd.s32 $0xFFFFFFFF  }
0xa5: {  	s26 =	simm.s32 $execute0_lowered;
	[smem:$0x3FD2] =	sst s25  }
0xa6: {  	s4 =	sshll.u32 s26, $0x1;
	_ =	strace $0x80000049;
	[dreg:$0x1] =	wrdreg $0xFFFFFFFF  }
0xa7: {  	s28 =	simm.s32 $_size_execute0_lowered;
	s2 =	sadd.s32 s2, s4;
	[dreg:$0x0] =	wrdreg $0x0  }
0xa8: {  	s4 =	sshll.u32 s28, $0x1;
	[dreg:$0x2] =	wrdreg s2  }
0xa9: {  	[dreg:$0x3] =	wrdreg s4  }
0xaa: {  	[dreg:$0x4] =	wrdreg $0xC0  }
0xab: {  	_ =	task [dreg:s6], $0x5FFFF  }
0xac: {  	[dreg:$0x1] =	wrdreg $0xFFFFFFFF  }
0xad: {  	[dreg:$0x0] =	wrdreg $0x60  }
0xae: {  	[dreg:$0x2] =	wrdreg s24  }
0xaf: {  	[dreg:$0x3] =	wrdreg $0x9  }
0xb0: {  	_ =	task.clear_ibuf [dreg:s6], $0x4FFFF;
	_ =	strace $0x90000049  }
0xb1: {  	s29 =	simm.s32 $0x9;
	_ =	strace $0x8000004B  }
0xb2: {  	_ =	swait.ge [sflag:s29], $0x1  }
0xb3: {  	[sflag:s29] =	ssyncadd.s32 $0xFFFFFFFF  }
0xb4: {  	_ =	strace $0x9000004B  }
0xb5: {  	_ =	sfence  }
0xb6: {  	s30 =	sld [smem:$0x0];
	_ =	sdelay $0x2  }
0xb7: {  	s31 =	sshll.u32 s1, $0xD;
	s1 =	sshrl.u32 s1, $0x2  }
0xb8: {  	s3 =	sand.u32 $0x4000, s31;
	s1 =	sadd.s32 s1, s30  }
0xb9: {  	s0 =	sor.u32 s3, s0;
	s1 =	sshll.u32 s1, $0x11  }
0xba: {  	s0 =	sor.u32 s1, s0  }
0xbb: {  	s0 =	sadd.s32 $0x8F2B, s0  }
0xbc: {  	[sflag:s0] =	ssyncadd.remote.s32 $0x1  }
0xbd: {  	_ =	sfence.sel $0xFFFF  }
0xbe: {  	[dreg:$0x0] =	wrdreg $0xFFFFFFFF;
	(pc) =	sbr.abs _section_cstart, $3  }
0xbf: {  	[dreg:$0x1] =	wrdreg $0xFFFFFFFF  }
0xc0: {  	_ =	task.clear_ibuf [dreg:s6], $0x2FFFF;
	_ =	strace $0x9FFFFFFF  }
0xc1: {  	(tm) =	ssettm $0x7FFFFFFF  }
tec
execute0_lowered:
.L_overlay_start_1:
0x0: {  	(tag) =	ssettag $0x1  }
0x1: {  	s1 =	srdreg.scid  }
0x2: {  	s0 =	stileid.u32;
	s6 =	rddreg [dreg:$0x0]  }
0x3: {  	s19 =	simm.s32 $0x880;
	s20 =	simm.s32 $0x1080;
	s21 =	simm.s32 $0x1880  }
0x4: {  	s22 =	simm.s32 $0x2080;
	s23 =	simm.s32 $0x2880;
	s7 =	simm.s32 $0x3080  }
0x5: {  	s24 =	simm.s32 $0x3880;
	s8 =	simm.s32 $0x4080;
	s25 =	simm.s32 $0x4880  }
0x6: {  	s26 =	simm.s32 $0x5080;
	s9 =	simm.s32 $0x80;
	s1 =	sand.u32 $0x1, s1  }
0x7: {  	s11 =	simm.s32 $0x6080;
	s2 =	sshll.u32 s0, $0x7;
	s3 =	sshll.u32 s1, $0x6  }
0x8: {  	s12 =	simm.s32 $0x6880;
	s3 =	sor.u32 s3, s2;
	s2 =	simm.s32 $0x0  }
0x9: {  	s13 =	simm.s32 $0x7080;
	s14 =	simm.s32 $0x7880;
	[smem:$0x7FF] =	sst s2  }
0xa: {  	s15 =	simm.s32 $0x8080;
	_ =	strace $0x8000004A;
	[dreg:$0x4] =	wrdreg s19  }
0xb: {  	s16 =	simm.s32 $0x8880;
	s17 =	simm.s32 $0x9080;
	[dreg:$0x5] =	wrdreg s20  }
0xc: {  	s18 =	simm.s32 $0x9880;
	s28 =	simm.s32 $0xE080;
	[dreg:$0x6] =	wrdreg s21  }
0xd: {  	s29 =	simm.s32 $0xE880;
	s30 =	simm.s32 $0xF080;
	[dreg:$0x7] =	wrdreg s22  }
0xe: {  	s31 =	simm.s32 $0xF880;
	s1 =	ssub.s32 $0x2, s1;
	[dreg:$0x8] =	wrdreg s23  }
0xf: {  	s5 =	sshrl.u32 s1, $0x1;
	s4 =	sshrl.u32 s3, $0x3;
	[dreg:$0x9] =	wrdreg s7  }
0x10: {  	s3 =	sshll.u32 s3, $0x7;
	s1 =	ssub.s32 s1, s5;
	[dreg:$0xa] =	wrdreg s24  }
0x11: {  	s5 =	sadd.s32 $0x81E00, s6;
	s4 =	sadd.s32 s4, s6;
	[dreg:$0xb] =	wrdreg s8  }
0x12: {  	s3 =	sadd.s32 s3, s6;
	s7 =	smax.u32 s1, $0x1;
	[dreg:$0xc] =	wrdreg s25  }
0x13: {  	s8 =	simm.s32 $0x2;
	[dreg:$0xd] =	wrdreg s26;
	s19 =	simm.s32 $0xA080  }
0x14: {  	s20 =	simm.s32 $0xA880;
	s21 =	simm.s32 $0xB080;
	s22 =	simm.s32 $0xB880  }
0x15: {  	s23 =	simm.s32 $0xC080;
	s24 =	simm.s32 $0xC880;
	s4 =	sadd.s32 $0x81A00, s4  }
0x16: {  	v2 =	vlaneseq.u32;
	s25 =	simm.s32 $0xD080;
	s3 =	sadd.s32 $0x1800, s3;
	[dreg:$0x2] =	wrdreg s4  }
0x17: {  	vm0 =	vmmov $0xffff;
	v1 =	vshrl.u32 v2, $0x3;
	s26 =	simm.s32 $0xD880;
	s1 =	simm.s32 $0x1;
	[dreg:$0x3] =	wrdreg s3  }
0x18: {  	v0 =	vand.u32 $0x7, v2;
	v2 =	vor.u32 $0x8, v2;
	v1 =	vmul.u32 $0x8, v1;
	s3 =	sadd.s32 $0x81C00, s6;
	s4 =	sadd.s32 $0x81D00, s6;
	s6 =	sadd.s32 $0x81F00, s6  }
.LBB2_1:
0x19: {  	s0 =	rddreg [dreg:$0x2]  }
0x1a: {  	[tilespmem:s2], [sflag:$0x2] =	stream.linear.gather [hbm4b:s0+s2], $0x40, $0x38;
	[tilespmem:$0x10080] =	vst v63  }
0x1b: {  	_ =	swait.ge [sflag:s8], $0x40  }
0x1c: {  	[sflag:s8] =	ssyncset.done $0x0  }
0x1d: {  	s10 =	rddreg [dreg:$0x3];
	[sflag:s8] =	ssyncadd.s32 $0xFFFFFFC0  }
0x1e: {  	[tilespmem:s9], [sflag:$0x2] =	stream.linear.gather [hbm4b:s10+s2], $0x10000, $0x38;
	[tilespmem:$0x10080] =	vst v63  }
0x1f: {  	_ =	swait.ge [sflag:s8], $0x10000  }
0x20: {  	[sflag:s8] =	ssyncset.done $0x0  }
0x21: {  	[sflag:s8] =	ssyncadd.s32 $0xFFFF0000  }
0x22: {  	v3 =	vld [tilespmem:$0x0];
	_ =	sdelay $0x4  }
0x23: {  	v4 =	vshll.u32 v3, $0x3  }
0x24: {  	v3 =	vand.u32 $0x7, v3;
	v4 =	vand.u32 $0xFFFFFFC0, v4  }
0x25: {  	v3 =	vor.u32 v3, v4  }
0x26: {  	v4 =	vperm.xlane v3, v0;
	_ =	sdelay $0x1  }
0x27: {  	v4 =	vadd.s32 v1, v4;
	_ =	sdelay $0x4  }
0x28: {  	[hbm4b:s3+s2] =	stream.indirect_vreg.scatter [tilespmem:s9], [sflag:$0x1], $0x80, v4, vm0, $0xb8;
	[tilespmem:$0x10080] =	vst v63  }
0x29: {  	s0 =	rddreg [dreg:$0x4];
	v3 =	vperm.xlane v3, v2  }
0x2a: {  	[hbm4b:s4+s2] =	stream.indirect_vreg.scatter [tilespmem:s0], [sflag:$0x1], $0x80, v4, vm0, $0xb8;
	[tilespmem:$0x10080] =	vst v63  }
0x2b: {  	s10 =	rddreg [dreg:$0x5];
	v3 =	vadd.s32 v1, v3  }
0x2c: {  	[hbm4b:s5+s2] =	stream.indirect_vreg.scatter [tilespmem:s10], [sflag:$0x1], $0x80, v4, vm0, $0xb8;
	[tilespmem:$0x10080] =	vst v63  }
0x2d: {  	s0 =	rddreg [dreg:$0x6]  }
0x2e: {  	[hbm4b:s6+s2] =	stream.indirect_vreg.scatter [tilespmem:s0], [sflag:$0x1], $0x80, v4, vm0, $0xb8;
	[tilespmem:$0x10080] =	vst v63  }
0x2f: {  	s10 =	rddreg [dreg:$0x7]  }
0x30: {  	[hbm4b:s3+s2] =	stream.indirect_vreg.scatter [tilespmem:s10], [sflag:$0x1], $0x80, v3, vm0, $0xb8;
	[tilespmem:$0x10080] =	vst v63  }
0x31: {  	s0 =	rddreg [dreg:$0x8]  }
0x32: {  	[hbm4b:s4+s2] =	stream.indirect_vreg.scatter [tilespmem:s0], [sflag:$0x1], $0x80, v3, vm0, $0xb8;
	[tilespmem:$0x10080] =	vst v63  }
0x33: {  	s10 =	rddreg [dreg:$0x9]  }
0x34: {  	[hbm4b:s5+s2] =	stream.indirect_vreg.scatter [tilespmem:s10], [sflag:$0x1], $0x80, v3, vm0, $0xb8;
	[tilespmem:$0x10080] =	vst v63  }
0x35: {  	s0 =	rddreg [dreg:$0xa]  }
0x36: {  	[hbm4b:s6+s2] =	stream.indirect_vreg.scatter [tilespmem:s0], [sflag:$0x1], $0x80, v3, vm0, $0xb8;
	[tilespmem:$0x10080] =	vst v63  }
0x37: {  	v3 =	vld [tilespmem:$0x10];
	_ =	sdelay $0x4  }
0x38: {  	v61 =	vshll.u32 v3, $0x3  }
0x39: {  	v3 =	vand.u32 $0x7, v3;
	v4 =	vand.u32 $0xFFFFFFC0, v61  }
0x3a: {  	v3 =	vor.u32 v3, v4  }
0x3b: {  	v4 =	vperm.xlane v3, v0;
	_ =	sdelay $0x1  }
0x3c: {  	v4 =	vadd.s32 v1, v4;
	_ =	sdelay $0x3  }
0x3d: {  	s0 =	rddreg [dreg:$0xb]  }
0x3e: {  	[hbm4b:s3+s2] =	stream.indirect_vreg.scatter [tilespmem:s0], [sflag:$0x1], $0x80, v4, vm0, $0xb8;
	[tilespmem:$0x10080] =	vst v63  }
0x3f: {  	s10 =	rddreg [dreg:$0xc];
	v3 =	vperm.xlane v3, v2  }
0x40: {  	[hbm4b:s4+s2] =	stream.indirect_vreg.scatter [tilespmem:s10], [sflag:$0x1], $0x80, v4, vm0, $0xb8;
	[tilespmem:$0x10080] =	vst v63  }
0x41: {  	v3 =	vadd.s32 v1, v3;
	s0 =	rddreg [dreg:$0xd]  }
0x42: {  	[hbm4b:s5+s2] =	stream.indirect_vreg.scatter [tilespmem:s0], [sflag:$0x1], $0x80, v4, vm0, $0xb8;
	[tilespmem:$0x10080] =	vst v63  }
0x43: {  	s10 =	simm.s32 $0x5880  }
0x44: {  	[hbm4b:s6+s2] =	stream.indirect_vreg.scatter [tilespmem:s10], [sflag:$0x1], $0x80, v4, vm0, $0xb8;
	[tilespmem:$0x10080] =	vst v63  }
0x45: {  	_ = 	snop  }
0x46: {  	[hbm4b:s3+s2] =	stream.indirect_vreg.scatter [tilespmem:s11], [sflag:$0x1], $0x80, v3, vm0, $0xb8;
	[tilespmem:$0x10080] =	vst v63  }
0x47: {  	_ = 	snop  }
0x48: {  	[hbm4b:s4+s2] =	stream.indirect_vreg.scatter [tilespmem:s12], [sflag:$0x1], $0x80, v3, vm0, $0xb8;
	[tilespmem:$0x10080] =	vst v63  }
0x49: {  	_ = 	snop  }
0x4a: {  	[hbm4b:s5+s2] =	stream.indirect_vreg.scatter [tilespmem:s13], [sflag:$0x1], $0x80, v3, vm0, $0xb8;
	[tilespmem:$0x10080] =	vst v63  }
0x4b: {  	_ = 	snop  }
0x4c: {  	[hbm4b:s6+s2] =	stream.indirect_vreg.scatter [tilespmem:s14], [sflag:$0x1], $0x80, v3, vm0, $0xb8;
	[tilespmem:$0x10080] =	vst v63  }
0x4d: {  	v3 =	vld [tilespmem:$0x20];
	_ =	sdelay $0x4  }
0x4e: {  	v62 =	vshll.u32 v3, $0x3  }
0x4f: {  	v3 =	vand.u32 $0x7, v3;
	v4 =	vand.u32 $0xFFFFFFC0, v62  }
0x50: {  	v3 =	vor.u32 v3, v4  }
0x51: {  	v4 =	vperm.xlane v3, v0;
	_ =	sdelay $0x1  }
0x52: {  	v4 =	vadd.s32 v1, v4;
	_ =	sdelay $0x4  }
0x53: {  	[hbm4b:s3+s2] =	stream.indirect_vreg.scatter [tilespmem:s15], [sflag:$0x1], $0x80, v4, vm0, $0xb8;
	[tilespmem:$0x10080] =	vst v63  }
0x54: {  	v3 =	vperm.xlane v3, v2  }
0x55: {  	[hbm4b:s4+s2] =	stream.indirect_vreg.scatter [tilespmem:s16], [sflag:$0x1], $0x80, v4, vm0, $0xb8;
	[tilespmem:$0x10080] =	vst v63  }
0x56: {  	v3 =	vadd.s32 v1, v3  }
0x57: {  	[hbm4b:s5+s2] =	stream.indirect_vreg.scatter [tilespmem:s17], [sflag:$0x1], $0x80, v4, vm0, $0xb8;
	[tilespmem:$0x10080] =	vst v63  }
0x58: {  	_ = 	snop  }
0x59: {  	[hbm4b:s6+s2] =	stream.indirect_vreg.scatter [tilespmem:s18], [sflag:$0x1], $0x80, v4, vm0, $0xb8;
	[tilespmem:$0x10080] =	vst v63  }
0x5a: {  	_ = 	snop  }
0x5b: {  	[hbm4b:s3+s2] =	stream.indirect_vreg.scatter [tilespmem:s19], [sflag:$0x1], $0x80, v3, vm0, $0xb8;
	[tilespmem:$0x10080] =	vst v63  }
0x5c: {  	_ = 	snop  }
0x5d: {  	[hbm4b:s4+s2] =	stream.indirect_vreg.scatter [tilespmem:s20], [sflag:$0x1], $0x80, v3, vm0, $0xb8;
	[tilespmem:$0x10080] =	vst v63  }
0x5e: {  	_ = 	snop  }
0x5f: {  	[hbm4b:s5+s2] =	stream.indirect_vreg.scatter [tilespmem:s21], [sflag:$0x1], $0x80, v3, vm0, $0xb8;
	[tilespmem:$0x10080] =	vst v63  }
0x60: {  	_ = 	snop  }
0x61: {  	[hbm4b:s6+s2] =	stream.indirect_vreg.scatter [tilespmem:s22], [sflag:$0x1], $0x80, v3, vm0, $0xb8;
	[tilespmem:$0x10080] =	vst v63  }
0x62: {  	v3 =	vld [tilespmem:$0x30];
	_ =	sdelay $0x4  }
0x63: {  	v63 =	vshll.u32 v3, $0x3  }
0x64: {  	v3 =	vand.u32 $0x7, v3;
	v4 =	vand.u32 $0xFFFFFFC0, v63  }
0x65: {  	v3 =	vor.u32 v3, v4  }
0x66: {  	v4 =	vperm.xlane v3, v0;
	_ =	sdelay $0x1  }
0x67: {  	v4 =	vadd.s32 v1, v4;
	_ =	sdelay $0x4  }
0x68: {  	[hbm4b:s3+s2] =	stream.indirect_vreg.scatter [tilespmem:s23], [sflag:$0x1], $0x80, v4, vm0, $0xb8;
	[tilespmem:$0x10080] =	vst v63  }
0x69: {  	v3 =	vperm.xlane v3, v2  }
0x6a: {  	[hbm4b:s4+s2] =	stream.indirect_vreg.scatter [tilespmem:s24], [sflag:$0x1], $0x80, v4, vm0, $0xb8;
	[tilespmem:$0x10080] =	vst v63  }
0x6b: {  	v3 =	vadd.s32 v1, v3  }
0x6c: {  	[hbm4b:s5+s2] =	stream.indirect_vreg.scatter [tilespmem:s25], [sflag:$0x1], $0x80, v4, vm0, $0xb8;
	[tilespmem:$0x10080] =	vst v63  }
0x6d: {  	_ = 	snop  }
0x6e: {  	[hbm4b:s6+s2] =	stream.indirect_vreg.scatter [tilespmem:s26], [sflag:$0x1], $0x80, v4, vm0, $0xb8;
	[tilespmem:$0x10080] =	vst v63  }
0x6f: {  	_ = 	snop  }
0x70: {  	[hbm4b:s3+s2] =	stream.indirect_vreg.scatter [tilespmem:s28], [sflag:$0x1], $0x80, v3, vm0, $0xb8;
	[tilespmem:$0x10080] =	vst v63  }
0x71: {  	_ = 	snop  }
0x72: {  	[hbm4b:s4+s2] =	stream.indirect_vreg.scatter [tilespmem:s29], [sflag:$0x1], $0x80, v3, vm0, $0xb8;
	[tilespmem:$0x10080] =	vst v63  }
0x73: {  	p0 =	sne.s32 s7, $0x1  }
0x74: {  	[hbm4b:s5+s2] =	stream.indirect_vreg.scatter [tilespmem:s30], [sflag:$0x1], $0x80, v3, vm0, $0xb8;
	[tilespmem:$0x10080] =	vst v63  }
.Ltmp0:
0x75: {  	_ = 	snop;
	(pc) =	sbr.rel @p0 .LBB2_1-.Ltmp0, $4  }
0x76: {  	[hbm4b:s6+s2] =	stream.indirect_vreg.scatter [tilespmem:s31], [sflag:$0x1], $0x80, v3, vm0, $0xb8;
	[tilespmem:$0x10080] =	vst v63  }
0x77: {  	_ =	swait.ge [sflag:s1], $0x10000  }
0x78: {  	[sflag:s1] =	ssyncset.done $0x0  }
0x79: {  	s7 =	sadd.s32 $0xFFFFFFFF, s7;
	[sflag:s1] =	ssyncadd.s32 $0xFFFF0000  }
0x7a: {  	_ =	sfence.sel $0x180000  }
0x7b: {  	[bflag:$0x0] =	sbarrier.arrive $0xFFFF  }
0x7c: {  	_ =	strace $0x9000004A  }
0x7d: {  	s0 =	stileid.u32;
	[bflag:$0x2] =	sbarrier.arrive $0xFFFF  }
0x7e: {  	p0 =	sne.s32 s0, $0x0;
	s0 =	rddreg [dreg:$0x1]  }
0x7f: {  	s0 =	sadd.s32 @!p0 $0x100000, s0  }
0x80: {  	[sflag:s0] =	ssyncadd.tile.s32 @!p0 $0x1;
	_ =	shalt  }
.Lfunc_end2:
_tile_overlayer_lowered:
.L_overlay_start_2:
0x81: {  	(tag) =	ssettag $0x2  }
0x82: {  	s0 =	rddreg [dreg:$0x0];
	s2 =	stileid.u32  }
0x83: {  	s1 =	rddreg [dreg:$0x1];
	p0 =	sne.s32 s2, $0x0  }
0x84: {  	s3 =	rddreg [dreg:$0x2];
	[bflag:$0x3] =	sbarrier.arrive $0xFFFF;
	s2 =	simm.s32 @!p0 $0x1C02  }
0x85: {  	[timem:s3], [sflag:s2] =	dma.local @!p0 [hbm:s0], s1  }
0x86: {  	s0 =	simm.s32 @!p0 $0x2  }
0x87: {  	_ =	swait.ge @!p0 [sflag:s0], s1  }
0x88: {  	s1 =	ssub.s32 @!p0 $0x0, s1;
	[sflag:s0] =	ssyncset.done @!p0 $0x0  }
0x89: {  	[sflag:s0] =	ssyncadd.s32 @!p0 s1  }
0x8a: {  	[bflag:$0x3] =	sbarrier.arrive $0xFFFF  }
0x8b: {  	_ =	shalt  }

</sc_bundles>
